<compile_context>
chip_gen: v7x
topology: tpu7x:2x2x1
jax: 0.10.2.dev20260603
libtpu: 0.0.44.dev20260713+nightly
codegen_flags: <defaults>
</compile_context>

<pallas_src>
import jax
import jax.numpy as jnp
from jax import lax
from jax.experimental import pallas as pl
from jax.experimental.pallas import tpu as pltpu
from jax.experimental.pallas import tpu_sc as plsc

N_NODES = 10000
N_EDGES = 320000
D = 128

NC = 2
NS = 16
NW = NC * NS
CHUNK = 128
NBUF = 2
RB = 4

N_PAD = ((N_NODES + NS * 8 - 1) // (NS * 8)) * (NS * 8)
_CPW_MIN = (N_EDGES + NW * CHUNK - 1) // (NW * CHUNK)
CPW = -(-_CPW_MIN // RB) * RB
CPW0 = 3 * CPW // 2
CPW1 = 2 * CPW - CPW0
N_CHUNKS = NS * (CPW0 + CPW1)
E_PAD = N_CHUNKS * CHUNK
ROWS_PER_TILE = N_PAD // NS


def _sc_body(srcf, dstf, x_hbm, z_deg, z_rows, summed_hbm, deg_hbm, *rest):
    isrc_v = rest[:RB]
    idst_v = rest[RB:2 * RB]
    rows_v = rest[2 * RB:2 * RB + NBUF]
    deg_v = rest[2 * RB + NBUF]
    summed_sh = rest[2 * RB + NBUF + 1]
    sems = rest[2 * RB + NBUF + 2:]
    isems = sems[:RB]
    idsems = sems[RB:2 * RB]
    gsems = sems[2 * RB:2 * RB + NBUF]
    ssems = sems[2 * RB + NBUF:]

    c = lax.axis_index("c")
    s = lax.axis_index("s")
    wid = s * NC + c

    ones16 = jnp.ones((16,), jnp.float32)

    pltpu.sync_copy(z_deg, deg_v)
    pltpu.sync_copy(z_rows, summed_sh.at[pl.ds(s * ROWS_PER_TILE, ROWS_PER_TILE)])

    plsc.subcore_barrier()

    def _make_ifire(gbase):
        def _ifire(i, slot):
            off = (gbase + i) * CHUNK
            pltpu.async_copy(srcf.at[pl.ds(off, CHUNK)], isrc_v[slot],
                             isems[slot])
            pltpu.async_copy(dstf.at[pl.ds(off, CHUNK)], idst_v[slot],
                             idsems[slot])
        return _ifire

    def _iwait_src(slot):
        pltpu.make_async_copy(srcf.at[pl.ds(0, CHUNK)], isrc_v[slot],
                              isems[slot]).wait()

    def _iwait_dst(slot):
        pltpu.make_async_copy(dstf.at[pl.ds(0, CHUNK)], idst_v[slot],
                              idsems[slot]).wait()

    def _gfire(slot, b):
        pltpu.async_copy(x_hbm.at[isrc_v[slot]], rows_v[b], gsems[b])

    def _gwait(b):
        pltpu.make_async_copy(x_hbm.at[isrc_v[0]], rows_v[b], gsems[b]).wait()

    def _sfire(slot, b):
        pltpu.async_copy(rows_v[b], summed_sh.at[idst_v[slot]],
                         ssems[b], add=True)

    def _swait(b):
        pltpu.make_async_copy(rows_v[b], summed_sh.at[idst_v[0]],
                              ssems[b]).wait()

    def _count_deg(slot):
        for j in range(CHUNK // 16):
            idx16 = idst_v[slot][pl.ds(j * 16, 16)]
            plsc.addupdate_scatter(deg_v, [idx16], ones16)

    def _edge_pipeline(cpw, gbase):
        _ifire = _make_ifire(gbase)

        def _step(b, ifire_chunk=None, fire_gather=True):
            _iwait_dst(b)
            _gwait(b % NBUF)
            _sfire(b, b % NBUF)
            _count_deg(b)
            _swait(b % NBUF)
            if ifire_chunk is not None:
                _ifire(ifire_chunk, b)
            if fire_gather:
                _iwait_src((b + 2) % RB)
                _gfire((b + 2) % RB, (b + 2) % NBUF)

        for b in range(RB):
            _ifire(b, b)
        for b in range(2):
            _iwait_src(b)
            _gfire(b, b)

        for b in range(RB):
            _step(b, ifire_chunk=RB + b)

        def _edge(t, _):
            for b in range(RB):
                _step(b, ifire_chunk=t * RB + 2 * RB + b)
            return 0
        lax.fori_loop(0, cpw // RB - 2, _edge, 0)

        for b in range(RB):
            _step(b, fire_gather=(b < RB - 2))

    @pl.when(c == 0)
    def _():
        _edge_pipeline(CPW0, s * CPW0)

    @pl.when(c == 1)
    def _():
        _edge_pipeline(CPW1, NS * CPW0 + s * CPW1)

    pltpu.sync_copy(deg_v, deg_hbm.at[wid])

    plsc.subcore_barrier()

    r0 = s * ROWS_PER_TILE
    pltpu.sync_copy(summed_sh.at[pl.ds(r0, ROWS_PER_TILE)],
                    summed_hbm.at[pl.ds(c * N_PAD + r0, ROWS_PER_TILE)])


_sc_scatter = pl.kernel(
    _sc_body,
    out_type=(
        jax.ShapeDtypeStruct((NC * N_PAD, D), jnp.float32),
        jax.ShapeDtypeStruct((NW, N_PAD), jnp.float32),
    ),
    mesh=plsc.VectorSubcoreMesh(core_axis_name="c", subcore_axis_name="s"),
    scratch_types=(
        (pltpu.VMEM((CHUNK,), jnp.int32),) * (2 * RB)
        + (pltpu.VMEM((CHUNK, D), jnp.float32),) * NBUF
        + (
            pltpu.VMEM((N_PAD,), jnp.float32),
            pltpu.VMEM_SHARED((N_PAD, D), jnp.float32),
        )
        + (pltpu.SemaphoreType.DMA,) * (2 * RB + 2 * NBUF)
    ),
    compiler_params=pltpu.CompilerParams(needs_layout_passes=False),
)


def _tc_body(x_ref, summed_ref, degt_ref, wst_ref, wnt_ref, bias_ref, out_ref):
    ssum = summed_ref[:N_PAD, :] + summed_ref[N_PAD:, :]
    deg = jnp.sum(degt_ref[...], axis=1, keepdims=True)
    neigh = ssum * (1.0 / jnp.maximum(deg, 1.0))
    out_ref[...] = (
        jnp.dot(x_ref[...], wst_ref[...], preferred_element_type=jnp.float32)
        + jnp.dot(neigh, wnt_ref[...], preferred_element_type=jnp.float32)
        + bias_ref[...]
    )


_tc_epilogue = pl.pallas_call(
    _tc_body,
    out_shape=jax.ShapeDtypeStruct((N_PAD, D), jnp.float32),
)


def kernel(x, edge_index, W_self, W_neigh, bias):
    src = edge_index[0].astype(jnp.int32)
    dst = edge_index[1].astype(jnp.int32)
    x_pad = jnp.pad(x, ((0, N_PAD - N_NODES), (0, 0)))
    src_p = jnp.pad(src, (0, E_PAD - N_EDGES), constant_values=N_NODES)
    dst_p = jnp.pad(dst, (0, E_PAD - N_EDGES), constant_values=N_NODES)
    z_deg = jnp.zeros((N_PAD,), jnp.float32)
    z_rows = jnp.zeros((ROWS_PER_TILE, D), jnp.float32)

    summed, deg = _sc_scatter(src_p, dst_p, x_pad, z_deg, z_rows)
    out = _tc_epilogue(x_pad, summed, deg.T, W_self.T, W_neigh.T,
                       bias.reshape(1, D))
    return out[:N_NODES]

# --- scband reference (transcript-rebuilt; emitter-appended) ---
"""Pipeline reference for scband-acmsage-42021960024313 (READ-ONLY COPY).

The authoritative reference and input builder live on the scoring server;
editing this copy changes nothing except your own understanding.
"""

import jax, jax.numpy as jnp
import numpy as np

N_NODES = 10000
N_EDGES = 320000
D_IN = 128
D_OUT = 128


def setup_inputs(seed: int = 0) -> dict:
    key = jax.random.key(seed)
    k1, k2, k3, k4 = jax.random.split(key, 4)
    x = jax.random.normal(k1, (N_NODES, D_IN), dtype=jnp.float32)
    edge_index = jax.random.randint(k2, (2, N_EDGES), 0, N_NODES, dtype=jnp.int64)
    # xavier_uniform with gain = calculate_gain('relu') = sqrt(2)
    gain = float(np.sqrt(2.0))
    bound = gain * float(np.sqrt(6.0 / (D_IN + D_OUT)))
    W_self = jax.random.uniform(k3, (D_OUT, D_IN), minval=-bound, maxval=bound, dtype=jnp.float32)
    W_neigh = jax.random.uniform(k4, (D_OUT, D_IN), minval=-bound, maxval=bound, dtype=jnp.float32)
    bias = jnp.zeros((D_OUT,), dtype=jnp.float32)
    return {"x": x, "edge_index": edge_index, "W_self": W_self, "W_neigh": W_neigh, "bias": bias}


def reference(x, edge_index, W_self, W_neigh, bias):
    # ACMSAGE forward: aggregator_type='mean', pass_type='low', feat_drop=0,
    # norm=None, activation=None. in_feats == out_feats so lin_before_mp=False.
    src = edge_index[0]
    dst = edge_index[1]
    n_nodes = x.shape[0]
    # copy_src('h','m') then fn.mean('m','neigh'): mean of src features over in-edges of dst
    msgs = jnp.take(x, src, axis=0)
    summed = jax.ops.segment_sum(msgs, dst, num_segments=n_nodes)
    deg = jax.ops.segment_sum(jnp.ones((src.shape[0],), dtype=x.dtype), dst, num_segments=n_nodes)
    neigh = summed / jnp.maximum(deg, 1.0)[:, None]  # zero-degree dst -> 0 (DGL mean semantics)
    # lin_before_mp is False -> apply fc_neigh after aggregation
    h_neigh = neigh @ W_neigh.T
    h_self = x
    rst = h_self @ W_self.T + h_neigh
    rst = rst + bias
    return rst

if __name__ == "__main__":
    import jax
    _d = setup_inputs()
    print(jax.jit(kernel)(*tuple(_d.values())))

</pallas_src>

<mosaic_0001>
#map = affine_map<(d0, d1) -> (0)>
#map1 = affine_map<(d0, d1) -> (0, 0)>
module attributes {stable_mosaic.version = 14 : i64} {
  func.func @_sc_body(%arg0: i32, %arg1: i32, %arg2: memref<327680xi32, #tpu.memory_space<hbm>>, %arg3: memref<327680xi32, #tpu.memory_space<hbm>>, %arg4: memref<10112x128xf32, #tpu.memory_space<hbm>>, %arg5: memref<10112xf32, #tpu.memory_space<hbm>>, %arg6: memref<632x128xf32, #tpu.memory_space<hbm>>, %arg7: memref<20224x128xf32, #tpu.memory_space<hbm>>, %arg8: memref<32x10112xf32, #tpu.memory_space<hbm>>, %arg9: memref<128xi32, #tpu.memory_space<vmem>>, %arg10: memref<128xi32, #tpu.memory_space<vmem>>, %arg11: memref<128xi32, #tpu.memory_space<vmem>>, %arg12: memref<128xi32, #tpu.memory_space<vmem>>, %arg13: memref<128xi32, #tpu.memory_space<vmem>>, %arg14: memref<128xi32, #tpu.memory_space<vmem>>, %arg15: memref<128xi32, #tpu.memory_space<vmem>>, %arg16: memref<128xi32, #tpu.memory_space<vmem>>, %arg17: memref<128x128xf32, #tpu.memory_space<vmem>>, %arg18: memref<128x128xf32, #tpu.memory_space<vmem>>, %arg19: memref<10112xf32, #tpu.memory_space<vmem>>, %arg20: memref<10112x128xf32, #tpu.memory_space<vmem_shared>>, %arg21: memref<!tpu.dma_semaphore, #tpu.memory_space<semaphore_mem>>, %arg22: memref<!tpu.dma_semaphore, #tpu.memory_space<semaphore_mem>>, %arg23: memref<!tpu.dma_semaphore, #tpu.memory_space<semaphore_mem>>, %arg24: memref<!tpu.dma_semaphore, #tpu.memory_space<semaphore_mem>>, %arg25: memref<!tpu.dma_semaphore, #tpu.memory_space<semaphore_mem>>, %arg26: memref<!tpu.dma_semaphore, #tpu.memory_space<semaphore_mem>>, %arg27: memref<!tpu.dma_semaphore, #tpu.memory_space<semaphore_mem>>, %arg28: memref<!tpu.dma_semaphore, #tpu.memory_space<semaphore_mem>>, %arg29: memref<!tpu.dma_semaphore, #tpu.memory_space<semaphore_mem>>, %arg30: memref<!tpu.dma_semaphore, #tpu.memory_space<semaphore_mem>>, %arg31: memref<!tpu.dma_semaphore, #tpu.memory_space<semaphore_mem>>, %arg32: memref<!tpu.dma_semaphore, #tpu.memory_space<semaphore_mem>>) attributes {dimension_semantics = [#tpu.dimension_semantics<core_parallel>, #tpu.dimension_semantics<subcore_parallel>], iteration_bounds = array<i64: 2, 16>, scalar_prefetch = 0 : i64, scratch_operands = 24 : i64, tpu.core_type = #tpu.core_type<sc_vector_subcore>, window_params = [{transform_indices = #map}, {transform_indices = #map}, {transform_indices = #map1}, {transform_indices = #map}, {transform_indices = #map1}, {transform_indices = #map1}, {transform_indices = #map1}]} {
    %mul3A = arith.constant 2 : i32
    %mul3A_0 = arith.muli %arg1, %mul3A : i32
    %add3A = arith.addi %mul3A_0, %arg0 : i32
    %broadcast_in_dim3A = arith.constant 1.000000e+00 : f32
    %broadcast_in_dim3A_1 = vector.broadcast %broadcast_in_dim3A : f32 to vector<16xf32>
    "tpu.region"() ({
      %run_scoped3A = tpu.sem_alloc : memref<!tpu.dma_semaphore, #tpu.memory_space<semaphore_mem>>
      tpu.enqueue_dma source(%arg5 : memref<10112xf32, #tpu.memory_space<hbm>>) target(%arg19 : memref<10112xf32, #tpu.memory_space<vmem>>) target_semaphore(%run_scoped3A : memref<!tpu.dma_semaphore, #tpu.memory_space<semaphore_mem>>)
      tpu.wait_dma2 semaphore(%run_scoped3A : memref<!tpu.dma_semaphore, #tpu.memory_space<semaphore_mem>>) src(%arg5 : memref<10112xf32, #tpu.memory_space<hbm>>) dst(%arg19 : memref<10112xf32, #tpu.memory_space<vmem>>)
      tpu.yield
    }) : () -> ()
    %mul3A_2 = arith.constant 632 : i32
    %mul3A_3 = arith.muli %arg1, %mul3A_2 : i32
    "tpu.region"() ({
      %run_scoped3A = tpu.sem_alloc : memref<!tpu.dma_semaphore, #tpu.memory_space<semaphore_mem>>
      %dma_start3A = arith.constant 0 : i32
      %dma_start3A_17 = tpu.memref_slice %arg20[%mul3A_3, %dma_start3A] : memref<10112x128xf32, #tpu.memory_space<vmem_shared>> -> memref<632x128xf32, #tpu.memory_space<vmem_shared>>
      tpu.enqueue_dma source(%arg6 : memref<632x128xf32, #tpu.memory_space<hbm>>) target(%dma_start3A_17 : memref<632x128xf32, #tpu.memory_space<vmem_shared>>) target_semaphore(%run_scoped3A : memref<!tpu.dma_semaphore, #tpu.memory_space<semaphore_mem>>)
      %dma_wait3A = arith.constant 0 : i32
      %dma_wait3A_18 = tpu.memref_slice %arg20[%mul3A_3, %dma_wait3A] : memref<10112x128xf32, #tpu.memory_space<vmem_shared>> -> memref<632x128xf32, #tpu.memory_space<vmem_shared>>
      tpu.wait_dma2 semaphore(%run_scoped3A : memref<!tpu.dma_semaphore, #tpu.memory_space<semaphore_mem>>) src(%arg6 : memref<632x128xf32, #tpu.memory_space<hbm>>) dst(%dma_wait3A_18 : memref<632x128xf32, #tpu.memory_space<vmem_shared>>)
      tpu.yield
    }) : () -> ()
    %barrier3A = arith.constant 0 : index
    tpu.barrier barrier_id(%barrier3A)
    %eq3A = arith.constant 0 : i32
    %eq3A_4 = arith.cmpi eq, %arg0, %eq3A : i32
    %convert_element_type3A = arith.extui %eq3A_4 : i1 to i32
    %cond3A = arith.constant 0 : i32
    %cond3A_5 = arith.cmpi ne, %convert_element_type3A, %cond3A : i32
    scf.if %cond3A_5 {
      %mul3A_17 = arith.constant 120 : i32
      %mul3A_18 = arith.muli %arg1, %mul3A_17 : i32
      %add3A_19 = arith.constant 0 : i32
      %add3A_20 = arith.addi %mul3A_18, %add3A_19 : i32
      %mul3A_21 = arith.constant 128 : i32
      %mul3A_22 = arith.muli %add3A_20, %mul3A_21 : i32
      %dma_start3A = tpu.memref_slice %arg2[%mul3A_22] : memref<327680xi32, #tpu.memory_space<hbm>> -> memref<128xi32, #tpu.memory_space<hbm>>
      %dma_start3A_23 = tpu.memref_slice %arg2[%mul3A_22] : memref<327680xi32, #tpu.memory_space<hbm>> -> memref<128xi32, #tpu.memory_space<hbm>>
      tpu.enqueue_dma source(%dma_start3A_23 : memref<128xi32, #tpu.memory_space<hbm>>) target(%arg9 : memref<128xi32, #tpu.memory_space<vmem>>) target_semaphore(%arg21 : memref<!tpu.dma_semaphore, #tpu.memory_space<semaphore_mem>>)
      %dma_start3A_24 = tpu.memref_slice %arg3[%mul3A_22] : memref<327680xi32, #tpu.memory_space<hbm>> -> memref<128xi32, #tpu.memory_space<hbm>>
      %dma_start3A_25 = tpu.memref_slice %arg3[%mul3A_22] : memref<327680xi32, #tpu.memory_space<hbm>> -> memref<128xi32, #tpu.memory_space<hbm>>
      tpu.enqueue_dma source(%dma_start3A_25 : memref<128xi32, #tpu.memory_space<hbm>>) target(%arg13 : memref<128xi32, #tpu.memory_space<vmem>>) target_semaphore(%arg25 : memref<!tpu.dma_semaphore, #tpu.memory_space<semaphore_mem>>)
      %add3A_26 = arith.constant 1 : i32
      %add3A_27 = arith.addi %mul3A_18, %add3A_26 : i32
      %mul3A_28 = arith.constant 128 : i32
      %mul3A_29 = arith.muli %add3A_27, %mul3A_28 : i32
      %dma_start3A_30 = tpu.memref_slice %arg2[%mul3A_29] : memref<327680xi32, #tpu.memory_space<hbm>> -> memref<128xi32, #tpu.memory_space<hbm>>
      %dma_start3A_31 = tpu.memref_slice %arg2[%mul3A_29] : memref<327680xi32, #tpu.memory_space<hbm>> -> memref<128xi32, #tpu.memory_space<hbm>>
      tpu.enqueue_dma source(%dma_start3A_31 : memref<128xi32, #tpu.memory_space<hbm>>) target(%arg10 : memref<128xi32, #tpu.memory_space<vmem>>) target_semaphore(%arg22 : memref<!tpu.dma_semaphore, #tpu.memory_space<semaphore_mem>>)
      %dma_start3A_32 = tpu.memref_slice %arg3[%mul3A_29] : memref<327680xi32, #tpu.memory_space<hbm>> -> memref<128xi32, #tpu.memory_space<hbm>>
      %dma_start3A_33 = tpu.memref_slice %arg3[%mul3A_29] : memref<327680xi32, #tpu.memory_space<hbm>> -> memref<128xi32, #tpu.memory_space<hbm>>
      tpu.enqueue_dma source(%dma_start3A_33 : memref<128xi32, #tpu.memory_space<hbm>>) target(%arg14 : memref<128xi32, #tpu.memory_space<vmem>>) target_semaphore(%arg26 : memref<!tpu.dma_semaphore, #tpu.memory_space<semaphore_mem>>)
      %add3A_34 = arith.constant 2 : i32
      %add3A_35 = arith.addi %mul3A_18, %add3A_34 : i32
      %mul3A_36 = arith.constant 128 : i32
      %mul3A_37 = arith.muli %add3A_35, %mul3A_36 : i32
      %dma_start3A_38 = tpu.memref_slice %arg2[%mul3A_37] : memref<327680xi32, #tpu.memory_space<hbm>> -> memref<128xi32, #tpu.memory_space<hbm>>
      %dma_start3A_39 = tpu.memref_slice %arg2[%mul3A_37] : memref<327680xi32, #tpu.memory_space<hbm>> -> memref<128xi32, #tpu.memory_space<hbm>>
      tpu.enqueue_dma source(%dma_start3A_39 : memref<128xi32, #tpu.memory_space<hbm>>) target(%arg11 : memref<128xi32, #tpu.memory_space<vmem>>) target_semaphore(%arg23 : memref<!tpu.dma_semaphore, #tpu.memory_space<semaphore_mem>>)
      %dma_start3A_40 = tpu.memref_slice %arg3[%mul3A_37] : memref<327680xi32, #tpu.memory_space<hbm>> -> memref<128xi32, #tpu.memory_space<hbm>>
      %dma_start3A_41 = tpu.memref_slice %arg3[%mul3A_37] : memref<327680xi32, #tpu.memory_space<hbm>> -> memref<128xi32, #tpu.memory_space<hbm>>
      tpu.enqueue_dma source(%dma_start3A_41 : memref<128xi32, #tpu.memory_space<hbm>>) target(%arg15 : memref<128xi32, #tpu.memory_space<vmem>>) target_semaphore(%arg27 : memref<!tpu.dma_semaphore, #tpu.memory_space<semaphore_mem>>)
      %add3A_42 = arith.constant 3 : i32
      %add3A_43 = arith.addi %mul3A_18, %add3A_42 : i32
      %mul3A_44 = arith.constant 128 : i32
      %mul3A_45 = arith.muli %add3A_43, %mul3A_44 : i32
      %dma_start3A_46 = tpu.memref_slice %arg2[%mul3A_45] : memref<327680xi32, #tpu.memory_space<hbm>> -> memref<128xi32, #tpu.memory_space<hbm>>
      %dma_start3A_47 = tpu.memref_slice %arg2[%mul3A_45] : memref<327680xi32, #tpu.memory_space<hbm>> -> memref<128xi32, #tpu.memory_space<hbm>>
      tpu.enqueue_dma source(%dma_start3A_47 : memref<128xi32, #tpu.memory_space<hbm>>) target(%arg12 : memref<128xi32, #tpu.memory_space<vmem>>) target_semaphore(%arg24 : memref<!tpu.dma_semaphore, #tpu.memory_space<semaphore_mem>>)
      %dma_start3A_48 = tpu.memref_slice %arg3[%mul3A_45] : memref<327680xi32, #tpu.memory_space<hbm>> -> memref<128xi32, #tpu.memory_space<hbm>>
      %dma_start3A_49 = tpu.memref_slice %arg3[%mul3A_45] : memref<327680xi32, #tpu.memory_space<hbm>> -> memref<128xi32, #tpu.memory_space<hbm>>
      tpu.enqueue_dma source(%dma_start3A_49 : memref<128xi32, #tpu.memory_space<hbm>>) target(%arg16 : memref<128xi32, #tpu.memory_space<vmem>>) target_semaphore(%arg28 : memref<!tpu.dma_semaphore, #tpu.memory_space<semaphore_mem>>)
      %dma_wait3A = arith.constant 0 : i32
      %dma_wait3A_50 = tpu.memref_slice %arg2[%dma_wait3A] : memref<327680xi32, #tpu.memory_space<hbm>> -> memref<128xi32, #tpu.memory_space<hbm>>
      %dma_wait3A_51 = arith.constant 0 : i32
      %dma_wait3A_52 = tpu.memref_slice %arg2[%dma_wait3A_51] : memref<327680xi32, #tpu.memory_space<hbm>> -> memref<128xi32, #tpu.memory_space<hbm>>
      tpu.wait_dma2 semaphore(%arg21 : memref<!tpu.dma_semaphore, #tpu.memory_space<semaphore_mem>>) src(%dma_wait3A_52 : memref<128xi32, #tpu.memory_space<hbm>>) dst(%arg9 : memref<128xi32, #tpu.memory_space<vmem>>)
      %dma_start3A_53 = arith.constant 0 : i32
      %dma_start3A_54 = arith.constant 0 : i32
      %dma_start3A_55 = tpu.memref_slice %arg4[%dma_start3A_53, %dma_start3A_54] : memref<10112x128xf32, #tpu.memory_space<hbm>> -> memref<10112x128xf32, #tpu.memory_space<hbm>>
      tpu.enqueue_indirect_dma source(%dma_start3A_55 : memref<10112x128xf32, #tpu.memory_space<hbm>>) target(%arg17 : memref<128x128xf32, #tpu.memory_space<vmem>>) offsets(%arg9 : memref<128xi32, #tpu.memory_space<vmem>>) semaphore(%arg29 : memref<!tpu.dma_semaphore, #tpu.memory_space<semaphore_mem>>)
      %dma_wait3A_56 = arith.constant 0 : i32
      %dma_wait3A_57 = tpu.memref_slice %arg2[%dma_wait3A_56] : memref<327680xi32, #tpu.memory_space<hbm>> -> memref<128xi32, #tpu.memory_space<hbm>>
      %dma_wait3A_58 = arith.constant 0 : i32
      %dma_wait3A_59 = tpu.memref_slice %arg2[%dma_wait3A_58] : memref<327680xi32, #tpu.memory_space<hbm>> -> memref<128xi32, #tpu.memory_space<hbm>>
      tpu.wait_dma2 semaphore(%arg22 : memref<!tpu.dma_semaphore, #tpu.memory_space<semaphore_mem>>) src(%dma_wait3A_59 : memref<128xi32, #tpu.memory_space<hbm>>) dst(%arg10 : memref<128xi32, #tpu.memory_space<vmem>>)
      %dma_start3A_60 = arith.constant 0 : i32
      %dma_start3A_61 = arith.constant 0 : i32
      %dma_start3A_62 = tpu.memref_slice %arg4[%dma_start3A_60, %dma_start3A_61] : memref<10112x128xf32, #tpu.memory_space<hbm>> -> memref<10112x128xf32, #tpu.memory_space<hbm>>
      tpu.enqueue_indirect_dma source(%dma_start3A_62 : memref<10112x128xf32, #tpu.memory_space<hbm>>) target(%arg18 : memref<128x128xf32, #tpu.memory_space<vmem>>) offsets(%arg10 : memref<128xi32, #tpu.memory_space<vmem>>) semaphore(%arg30 : memref<!tpu.dma_semaphore, #tpu.memory_space<semaphore_mem>>)
      %dma_wait3A_63 = arith.constant 0 : i32
      %dma_wait3A_64 = tpu.memref_slice %arg3[%dma_wait3A_63] : memref<327680xi32, #tpu.memory_space<hbm>> -> memref<128xi32, #tpu.memory_space<hbm>>
      %dma_wait3A_65 = arith.constant 0 : i32
      %dma_wait3A_66 = tpu.memref_slice %arg3[%dma_wait3A_65] : memref<327680xi32, #tpu.memory_space<hbm>> -> memref<128xi32, #tpu.memory_space<hbm>>
      tpu.wait_dma2 semaphore(%arg25 : memref<!tpu.dma_semaphore, #tpu.memory_space<semaphore_mem>>) src(%dma_wait3A_66 : memref<128xi32, #tpu.memory_space<hbm>>) dst(%arg13 : memref<128xi32, #tpu.memory_space<vmem>>)
      %dma_wait3A_67 = arith.constant 0 : i32
      %dma_wait3A_68 = arith.constant 0 : i32
      %dma_wait3A_69 = tpu.memref_slice %arg4[%dma_wait3A_67, %dma_wait3A_68] : memref<10112x128xf32, #tpu.memory_space<hbm>> -> memref<10112x128xf32, #tpu.memory_space<hbm>>
      tpu.wait_indirect_dma semaphore(%arg29 : memref<!tpu.dma_semaphore, #tpu.memory_space<semaphore_mem>>) src(%dma_wait3A_69 : memref<10112x128xf32, #tpu.memory_space<hbm>>) dst(%arg17 : memref<128x128xf32, #tpu.memory_space<vmem>>)
      %dma_start3A_70 = arith.constant 0 : i32
      %dma_start3A_71 = arith.constant 0 : i32
      %dma_start3A_72 = tpu.memref_slice %arg20[%dma_start3A_70, %dma_start3A_71] : memref<10112x128xf32, #tpu.memory_space<vmem_shared>> -> memref<10112x128xf32, #tpu.memory_space<vmem_shared>>
      tpu.enqueue_indirect_dma source(%arg17 : memref<128x128xf32, #tpu.memory_space<vmem>>) target(%dma_start3A_72 : memref<10112x128xf32, #tpu.memory_space<vmem_shared>>) offsets(%arg13 : memref<128xi32, #tpu.memory_space<vmem>>) semaphore(%arg31 : memref<!tpu.dma_semaphore, #tpu.memory_space<semaphore_mem>>) {add = true}
      %get3A = arith.constant 0 : index
      %get3A_73 = tpu.vector_load %arg13[%get3A] {strides = array<i32>} : memref<128xi32, #tpu.memory_space<vmem>>, vector<16xi32>,
      tpu.vector_store_idx %arg19[%get3A_73], %broadcast_in_dim3A_1 {add = true} : memref<10112xf32, #tpu.memory_space<vmem>>[vector<16xi32>], vector<16xf32>,
      %get3A_74 = arith.constant 16 : index
      %get3A_75 = tpu.vector_load %arg13[%get3A_74] {strides = array<i32>} : memref<128xi32, #tpu.memory_space<vmem>>, vector<16xi32>,
      tpu.vector_store_idx %arg19[%get3A_75], %broadcast_in_dim3A_1 {add = true} : memref<10112xf32, #tpu.memory_space<vmem>>[vector<16xi32>], vector<16xf32>,
      %get3A_76 = arith.constant 32 : index
      %get3A_77 = tpu.vector_load %arg13[%get3A_76] {strides = array<i32>} : memref<128xi32, #tpu.memory_space<vmem>>, vector<16xi32>,
      tpu.vector_store_idx %arg19[%get3A_77], %broadcast_in_dim3A_1 {add = true} : memref<10112xf32, #tpu.memory_space<vmem>>[vector<16xi32>], vector<16xf32>,
      %get3A_78 = arith.constant 48 : index
      %get3A_79 = tpu.vector_load %arg13[%get3A_78] {strides = array<i32>} : memref<128xi32, #tpu.memory_space<vmem>>, vector<16xi32>,
      tpu.vector_store_idx %arg19[%get3A_79], %broadcast_in_dim3A_1 {add = true} : memref<10112xf32, #tpu.memory_space<vmem>>[vector<16xi32>], vector<16xf32>,
      %get3A_80 = arith.constant 64 : index
      %get3A_81 = tpu.vector_load %arg13[%get3A_80] {strides = array<i32>} : memref<128xi32, #tpu.memory_space<vmem>>, vector<16xi32>,
      tpu.vector_store_idx %arg19[%get3A_81], %broadcast_in_dim3A_1 {add = true} : memref<10112xf32, #tpu.memory_space<vmem>>[vector<16xi32>], vector<16xf32>,
      %get3A_82 = arith.constant 80 : index
      %get3A_83 = tpu.vector_load %arg13[%get3A_82] {strides = array<i32>} : memref<128xi32, #tpu.memory_space<vmem>>, vector<16xi32>,
      tpu.vector_store_idx %arg19[%get3A_83], %broadcast_in_dim3A_1 {add = true} : memref<10112xf32, #tpu.memory_space<vmem>>[vector<16xi32>], vector<16xf32>,
      %get3A_84 = arith.constant 96 : index
      %get3A_85 = tpu.vector_load %arg13[%get3A_84] {strides = array<i32>} : memref<128xi32, #tpu.memory_space<vmem>>, vector<16xi32>,
      tpu.vector_store_idx %arg19[%get3A_85], %broadcast_in_dim3A_1 {add = true} : memref<10112xf32, #tpu.memory_space<vmem>>[vector<16xi32>], vector<16xf32>,
      %get3A_86 = arith.constant 112 : index
      %get3A_87 = tpu.vector_load %arg13[%get3A_86] {strides = array<i32>} : memref<128xi32, #tpu.memory_space<vmem>>, vector<16xi32>,
      tpu.vector_store_idx %arg19[%get3A_87], %broadcast_in_dim3A_1 {add = true} : memref<10112xf32, #tpu.memory_space<vmem>>[vector<16xi32>], vector<16xf32>,
      %dma_wait3A_88 = arith.constant 0 : i32
      %dma_wait3A_89 = arith.constant 0 : i32
      %dma_wait3A_90 = tpu.memref_slice %arg20[%dma_wait3A_88, %dma_wait3A_89] : memref<10112x128xf32, #tpu.memory_space<vmem_shared>> -> memref<10112x128xf32, #tpu.memory_space<vmem_shared>>
      tpu.wait_indirect_dma semaphore(%arg31 : memref<!tpu.dma_semaphore, #tpu.memory_space<semaphore_mem>>) src(%arg17 : memref<128x128xf32, #tpu.memory_space<vmem>>) dst(%dma_wait3A_90 : memref<10112x128xf32, #tpu.memory_space<vmem_shared>>)
      %add3A_91 = arith.constant 4 : i32
      %add3A_92 = arith.addi %mul3A_18, %add3A_91 : i32
      %mul3A_93 = arith.constant 128 : i32
      %mul3A_94 = arith.muli %add3A_92, %mul3A_93 : i32
      %dma_start3A_95 = tpu.memref_slice %arg2[%mul3A_94] : memref<327680xi32, #tpu.memory_space<hbm>> -> memref<128xi32, #tpu.memory_space<hbm>>
      %dma_start3A_96 = tpu.memref_slice %arg2[%mul3A_94] : memref<327680xi32, #tpu.memory_space<hbm>> -> memref<128xi32, #tpu.memory_space<hbm>>
      tpu.enqueue_dma source(%dma_start3A_96 : memref<128xi32, #tpu.memory_space<hbm>>) target(%arg9 : memref<128xi32, #tpu.memory_space<vmem>>) target_semaphore(%arg21 : memref<!tpu.dma_semaphore, #tpu.memory_space<semaphore_mem>>)
      %dma_start3A_97 = tpu.memref_slice %arg3[%mul3A_94] : memref<327680xi32, #tpu.memory_space<hbm>> -> memref<128xi32, #tpu.memory_space<hbm>>
      %dma_start3A_98 = tpu.memref_slice %arg3[%mul3A_94] : memref<327680xi32, #tpu.memory_space<hbm>> -> memref<128xi32, #tpu.memory_space<hbm>>
      tpu.enqueue_dma source(%dma_start3A_98 : memref<128xi32, #tpu.memory_space<hbm>>) target(%arg13 : memref<128xi32, #tpu.memory_space<vmem>>) target_semaphore(%arg25 : memref<!tpu.dma_semaphore, #tpu.memory_space<semaphore_mem>>)
      %dma_wait3A_99 = arith.constant 0 : i32
      %dma_wait3A_100 = tpu.memref_slice %arg2[%dma_wait3A_99] : memref<327680xi32, #tpu.memory_space<hbm>> -> memref<128xi32, #tpu.memory_space<hbm>>
      %dma_wait3A_101 = arith.constant 0 : i32
      %dma_wait3A_102 = tpu.memref_slice %arg2[%dma_wait3A_101] : memref<327680xi32, #tpu.memory_space<hbm>> -> memref<128xi32, #tpu.memory_space<hbm>>
      tpu.wait_dma2 semaphore(%arg23 : memref<!tpu.dma_semaphore, #tpu.memory_space<semaphore_mem>>) src(%dma_wait3A_102 : memref<128xi32, #tpu.memory_space<hbm>>) dst(%arg11 : memref<128xi32, #tpu.memory_space<vmem>>)
      %dma_start3A_103 = arith.constant 0 : i32
      %dma_start3A_104 = arith.constant 0 : i32
      %dma_start3A_105 = tpu.memref_slice %arg4[%dma_start3A_103, %dma_start3A_104] : memref<10112x128xf32, #tpu.memory_space<hbm>> -> memref<10112x128xf32, #tpu.memory_space<hbm>>
      tpu.enqueue_indirect_dma source(%dma_start3A_105 : memref<10112x128xf32, #tpu.memory_space<hbm>>) target(%arg17 : memref<128x128xf32, #tpu.memory_space<vmem>>) offsets(%arg11 : memref<128xi32, #tpu.memory_space<vmem>>) semaphore(%arg29 : memref<!tpu.dma_semaphore, #tpu.memory_space<semaphore_mem>>)
      %dma_wait3A_106 = arith.constant 0 : i32
      %dma_wait3A_107 = tpu.memref_slice %arg3[%dma_wait3A_106] : memref<327680xi32, #tpu.memory_space<hbm>> -> memref<128xi32, #tpu.memory_space<hbm>>
      %dma_wait3A_108 = arith.constant 0 : i32
      %dma_wait3A_109 = tpu.memref_slice %arg3[%dma_wait3A_108] : memref<327680xi32, #tpu.memory_space<hbm>> -> memref<128xi32, #tpu.memory_space<hbm>>
      tpu.wait_dma2 semaphore(%arg26 : memref<!tpu.dma_semaphore, #tpu.memory_space<semaphore_mem>>) src(%dma_wait3A_109 : memref<128xi32, #tpu.memory_space<hbm>>) dst(%arg14 : memref<128xi32, #tpu.memory_space<vmem>>)
      %dma_wait3A_110 = arith.constant 0 : i32
      %dma_wait3A_111 = arith.constant 0 : i32
      %dma_wait3A_112 = tpu.memref_slice %arg4[%dma_wait3A_110, %dma_wait3A_111] : memref<10112x128xf32, #tpu.memory_space<hbm>> -> memref<10112x128xf32, #tpu.memory_space<hbm>>
      tpu.wait_indirect_dma semaphore(%arg30 : memref<!tpu.dma_semaphore, #tpu.memory_space<semaphore_mem>>) src(%dma_wait3A_112 : memref<10112x128xf32, #tpu.memory_space<hbm>>) dst(%arg18 : memref<128x128xf32, #tpu.memory_space<vmem>>)
      %dma_start3A_113 = arith.constant 0 : i32
      %dma_start3A_114 = arith.constant 0 : i32
      %dma_start3A_115 = tpu.memref_slice %arg20[%dma_start3A_113, %dma_start3A_114] : memref<10112x128xf32, #tpu.memory_space<vmem_shared>> -> memref<10112x128xf32, #tpu.memory_space<vmem_shared>>
      tpu.enqueue_indirect_dma source(%arg18 : memref<128x128xf32, #tpu.memory_space<vmem>>) target(%dma_start3A_115 : memref<10112x128xf32, #tpu.memory_space<vmem_shared>>) offsets(%arg14 : memref<128xi32, #tpu.memory_space<vmem>>) semaphore(%arg32 : memref<!tpu.dma_semaphore, #tpu.memory_space<semaphore_mem>>) {add = true}
      %get3A_116 = arith.constant 0 : index
      %get3A_117 = tpu.vector_load %arg14[%get3A_116] {strides = array<i32>} : memref<128xi32, #tpu.memory_space<vmem>>, vector<16xi32>,
      tpu.vector_store_idx %arg19[%get3A_117], %broadcast_in_dim3A_1 {add = true} : memref<10112xf32, #tpu.memory_space<vmem>>[vector<16xi32>], vector<16xf32>,
      %get3A_118 = arith.constant 16 : index
      %get3A_119 = tpu.vector_load %arg14[%get3A_118] {strides = array<i32>} : memref<128xi32, #tpu.memory_space<vmem>>, vector<16xi32>,
      tpu.vector_store_idx %arg19[%get3A_119], %broadcast_in_dim3A_1 {add = true} : memref<10112xf32, #tpu.memory_space<vmem>>[vector<16xi32>], vector<16xf32>,
      %get3A_120 = arith.constant 32 : index
      %get3A_121 = tpu.vector_load %arg14[%get3A_120] {strides = array<i32>} : memref<128xi32, #tpu.memory_space<vmem>>, vector<16xi32>,
      tpu.vector_store_idx %arg19[%get3A_121], %broadcast_in_dim3A_1 {add = true} : memref<10112xf32, #tpu.memory_space<vmem>>[vector<16xi32>], vector<16xf32>,
      %get3A_122 = arith.constant 48 : index
      %get3A_123 = tpu.vector_load %arg14[%get3A_122] {strides = array<i32>} : memref<128xi32, #tpu.memory_space<vmem>>, vector<16xi32>,
      tpu.vector_store_idx %arg19[%get3A_123], %broadcast_in_dim3A_1 {add = true} : memref<10112xf32, #tpu.memory_space<vmem>>[vector<16xi32>], vector<16xf32>,
      %get3A_124 = arith.constant 64 : index
      %get3A_125 = tpu.vector_load %arg14[%get3A_124] {strides = array<i32>} : memref<128xi32, #tpu.memory_space<vmem>>, vector<16xi32>,
      tpu.vector_store_idx %arg19[%get3A_125], %broadcast_in_dim3A_1 {add = true} : memref<10112xf32, #tpu.memory_space<vmem>>[vector<16xi32>], vector<16xf32>,
      %get3A_126 = arith.constant 80 : index
      %get3A_127 = tpu.vector_load %arg14[%get3A_126] {strides = array<i32>} : memref<128xi32, #tpu.memory_space<vmem>>, vector<16xi32>,
      tpu.vector_store_idx %arg19[%get3A_127], %broadcast_in_dim3A_1 {add = true} : memref<10112xf32, #tpu.memory_space<vmem>>[vector<16xi32>], vector<16xf32>,
      %get3A_128 = arith.constant 96 : index
      %get3A_129 = tpu.vector_load %arg14[%get3A_128] {strides = array<i32>} : memref<128xi32, #tpu.memory_space<vmem>>, vector<16xi32>,
      tpu.vector_store_idx %arg19[%get3A_129], %broadcast_in_dim3A_1 {add = true} : memref<10112xf32, #tpu.memory_space<vmem>>[vector<16xi32>], vector<16xf32>,
      %get3A_130 = arith.constant 112 : index
      %get3A_131 = tpu.vector_load %arg14[%get3A_130] {strides = array<i32>} : memref<128xi32, #tpu.memory_space<vmem>>, vector<16xi32>,
      tpu.vector_store_idx %arg19[%get3A_131], %broadcast_in_dim3A_1 {add = true} : memref<10112xf32, #tpu.memory_space<vmem>>[vector<16xi32>], vector<16xf32>,
      %dma_wait3A_132 = arith.constant 0 : i32
      %dma_wait3A_133 = arith.constant 0 : i32
      %dma_wait3A_134 = tpu.memref_slice %arg20[%dma_wait3A_132, %dma_wait3A_133] : memref<10112x128xf32, #tpu.memory_space<vmem_shared>> -> memref<10112x128xf32, #tpu.memory_space<vmem_shared>>
      tpu.wait_indirect_dma semaphore(%arg32 : memref<!tpu.dma_semaphore, #tpu.memory_space<semaphore_mem>>) src(%arg18 : memref<128x128xf32, #tpu.memory_space<vmem>>) dst(%dma_wait3A_134 : memref<10112x128xf32, #tpu.memory_space<vmem_shared>>)
      %add3A_135 = arith.constant 5 : i32
      %add3A_136 = arith.addi %mul3A_18, %add3A_135 : i32
      %mul3A_137 = arith.constant 128 : i32
      %mul3A_138 = arith.muli %add3A_136, %mul3A_137 : i32
      %dma_start3A_139 = tpu.memref_slice %arg2[%mul3A_138] : memref<327680xi32, #tpu.memory_space<hbm>> -> memref<128xi32, #tpu.memory_space<hbm>>
      %dma_start3A_140 = tpu.memref_slice %arg2[%mul3A_138] : memref<327680xi32, #tpu.memory_space<hbm>> -> memref<128xi32, #tpu.memory_space<hbm>>
      tpu.enqueue_dma source(%dma_start3A_140 : memref<128xi32, #tpu.memory_space<hbm>>) target(%arg10 : memref<128xi32, #tpu.memory_space<vmem>>) target_semaphore(%arg22 : memref<!tpu.dma_semaphore, #tpu.memory_space<semaphore_mem>>)
      %dma_start3A_141 = tpu.memref_slice %arg3[%mul3A_138] : memref<327680xi32, #tpu.memory_space<hbm>> -> memref<128xi32, #tpu.memory_space<hbm>>
      %dma_start3A_142 = tpu.memref_slice %arg3[%mul3A_138] : memref<327680xi32, #tpu.memory_space<hbm>> -> memref<128xi32, #tpu.memory_space<hbm>>
      tpu.enqueue_dma source(%dma_start3A_142 : memref<128xi32, #tpu.memory_space<hbm>>) target(%arg14 : memref<128xi32, #tpu.memory_space<vmem>>) target_semaphore(%arg26 : memref<!tpu.dma_semaphore, #tpu.memory_space<semaphore_mem>>)
      %dma_wait3A_143 = arith.constant 0 : i32
      %dma_wait3A_144 = tpu.memref_slice %arg2[%dma_wait3A_143] : memref<327680xi32, #tpu.memory_space<hbm>> -> memref<128xi32, #tpu.memory_space<hbm>>
      %dma_wait3A_145 = arith.constant 0 : i32
      %dma_wait3A_146 = tpu.memref_slice %arg2[%dma_wait3A_145] : memref<327680xi32, #tpu.memory_space<hbm>> -> memref<128xi32, #tpu.memory_space<hbm>>
      tpu.wait_dma2 semaphore(%arg24 : memref<!tpu.dma_semaphore, #tpu.memory_space<semaphore_mem>>) src(%dma_wait3A_146 : memref<128xi32, #tpu.memory_space<hbm>>) dst(%arg12 : memref<128xi32, #tpu.memory_space<vmem>>)
      %dma_start3A_147 = arith.constant 0 : i32
      %dma_start3A_148 = arith.constant 0 : i32
      %dma_start3A_149 = tpu.memref_slice %arg4[%dma_start3A_147, %dma_start3A_148] : memref<10112x128xf32, #tpu.memory_space<hbm>> -> memref<10112x128xf32, #tpu.memory_space<hbm>>
      tpu.enqueue_indirect_dma source(%dma_start3A_149 : memref<10112x128xf32, #tpu.memory_space<hbm>>) target(%arg18 : memref<128x128xf32, #tpu.memory_space<vmem>>) offsets(%arg12 : memref<128xi32, #tpu.memory_space<vmem>>) semaphore(%arg30 : memref<!tpu.dma_semaphore, #tpu.memory_space<semaphore_mem>>)
      %dma_wait3A_150 = arith.constant 0 : i32
      %dma_wait3A_151 = tpu.memref_slice %arg3[%dma_wait3A_150] : memref<327680xi32, #tpu.memory_space<hbm>> -> memref<128xi32, #tpu.memory_space<hbm>>
      %dma_wait3A_152 = arith.constant 0 : i32
      %dma_wait3A_153 = tpu.memref_slice %arg3[%dma_wait3A_152] : memref<327680xi32, #tpu.memory_space<hbm>> -> memref<128xi32, #tpu.memory_space<hbm>>
      tpu.wait_dma2 semaphore(%arg27 : memref<!tpu.dma_semaphore, #tpu.memory_space<semaphore_mem>>) src(%dma_wait3A_153 : memref<128xi32, #tpu.memory_space<hbm>>) dst(%arg15 : memref<128xi32, #tpu.memory_space<vmem>>)
      %dma_wait3A_154 = arith.constant 0 : i32
      %dma_wait3A_155 = arith.constant 0 : i32
      %dma_wait3A_156 = tpu.memref_slice %arg4[%dma_wait3A_154, %dma_wait3A_155] : memref<10112x128xf32, #tpu.memory_space<hbm>> -> memref<10112x128xf32, #tpu.memory_space<hbm>>
      tpu.wait_indirect_dma semaphore(%arg29 : memref<!tpu.dma_semaphore, #tpu.memory_space<semaphore_mem>>) src(%dma_wait3A_156 : memref<10112x128xf32, #tpu.memory_space<hbm>>) dst(%arg17 : memref<128x128xf32, #tpu.memory_space<vmem>>)
      %dma_start3A_157 = arith.constant 0 : i32
      %dma_start3A_158 = arith.constant 0 : i32
      %dma_start3A_159 = tpu.memref_slice %arg20[%dma_start3A_157, %dma_start3A_158] : memref<10112x128xf32, #tpu.memory_space<vmem_shared>> -> memref<10112x128xf32, #tpu.memory_space<vmem_shared>>
      tpu.enqueue_indirect_dma source(%arg17 : memref<128x128xf32, #tpu.memory_space<vmem>>) target(%dma_start3A_159 : memref<10112x128xf32, #tpu.memory_space<vmem_shared>>) offsets(%arg15 : memref<128xi32, #tpu.memory_space<vmem>>) semaphore(%arg31 : memref<!tpu.dma_semaphore, #tpu.memory_space<semaphore_mem>>) {add = true}
      %get3A_160 = arith.constant 0 : index
      %get3A_161 = tpu.vector_load %arg15[%get3A_160] {strides = array<i32>} : memref<128xi32, #tpu.memory_space<vmem>>, vector<16xi32>,
      tpu.vector_store_idx %arg19[%get3A_161], %broadcast_in_dim3A_1 {add = true} : memref<10112xf32, #tpu.memory_space<vmem>>[vector<16xi32>], vector<16xf32>,
      %get3A_162 = arith.constant 16 : index
      %get3A_163 = tpu.vector_load %arg15[%get3A_162] {strides = array<i32>} : memref<128xi32, #tpu.memory_space<vmem>>, vector<16xi32>,
      tpu.vector_store_idx %arg19[%get3A_163], %broadcast_in_dim3A_1 {add = true} : memref<10112xf32, #tpu.memory_space<vmem>>[vector<16xi32>], vector<16xf32>,
      %get3A_164 = arith.constant 32 : index
      %get3A_165 = tpu.vector_load %arg15[%get3A_164] {strides = array<i32>} : memref<128xi32, #tpu.memory_space<vmem>>, vector<16xi32>,
      tpu.vector_store_idx %arg19[%get3A_165], %broadcast_in_dim3A_1 {add = true} : memref<10112xf32, #tpu.memory_space<vmem>>[vector<16xi32>], vector<16xf32>,
      %get3A_166 = arith.constant 48 : index
      %get3A_167 = tpu.vector_load %arg15[%get3A_166] {strides = array<i32>} : memref<128xi32, #tpu.memory_space<vmem>>, vector<16xi32>,
      tpu.vector_store_idx %arg19[%get3A_167], %broadcast_in_dim3A_1 {add = true} : memref<10112xf32, #tpu.memory_space<vmem>>[vector<16xi32>], vector<16xf32>,
      %get3A_168 = arith.constant 64 : index
      %get3A_169 = tpu.vector_load %arg15[%get3A_168] {strides = array<i32>} : memref<128xi32, #tpu.memory_space<vmem>>, vector<16xi32>,
      tpu.vector_store_idx %arg19[%get3A_169], %broadcast_in_dim3A_1 {add = true} : memref<10112xf32, #tpu.memory_space<vmem>>[vector<16xi32>], vector<16xf32>,
      %get3A_170 = arith.constant 80 : index
      %get3A_171 = tpu.vector_load %arg15[%get3A_170] {strides = array<i32>} : memref<128xi32, #tpu.memory_space<vmem>>, vector<16xi32>,
      tpu.vector_store_idx %arg19[%get3A_171], %broadcast_in_dim3A_1 {add = true} : memref<10112xf32, #tpu.memory_space<vmem>>[vector<16xi32>], vector<16xf32>,
      %get3A_172 = arith.constant 96 : index
      %get3A_173 = tpu.vector_load %arg15[%get3A_172] {strides = array<i32>} : memref<128xi32, #tpu.memory_space<vmem>>, vector<16xi32>,
      tpu.vector_store_idx %arg19[%get3A_173], %broadcast_in_dim3A_1 {add = true} : memref<10112xf32, #tpu.memory_space<vmem>>[vector<16xi32>], vector<16xf32>,
      %get3A_174 = arith.constant 112 : index
      %get3A_175 = tpu.vector_load %arg15[%get3A_174] {strides = array<i32>} : memref<128xi32, #tpu.memory_space<vmem>>, vector<16xi32>,
      tpu.vector_store_idx %arg19[%get3A_175], %broadcast_in_dim3A_1 {add = true} : memref<10112xf32, #tpu.memory_space<vmem>>[vector<16xi32>], vector<16xf32>,
      %dma_wait3A_176 = arith.constant 0 : i32
      %dma_wait3A_177 = arith.constant 0 : i32
      %dma_wait3A_178 = tpu.memref_slice %arg20[%dma_wait3A_176, %dma_wait3A_177] : memref<10112x128xf32, #tpu.memory_space<vmem_shared>> -> memref<10112x128xf32, #tpu.memory_space<vmem_shared>>
      tpu.wait_indirect_dma semaphore(%arg31 : memref<!tpu.dma_semaphore, #tpu.memory_space<semaphore_mem>>) src(%arg17 : memref<128x128xf32, #tpu.memory_space<vmem>>) dst(%dma_wait3A_178 : memref<10112x128xf32, #tpu.memory_space<vmem_shared>>)
      %add3A_179 = arith.constant 6 : i32
      %add3A_180 = arith.addi %mul3A_18, %add3A_179 : i32
      %mul3A_181 = arith.constant 128 : i32
      %mul3A_182 = arith.muli %add3A_180, %mul3A_181 : i32
      %dma_start3A_183 = tpu.memref_slice %arg2[%mul3A_182] : memref<327680xi32, #tpu.memory_space<hbm>> -> memref<128xi32, #tpu.memory_space<hbm>>
      %dma_start3A_184 = tpu.memref_slice %arg2[%mul3A_182] : memref<327680xi32, #tpu.memory_space<hbm>> -> memref<128xi32, #tpu.memory_space<hbm>>
      tpu.enqueue_dma source(%dma_start3A_184 : memref<128xi32, #tpu.memory_space<hbm>>) target(%arg11 : memref<128xi32, #tpu.memory_space<vmem>>) target_semaphore(%arg23 : memref<!tpu.dma_semaphore, #tpu.memory_space<semaphore_mem>>)
      %dma_start3A_185 = tpu.memref_slice %arg3[%mul3A_182] : memref<327680xi32, #tpu.memory_space<hbm>> -> memref<128xi32, #tpu.memory_space<hbm>>
      %dma_start3A_186 = tpu.memref_slice %arg3[%mul3A_182] : memref<327680xi32, #tpu.memory_space<hbm>> -> memref<128xi32, #tpu.memory_space<hbm>>
      tpu.enqueue_dma source(%dma_start3A_186 : memref<128xi32, #tpu.memory_space<hbm>>) target(%arg15 : memref<128xi32, #tpu.memory_space<vmem>>) target_semaphore(%arg27 : memref<!tpu.dma_semaphore, #tpu.memory_space<semaphore_mem>>)
      %dma_wait3A_187 = arith.constant 0 : i32
      %dma_wait3A_188 = tpu.memref_slice %arg2[%dma_wait3A_187] : memref<327680xi32, #tpu.memory_space<hbm>> -> memref<128xi32, #tpu.memory_space<hbm>>
      %dma_wait3A_189 = arith.constant 0 : i32
      %dma_wait3A_190 = tpu.memref_slice %arg2[%dma_wait3A_189] : memref<327680xi32, #tpu.memory_space<hbm>> -> memref<128xi32, #tpu.memory_space<hbm>>
      tpu.wait_dma2 semaphore(%arg21 : memref<!tpu.dma_semaphore, #tpu.memory_space<semaphore_mem>>) src(%dma_wait3A_190 : memref<128xi32, #tpu.memory_space<hbm>>) dst(%arg9 : memref<128xi32, #tpu.memory_space<vmem>>)
      %dma_start3A_191 = arith.constant 0 : i32
      %dma_start3A_192 = arith.constant 0 : i32
      %dma_start3A_193 = tpu.memref_slice %arg4[%dma_start3A_191, %dma_start3A_192] : memref<10112x128xf32, #tpu.memory_space<hbm>> -> memref<10112x128xf32, #tpu.memory_space<hbm>>
      tpu.enqueue_indirect_dma source(%dma_start3A_193 : memref<10112x128xf32, #tpu.memory_space<hbm>>) target(%arg17 : memref<128x128xf32, #tpu.memory_space<vmem>>) offsets(%arg9 : memref<128xi32, #tpu.memory_space<vmem>>) semaphore(%arg29 : memref<!tpu.dma_semaphore, #tpu.memory_space<semaphore_mem>>)
      %dma_wait3A_194 = arith.constant 0 : i32
      %dma_wait3A_195 = tpu.memref_slice %arg3[%dma_wait3A_194] : memref<327680xi32, #tpu.memory_space<hbm>> -> memref<128xi32, #tpu.memory_space<hbm>>
      %dma_wait3A_196 = arith.constant 0 : i32
      %dma_wait3A_197 = tpu.memref_slice %arg3[%dma_wait3A_196] : memref<327680xi32, #tpu.memory_space<hbm>> -> memref<128xi32, #tpu.memory_space<hbm>>
      tpu.wait_dma2 semaphore(%arg28 : memref<!tpu.dma_semaphore, #tpu.memory_space<semaphore_mem>>) src(%dma_wait3A_197 : memref<128xi32, #tpu.memory_space<hbm>>) dst(%arg16 : memref<128xi32, #tpu.memory_space<vmem>>)
      %dma_wait3A_198 = arith.constant 0 : i32
      %dma_wait3A_199 = arith.constant 0 : i32
      %dma_wait3A_200 = tpu.memref_slice %arg4[%dma_wait3A_198, %dma_wait3A_199] : memref<10112x128xf32, #tpu.memory_space<hbm>> -> memref<10112x128xf32, #tpu.memory_space<hbm>>
      tpu.wait_indirect_dma semaphore(%arg30 : memref<!tpu.dma_semaphore, #tpu.memory_space<semaphore_mem>>) src(%dma_wait3A_200 : memref<10112x128xf32, #tpu.memory_space<hbm>>) dst(%arg18 : memref<128x128xf32, #tpu.memory_space<vmem>>)
      %dma_start3A_201 = arith.constant 0 : i32
      %dma_start3A_202 = arith.constant 0 : i32
      %dma_start3A_203 = tpu.memref_slice %arg20[%dma_start3A_201, %dma_start3A_202] : memref<10112x128xf32, #tpu.memory_space<vmem_shared>> -> memref<10112x128xf32, #tpu.memory_space<vmem_shared>>
      tpu.enqueue_indirect_dma source(%arg18 : memref<128x128xf32, #tpu.memory_space<vmem>>) target(%dma_start3A_203 : memref<10112x128xf32, #tpu.memory_space<vmem_shared>>) offsets(%arg16 : memref<128xi32, #tpu.memory_space<vmem>>) semaphore(%arg32 : memref<!tpu.dma_semaphore, #tpu.memory_space<semaphore_mem>>) {add = true}
      %get3A_204 = arith.constant 0 : index
      %get3A_205 = tpu.vector_load %arg16[%get3A_204] {strides = array<i32>} : memref<128xi32, #tpu.memory_space<vmem>>, vector<16xi32>,
      tpu.vector_store_idx %arg19[%get3A_205], %broadcast_in_dim3A_1 {add = true} : memref<10112xf32, #tpu.memory_space<vmem>>[vector<16xi32>], vector<16xf32>,
      %get3A_206 = arith.constant 16 : index
      %get3A_207 = tpu.vector_load %arg16[%get3A_206] {strides = array<i32>} : memref<128xi32, #tpu.memory_space<vmem>>, vector<16xi32>,
      tpu.vector_store_idx %arg19[%get3A_207], %broadcast_in_dim3A_1 {add = true} : memref<10112xf32, #tpu.memory_space<vmem>>[vector<16xi32>], vector<16xf32>,
      %get3A_208 = arith.constant 32 : index
      %get3A_209 = tpu.vector_load %arg16[%get3A_208] {strides = array<i32>} : memref<128xi32, #tpu.memory_space<vmem>>, vector<16xi32>,
      tpu.vector_store_idx %arg19[%get3A_209], %broadcast_in_dim3A_1 {add = true} : memref<10112xf32, #tpu.memory_space<vmem>>[vector<16xi32>], vector<16xf32>,
      %get3A_210 = arith.constant 48 : index
      %get3A_211 = tpu.vector_load %arg16[%get3A_210] {strides = array<i32>} : memref<128xi32, #tpu.memory_space<vmem>>, vector<16xi32>,
      tpu.vector_store_idx %arg19[%get3A_211], %broadcast_in_dim3A_1 {add = true} : memref<10112xf32, #tpu.memory_space<vmem>>[vector<16xi32>], vector<16xf32>,
      %get3A_212 = arith.constant 64 : index
      %get3A_213 = tpu.vector_load %arg16[%get3A_212] {strides = array<i32>} : memref<128xi32, #tpu.memory_space<vmem>>, vector<16xi32>,
      tpu.vector_store_idx %arg19[%get3A_213], %broadcast_in_dim3A_1 {add = true} : memref<10112xf32, #tpu.memory_space<vmem>>[vector<16xi32>], vector<16xf32>,
      %get3A_214 = arith.constant 80 : index
      %get3A_215 = tpu.vector_load %arg16[%get3A_214] {strides = array<i32>} : memref<128xi32, #tpu.memory_space<vmem>>, vector<16xi32>,
      tpu.vector_store_idx %arg19[%get3A_215], %broadcast_in_dim3A_1 {add = true} : memref<10112xf32, #tpu.memory_space<vmem>>[vector<16xi32>], vector<16xf32>,
      %get3A_216 = arith.constant 96 : index
      %get3A_217 = tpu.vector_load %arg16[%get3A_216] {strides = array<i32>} : memref<128xi32, #tpu.memory_space<vmem>>, vector<16xi32>,
      tpu.vector_store_idx %arg19[%get3A_217], %broadcast_in_dim3A_1 {add = true} : memref<10112xf32, #tpu.memory_space<vmem>>[vector<16xi32>], vector<16xf32>,
      %get3A_218 = arith.constant 112 : index
      %get3A_219 = tpu.vector_load %arg16[%get3A_218] {strides = array<i32>} : memref<128xi32, #tpu.memory_space<vmem>>, vector<16xi32>,
      tpu.vector_store_idx %arg19[%get3A_219], %broadcast_in_dim3A_1 {add = true} : memref<10112xf32, #tpu.memory_space<vmem>>[vector<16xi32>], vector<16xf32>,
      %dma_wait3A_220 = arith.constant 0 : i32
      %dma_wait3A_221 = arith.constant 0 : i32
      %dma_wait3A_222 = tpu.memref_slice %arg20[%dma_wait3A_220, %dma_wait3A_221] : memref<10112x128xf32, #tpu.memory_space<vmem_shared>> -> memref<10112x128xf32, #tpu.memory_space<vmem_shared>>
      tpu.wait_indirect_dma semaphore(%arg32 : memref<!tpu.dma_semaphore, #tpu.memory_space<semaphore_mem>>) src(%arg18 : memref<128x128xf32, #tpu.memory_space<vmem>>) dst(%dma_wait3A_222 : memref<10112x128xf32, #tpu.memory_space<vmem_shared>>)
      %add3A_223 = arith.constant 7 : i32
      %add3A_224 = arith.addi %mul3A_18, %add3A_223 : i32
      %mul3A_225 = arith.constant 128 : i32
      %mul3A_226 = arith.muli %add3A_224, %mul3A_225 : i32
      %dma_start3A_227 = tpu.memref_slice %arg2[%mul3A_226] : memref<327680xi32, #tpu.memory_space<hbm>> -> memref<128xi32, #tpu.memory_space<hbm>>
      %dma_start3A_228 = tpu.memref_slice %arg2[%mul3A_226] : memref<327680xi32, #tpu.memory_space<hbm>> -> memref<128xi32, #tpu.memory_space<hbm>>
      tpu.enqueue_dma source(%dma_start3A_228 : memref<128xi32, #tpu.memory_space<hbm>>) target(%arg12 : memref<128xi32, #tpu.memory_space<vmem>>) target_semaphore(%arg24 : memref<!tpu.dma_semaphore, #tpu.memory_space<semaphore_mem>>)
      %dma_start3A_229 = tpu.memref_slice %arg3[%mul3A_226] : memref<327680xi32, #tpu.memory_space<hbm>> -> memref<128xi32, #tpu.memory_space<hbm>>
      %dma_start3A_230 = tpu.memref_slice %arg3[%mul3A_226] : memref<327680xi32, #tpu.memory_space<hbm>> -> memref<128xi32, #tpu.memory_space<hbm>>
      tpu.enqueue_dma source(%dma_start3A_230 : memref<128xi32, #tpu.memory_space<hbm>>) target(%arg16 : memref<128xi32, #tpu.memory_space<vmem>>) target_semaphore(%arg28 : memref<!tpu.dma_semaphore, #tpu.memory_space<semaphore_mem>>)
      %dma_wait3A_231 = arith.constant 0 : i32
      %dma_wait3A_232 = tpu.memref_slice %arg2[%dma_wait3A_231] : memref<327680xi32, #tpu.memory_space<hbm>> -> memref<128xi32, #tpu.memory_space<hbm>>
      %dma_wait3A_233 = arith.constant 0 : i32
      %dma_wait3A_234 = tpu.memref_slice %arg2[%dma_wait3A_233] : memref<327680xi32, #tpu.memory_space<hbm>> -> memref<128xi32, #tpu.memory_space<hbm>>
      tpu.wait_dma2 semaphore(%arg22 : memref<!tpu.dma_semaphore, #tpu.memory_space<semaphore_mem>>) src(%dma_wait3A_234 : memref<128xi32, #tpu.memory_space<hbm>>) dst(%arg10 : memref<128xi32, #tpu.memory_space<vmem>>)
      %dma_start3A_235 = arith.constant 0 : i32
      %dma_start3A_236 = arith.constant 0 : i32
      %dma_start3A_237 = tpu.memref_slice %arg4[%dma_start3A_235, %dma_start3A_236] : memref<10112x128xf32, #tpu.memory_space<hbm>> -> memref<10112x128xf32, #tpu.memory_space<hbm>>
      tpu.enqueue_indirect_dma source(%dma_start3A_237 : memref<10112x128xf32, #tpu.memory_space<hbm>>) target(%arg18 : memref<128x128xf32, #tpu.memory_space<vmem>>) offsets(%arg10 : memref<128xi32, #tpu.memory_space<vmem>>) semaphore(%arg30 : memref<!tpu.dma_semaphore, #tpu.memory_space<semaphore_mem>>)
      %scan3A = arith.constant 0 : i32
      %scan3A_238 = arith.constant 0 : i32
      %scan3A_239 = arith.constant 28 : i32
      %scan3A_240 = arith.addi %scan3A_238, %scan3A_239 : i32
      %scan3A_241 = arith.constant 1 : i32
      %scan3A_242 = scf.for %scan3A_374 = %scan3A_238 to %scan3A_240 step %scan3A_241 iter_args(%scan3A_375 = %scan3A) -> (i32)  : i32 {
        %mul3A_376 = arith.constant 4 : i32
        %mul3A_377 = arith.muli %scan3A_374, %mul3A_376 : i32
        %add3A_378 = arith.constant 8 : i32
        %add3A_379 = arith.addi %mul3A_377, %add3A_378 : i32
        %add3A_380 = arith.constant 0 : i32
        %add3A_381 = arith.addi %add3A_379, %add3A_380 : i32
        %dma_wait3A_382 = arith.constant 0 : i32
        %dma_wait3A_383 = tpu.memref_slice %arg3[%dma_wait3A_382] : memref<327680xi32, #tpu.memory_space<hbm>> -> memref<128xi32, #tpu.memory_space<hbm>>
        %dma_wait3A_384 = arith.constant 0 : i32
        %dma_wait3A_385 = tpu.memref_slice %arg3[%dma_wait3A_384] : memref<327680xi32, #tpu.memory_space<hbm>> -> memref<128xi32, #tpu.memory_space<hbm>>
        tpu.wait_dma2 semaphore(%arg25 : memref<!tpu.dma_semaphore, #tpu.memory_space<semaphore_mem>>) src(%dma_wait3A_385 : memref<128xi32, #tpu.memory_space<hbm>>) dst(%arg13 : memref<128xi32, #tpu.memory_space<vmem>>)
        %dma_wait3A_386 = arith.constant 0 : i32
        %dma_wait3A_387 = arith.constant 0 : i32
        %dma_wait3A_388 = tpu.memref_slice %arg4[%dma_wait3A_386, %dma_wait3A_387] : memref<10112x128xf32, #tpu.memory_space<hbm>> -> memref<10112x128xf32, #tpu.memory_space<hbm>>
        tpu.wait_indirect_dma semaphore(%arg29 : memref<!tpu.dma_semaphore, #tpu.memory_space<semaphore_mem>>) src(%dma_wait3A_388 : memref<10112x128xf32, #tpu.memory_space<hbm>>) dst(%arg17 : memref<128x128xf32, #tpu.memory_space<vmem>>)
        %dma_start3A_389 = arith.constant 0 : i32
        %dma_start3A_390 = arith.constant 0 : i32
        %dma_start3A_391 = tpu.memref_slice %arg20[%dma_start3A_389, %dma_start3A_390] : memref<10112x128xf32, #tpu.memory_space<vmem_shared>> -> memref<10112x128xf32, #tpu.memory_space<vmem_shared>>
        tpu.enqueue_indirect_dma source(%arg17 : memref<128x128xf32, #tpu.memory_space<vmem>>) target(%dma_start3A_391 : memref<10112x128xf32, #tpu.memory_space<vmem_shared>>) offsets(%arg13 : memref<128xi32, #tpu.memory_space<vmem>>) semaphore(%arg31 : memref<!tpu.dma_semaphore, #tpu.memory_space<semaphore_mem>>) {add = true}
        %get3A_392 = arith.constant 0 : index
        %get3A_393 = tpu.vector_load %arg13[%get3A_392] {strides = array<i32>} : memref<128xi32, #tpu.memory_space<vmem>>, vector<16xi32>,
        tpu.vector_store_idx %arg19[%get3A_393], %broadcast_in_dim3A_1 {add = true} : memref<10112xf32, #tpu.memory_space<vmem>>[vector<16xi32>], vector<16xf32>,
        %get3A_394 = arith.constant 16 : index
        %get3A_395 = tpu.vector_load %arg13[%get3A_394] {strides = array<i32>} : memref<128xi32, #tpu.memory_space<vmem>>, vector<16xi32>,
        tpu.vector_store_idx %arg19[%get3A_395], %broadcast_in_dim3A_1 {add = true} : memref<10112xf32, #tpu.memory_space<vmem>>[vector<16xi32>], vector<16xf32>,
        %get3A_396 = arith.constant 32 : index
        %get3A_397 = tpu.vector_load %arg13[%get3A_396] {strides = array<i32>} : memref<128xi32, #tpu.memory_space<vmem>>, vector<16xi32>,
        tpu.vector_store_idx %arg19[%get3A_397], %broadcast_in_dim3A_1 {add = true} : memref<10112xf32, #tpu.memory_space<vmem>>[vector<16xi32>], vector<16xf32>,
        %get3A_398 = arith.constant 48 : index
        %get3A_399 = tpu.vector_load %arg13[%get3A_398] {strides = array<i32>} : memref<128xi32, #tpu.memory_space<vmem>>, vector<16xi32>,
        tpu.vector_store_idx %arg19[%get3A_399], %broadcast_in_dim3A_1 {add = true} : memref<10112xf32, #tpu.memory_space<vmem>>[vector<16xi32>], vector<16xf32>,
        %get3A_400 = arith.constant 64 : index
        %get3A_401 = tpu.vector_load %arg13[%get3A_400] {strides = array<i32>} : memref<128xi32, #tpu.memory_space<vmem>>, vector<16xi32>,
        tpu.vector_store_idx %arg19[%get3A_401], %broadcast_in_dim3A_1 {add = true} : memref<10112xf32, #tpu.memory_space<vmem>>[vector<16xi32>], vector<16xf32>,
        %get3A_402 = arith.constant 80 : index
        %get3A_403 = tpu.vector_load %arg13[%get3A_402] {strides = array<i32>} : memref<128xi32, #tpu.memory_space<vmem>>, vector<16xi32>,
        tpu.vector_store_idx %arg19[%get3A_403], %broadcast_in_dim3A_1 {add = true} : memref<10112xf32, #tpu.memory_space<vmem>>[vector<16xi32>], vector<16xf32>,
        %get3A_404 = arith.constant 96 : index
        %get3A_405 = tpu.vector_load %arg13[%get3A_404] {strides = array<i32>} : memref<128xi32, #tpu.memory_space<vmem>>, vector<16xi32>,
        tpu.vector_store_idx %arg19[%get3A_405], %broadcast_in_dim3A_1 {add = true} : memref<10112xf32, #tpu.memory_space<vmem>>[vector<16xi32>], vector<16xf32>,
        %get3A_406 = arith.constant 112 : index
        %get3A_407 = tpu.vector_load %arg13[%get3A_406] {strides = array<i32>} : memref<128xi32, #tpu.memory_space<vmem>>, vector<16xi32>,
        tpu.vector_store_idx %arg19[%get3A_407], %broadcast_in_dim3A_1 {add = true} : memref<10112xf32, #tpu.memory_space<vmem>>[vector<16xi32>], vector<16xf32>,
        %dma_wait3A_408 = arith.constant 0 : i32
        %dma_wait3A_409 = arith.constant 0 : i32
        %dma_wait3A_410 = tpu.memref_slice %arg20[%dma_wait3A_408, %dma_wait3A_409] : memref<10112x128xf32, #tpu.memory_space<vmem_shared>> -> memref<10112x128xf32, #tpu.memory_space<vmem_shared>>
        tpu.wait_indirect_dma semaphore(%arg31 : memref<!tpu.dma_semaphore, #tpu.memory_space<semaphore_mem>>) src(%arg17 : memref<128x128xf32, #tpu.memory_space<vmem>>) dst(%dma_wait3A_410 : memref<10112x128xf32, #tpu.memory_space<vmem_shared>>)
        %add3A_411 = arith.addi %mul3A_18, %add3A_381 : i32
        %mul3A_412 = arith.constant 128 : i32
        %mul3A_413 = arith.muli %add3A_411, %mul3A_412 : i32
        %dma_start3A_414 = tpu.memref_slice %arg2[%mul3A_413] : memref<327680xi32, #tpu.memory_space<hbm>> -> memref<128xi32, #tpu.memory_space<hbm>>
        %dma_start3A_415 = tpu.memref_slice %arg2[%mul3A_413] : memref<327680xi32, #tpu.memory_space<hbm>> -> memref<128xi32, #tpu.memory_space<hbm>>
        tpu.enqueue_dma source(%dma_start3A_415 : memref<128xi32, #tpu.memory_space<hbm>>) target(%arg9 : memref<128xi32, #tpu.memory_space<vmem>>) target_semaphore(%arg21 : memref<!tpu.dma_semaphore, #tpu.memory_space<semaphore_mem>>)
        %dma_start3A_416 = tpu.memref_slice %arg3[%mul3A_413] : memref<327680xi32, #tpu.memory_space<hbm>> -> memref<128xi32, #tpu.memory_space<hbm>>
        %dma_start3A_417 = tpu.memref_slice %arg3[%mul3A_413] : memref<327680xi32, #tpu.memory_space<hbm>> -> memref<128xi32, #tpu.memory_space<hbm>>
        tpu.enqueue_dma source(%dma_start3A_417 : memref<128xi32, #tpu.memory_space<hbm>>) target(%arg13 : memref<128xi32, #tpu.memory_space<vmem>>) target_semaphore(%arg25 : memref<!tpu.dma_semaphore, #tpu.memory_space<semaphore_mem>>)
        %dma_wait3A_418 = arith.constant 0 : i32
        %dma_wait3A_419 = tpu.memref_slice %arg2[%dma_wait3A_418] : memref<327680xi32, #tpu.memory_space<hbm>> -> memref<128xi32, #tpu.memory_space<hbm>>
        %dma_wait3A_420 = arith.constant 0 : i32
        %dma_wait3A_421 = tpu.memref_slice %arg2[%dma_wait3A_420] : memref<327680xi32, #tpu.memory_space<hbm>> -> memref<128xi32, #tpu.memory_space<hbm>>
        tpu.wait_dma2 semaphore(%arg23 : memref<!tpu.dma_semaphore, #tpu.memory_space<semaphore_mem>>) src(%dma_wait3A_421 : memref<128xi32, #tpu.memory_space<hbm>>) dst(%arg11 : memref<128xi32, #tpu.memory_space<vmem>>)
        %dma_start3A_422 = arith.constant 0 : i32
        %dma_start3A_423 = arith.constant 0 : i32
        %dma_start3A_424 = tpu.memref_slice %arg4[%dma_start3A_422, %dma_start3A_423] : memref<10112x128xf32, #tpu.memory_space<hbm>> -> memref<10112x128xf32, #tpu.memory_space<hbm>>
        tpu.enqueue_indirect_dma source(%dma_start3A_424 : memref<10112x128xf32, #tpu.memory_space<hbm>>) target(%arg17 : memref<128x128xf32, #tpu.memory_space<vmem>>) offsets(%arg11 : memref<128xi32, #tpu.memory_space<vmem>>) semaphore(%arg29 : memref<!tpu.dma_semaphore, #tpu.memory_space<semaphore_mem>>)
        %mul3A_425 = arith.constant 4 : i32
        %mul3A_426 = arith.muli %scan3A_374, %mul3A_425 : i32
        %add3A_427 = arith.constant 8 : i32
        %add3A_428 = arith.addi %mul3A_426, %add3A_427 : i32
        %add3A_429 = arith.constant 1 : i32
        %add3A_430 = arith.addi %add3A_428, %add3A_429 : i32
        %dma_wait3A_431 = arith.constant 0 : i32
        %dma_wait3A_432 = tpu.memref_slice %arg3[%dma_wait3A_431] : memref<327680xi32, #tpu.memory_space<hbm>> -> memref<128xi32, #tpu.memory_space<hbm>>
        %dma_wait3A_433 = arith.constant 0 : i32
        %dma_wait3A_434 = tpu.memref_slice %arg3[%dma_wait3A_433] : memref<327680xi32, #tpu.memory_space<hbm>> -> memref<128xi32, #tpu.memory_space<hbm>>
        tpu.wait_dma2 semaphore(%arg26 : memref<!tpu.dma_semaphore, #tpu.memory_space<semaphore_mem>>) src(%dma_wait3A_434 : memref<128xi32, #tpu.memory_space<hbm>>) dst(%arg14 : memref<128xi32, #tpu.memory_space<vmem>>)
        %dma_wait3A_435 = arith.constant 0 : i32
        %dma_wait3A_436 = arith.constant 0 : i32
        %dma_wait3A_437 = tpu.memref_slice %arg4[%dma_wait3A_435, %dma_wait3A_436] : memref<10112x128xf32, #tpu.memory_space<hbm>> -> memref<10112x128xf32, #tpu.memory_space<hbm>>
        tpu.wait_indirect_dma semaphore(%arg30 : memref<!tpu.dma_semaphore, #tpu.memory_space<semaphore_mem>>) src(%dma_wait3A_437 : memref<10112x128xf32, #tpu.memory_space<hbm>>) dst(%arg18 : memref<128x128xf32, #tpu.memory_space<vmem>>)
        %dma_start3A_438 = arith.constant 0 : i32
        %dma_start3A_439 = arith.constant 0 : i32
        %dma_start3A_440 = tpu.memref_slice %arg20[%dma_start3A_438, %dma_start3A_439] : memref<10112x128xf32, #tpu.memory_space<vmem_shared>> -> memref<10112x128xf32, #tpu.memory_space<vmem_shared>>
        tpu.enqueue_indirect_dma source(%arg18 : memref<128x128xf32, #tpu.memory_space<vmem>>) target(%dma_start3A_440 : memref<10112x128xf32, #tpu.memory_space<vmem_shared>>) offsets(%arg14 : memref<128xi32, #tpu.memory_space<vmem>>) semaphore(%arg32 : memref<!tpu.dma_semaphore, #tpu.memory_space<semaphore_mem>>) {add = true}
        %get3A_441 = arith.constant 0 : index
        %get3A_442 = tpu.vector_load %arg14[%get3A_441] {strides = array<i32>} : memref<128xi32, #tpu.memory_space<vmem>>, vector<16xi32>,
        tpu.vector_store_idx %arg19[%get3A_442], %broadcast_in_dim3A_1 {add = true} : memref<10112xf32, #tpu.memory_space<vmem>>[vector<16xi32>], vector<16xf32>,
        %get3A_443 = arith.constant 16 : index
        %get3A_444 = tpu.vector_load %arg14[%get3A_443] {strides = array<i32>} : memref<128xi32, #tpu.memory_space<vmem>>, vector<16xi32>,
        tpu.vector_store_idx %arg19[%get3A_444], %broadcast_in_dim3A_1 {add = true} : memref<10112xf32, #tpu.memory_space<vmem>>[vector<16xi32>], vector<16xf32>,
        %get3A_445 = arith.constant 32 : index
        %get3A_446 = tpu.vector_load %arg14[%get3A_445] {strides = array<i32>} : memref<128xi32, #tpu.memory_space<vmem>>, vector<16xi32>,
        tpu.vector_store_idx %arg19[%get3A_446], %broadcast_in_dim3A_1 {add = true} : memref<10112xf32, #tpu.memory_space<vmem>>[vector<16xi32>], vector<16xf32>,
        %get3A_447 = arith.constant 48 : index
        %get3A_448 = tpu.vector_load %arg14[%get3A_447] {strides = array<i32>} : memref<128xi32, #tpu.memory_space<vmem>>, vector<16xi32>,
        tpu.vector_store_idx %arg19[%get3A_448], %broadcast_in_dim3A_1 {add = true} : memref<10112xf32, #tpu.memory_space<vmem>>[vector<16xi32>], vector<16xf32>,
        %get3A_449 = arith.constant 64 : index
        %get3A_450 = tpu.vector_load %arg14[%get3A_449] {strides = array<i32>} : memref<128xi32, #tpu.memory_space<vmem>>, vector<16xi32>,
        tpu.vector_store_idx %arg19[%get3A_450], %broadcast_in_dim3A_1 {add = true} : memref<10112xf32, #tpu.memory_space<vmem>>[vector<16xi32>], vector<16xf32>,
        %get3A_451 = arith.constant 80 : index
        %get3A_452 = tpu.vector_load %arg14[%get3A_451] {strides = array<i32>} : memref<128xi32, #tpu.memory_space<vmem>>, vector<16xi32>,
        tpu.vector_store_idx %arg19[%get3A_452], %broadcast_in_dim3A_1 {add = true} : memref<10112xf32, #tpu.memory_space<vmem>>[vector<16xi32>], vector<16xf32>,
        %get3A_453 = arith.constant 96 : index
        %get3A_454 = tpu.vector_load %arg14[%get3A_453] {strides = array<i32>} : memref<128xi32, #tpu.memory_space<vmem>>, vector<16xi32>,
        tpu.vector_store_idx %arg19[%get3A_454], %broadcast_in_dim3A_1 {add = true} : memref<10112xf32, #tpu.memory_space<vmem>>[vector<16xi32>], vector<16xf32>,
        %get3A_455 = arith.constant 112 : index
        %get3A_456 = tpu.vector_load %arg14[%get3A_455] {strides = array<i32>} : memref<128xi32, #tpu.memory_space<vmem>>, vector<16xi32>,
        tpu.vector_store_idx %arg19[%get3A_456], %broadcast_in_dim3A_1 {add = true} : memref<10112xf32, #tpu.memory_space<vmem>>[vector<16xi32>], vector<16xf32>,
        %dma_wait3A_457 = arith.constant 0 : i32
        %dma_wait3A_458 = arith.constant 0 : i32
        %dma_wait3A_459 = tpu.memref_slice %arg20[%dma_wait3A_457, %dma_wait3A_458] : memref<10112x128xf32, #tpu.memory_space<vmem_shared>> -> memref<10112x128xf32, #tpu.memory_space<vmem_shared>>
        tpu.wait_indirect_dma semaphore(%arg32 : memref<!tpu.dma_semaphore, #tpu.memory_space<semaphore_mem>>) src(%arg18 : memref<128x128xf32, #tpu.memory_space<vmem>>) dst(%dma_wait3A_459 : memref<10112x128xf32, #tpu.memory_space<vmem_shared>>)
        %add3A_460 = arith.addi %mul3A_18, %add3A_430 : i32
        %mul3A_461 = arith.constant 128 : i32
        %mul3A_462 = arith.muli %add3A_460, %mul3A_461 : i32
        %dma_start3A_463 = tpu.memref_slice %arg2[%mul3A_462] : memref<327680xi32, #tpu.memory_space<hbm>> -> memref<128xi32, #tpu.memory_space<hbm>>
        %dma_start3A_464 = tpu.memref_slice %arg2[%mul3A_462] : memref<327680xi32, #tpu.memory_space<hbm>> -> memref<128xi32, #tpu.memory_space<hbm>>
        tpu.enqueue_dma source(%dma_start3A_464 : memref<128xi32, #tpu.memory_space<hbm>>) target(%arg10 : memref<128xi32, #tpu.memory_space<vmem>>) target_semaphore(%arg22 : memref<!tpu.dma_semaphore, #tpu.memory_space<semaphore_mem>>)
        %dma_start3A_465 = tpu.memref_slice %arg3[%mul3A_462] : memref<327680xi32, #tpu.memory_space<hbm>> -> memref<128xi32, #tpu.memory_space<hbm>>
        %dma_start3A_466 = tpu.memref_slice %arg3[%mul3A_462] : memref<327680xi32, #tpu.memory_space<hbm>> -> memref<128xi32, #tpu.memory_space<hbm>>
        tpu.enqueue_dma source(%dma_start3A_466 : memref<128xi32, #tpu.memory_space<hbm>>) target(%arg14 : memref<128xi32, #tpu.memory_space<vmem>>) target_semaphore(%arg26 : memref<!tpu.dma_semaphore, #tpu.memory_space<semaphore_mem>>)
        %dma_wait3A_467 = arith.constant 0 : i32
        %dma_wait3A_468 = tpu.memref_slice %arg2[%dma_wait3A_467] : memref<327680xi32, #tpu.memory_space<hbm>> -> memref<128xi32, #tpu.memory_space<hbm>>
        %dma_wait3A_469 = arith.constant 0 : i32
        %dma_wait3A_470 = tpu.memref_slice %arg2[%dma_wait3A_469] : memref<327680xi32, #tpu.memory_space<hbm>> -> memref<128xi32, #tpu.memory_space<hbm>>
        tpu.wait_dma2 semaphore(%arg24 : memref<!tpu.dma_semaphore, #tpu.memory_space<semaphore_mem>>) src(%dma_wait3A_470 : memref<128xi32, #tpu.memory_space<hbm>>) dst(%arg12 : memref<128xi32, #tpu.memory_space<vmem>>)
        %dma_start3A_471 = arith.constant 0 : i32
        %dma_start3A_472 = arith.constant 0 : i32
        %dma_start3A_473 = tpu.memref_slice %arg4[%dma_start3A_471, %dma_start3A_472] : memref<10112x128xf32, #tpu.memory_space<hbm>> -> memref<10112x128xf32, #tpu.memory_space<hbm>>
        tpu.enqueue_indirect_dma source(%dma_start3A_473 : memref<10112x128xf32, #tpu.memory_space<hbm>>) target(%arg18 : memref<128x128xf32, #tpu.memory_space<vmem>>) offsets(%arg12 : memref<128xi32, #tpu.memory_space<vmem>>) semaphore(%arg30 : memref<!tpu.dma_semaphore, #tpu.memory_space<semaphore_mem>>)
        %mul3A_474 = arith.constant 4 : i32
        %mul3A_475 = arith.muli %scan3A_374, %mul3A_474 : i32
        %add3A_476 = arith.constant 8 : i32
        %add3A_477 = arith.addi %mul3A_475, %add3A_476 : i32
        %add3A_478 = arith.constant 2 : i32
        %add3A_479 = arith.addi %add3A_477, %add3A_478 : i32
        %dma_wait3A_480 = arith.constant 0 : i32
        %dma_wait3A_481 = tpu.memref_slice %arg3[%dma_wait3A_480] : memref<327680xi32, #tpu.memory_space<hbm>> -> memref<128xi32, #tpu.memory_space<hbm>>
        %dma_wait3A_482 = arith.constant 0 : i32
        %dma_wait3A_483 = tpu.memref_slice %arg3[%dma_wait3A_482] : memref<327680xi32, #tpu.memory_space<hbm>> -> memref<128xi32, #tpu.memory_space<hbm>>
        tpu.wait_dma2 semaphore(%arg27 : memref<!tpu.dma_semaphore, #tpu.memory_space<semaphore_mem>>) src(%dma_wait3A_483 : memref<128xi32, #tpu.memory_space<hbm>>) dst(%arg15 : memref<128xi32, #tpu.memory_space<vmem>>)
        %dma_wait3A_484 = arith.constant 0 : i32
        %dma_wait3A_485 = arith.constant 0 : i32
        %dma_wait3A_486 = tpu.memref_slice %arg4[%dma_wait3A_484, %dma_wait3A_485] : memref<10112x128xf32, #tpu.memory_space<hbm>> -> memref<10112x128xf32, #tpu.memory_space<hbm>>
        tpu.wait_indirect_dma semaphore(%arg29 : memref<!tpu.dma_semaphore, #tpu.memory_space<semaphore_mem>>) src(%dma_wait3A_486 : memref<10112x128xf32, #tpu.memory_space<hbm>>) dst(%arg17 : memref<128x128xf32, #tpu.memory_space<vmem>>)
        %dma_start3A_487 = arith.constant 0 : i32
        %dma_start3A_488 = arith.constant 0 : i32
        %dma_start3A_489 = tpu.memref_slice %arg20[%dma_start3A_487, %dma_start3A_488] : memref<10112x128xf32, #tpu.memory_space<vmem_shared>> -> memref<10112x128xf32, #tpu.memory_space<vmem_shared>>
        tpu.enqueue_indirect_dma source(%arg17 : memref<128x128xf32, #tpu.memory_space<vmem>>) target(%dma_start3A_489 : memref<10112x128xf32, #tpu.memory_space<vmem_shared>>) offsets(%arg15 : memref<128xi32, #tpu.memory_space<vmem>>) semaphore(%arg31 : memref<!tpu.dma_semaphore, #tpu.memory_space<semaphore_mem>>) {add = true}
        %get3A_490 = arith.constant 0 : index
        %get3A_491 = tpu.vector_load %arg15[%get3A_490] {strides = array<i32>} : memref<128xi32, #tpu.memory_space<vmem>>, vector<16xi32>,
        tpu.vector_store_idx %arg19[%get3A_491], %broadcast_in_dim3A_1 {add = true} : memref<10112xf32, #tpu.memory_space<vmem>>[vector<16xi32>], vector<16xf32>,
        %get3A_492 = arith.constant 16 : index
        %get3A_493 = tpu.vector_load %arg15[%get3A_492] {strides = array<i32>} : memref<128xi32, #tpu.memory_space<vmem>>, vector<16xi32>,
        tpu.vector_store_idx %arg19[%get3A_493], %broadcast_in_dim3A_1 {add = true} : memref<10112xf32, #tpu.memory_space<vmem>>[vector<16xi32>], vector<16xf32>,
        %get3A_494 = arith.constant 32 : index
        %get3A_495 = tpu.vector_load %arg15[%get3A_494] {strides = array<i32>} : memref<128xi32, #tpu.memory_space<vmem>>, vector<16xi32>,
        tpu.vector_store_idx %arg19[%get3A_495], %broadcast_in_dim3A_1 {add = true} : memref<10112xf32, #tpu.memory_space<vmem>>[vector<16xi32>], vector<16xf32>,
        %get3A_496 = arith.constant 48 : index
        %get3A_497 = tpu.vector_load %arg15[%get3A_496] {strides = array<i32>} : memref<128xi32, #tpu.memory_space<vmem>>, vector<16xi32>,
        tpu.vector_store_idx %arg19[%get3A_497], %broadcast_in_dim3A_1 {add = true} : memref<10112xf32, #tpu.memory_space<vmem>>[vector<16xi32>], vector<16xf32>,
        %get3A_498 = arith.constant 64 : index
        %get3A_499 = tpu.vector_load %arg15[%get3A_498] {strides = array<i32>} : memref<128xi32, #tpu.memory_space<vmem>>, vector<16xi32>,
        tpu.vector_store_idx %arg19[%get3A_499], %broadcast_in_dim3A_1 {add = true} : memref<10112xf32, #tpu.memory_space<vmem>>[vector<16xi32>], vector<16xf32>,
        %get3A_500 = arith.constant 80 : index
        %get3A_501 = tpu.vector_load %arg15[%get3A_500] {strides = array<i32>} : memref<128xi32, #tpu.memory_space<vmem>>, vector<16xi32>,
        tpu.vector_store_idx %arg19[%get3A_501], %broadcast_in_dim3A_1 {add = true} : memref<10112xf32, #tpu.memory_space<vmem>>[vector<16xi32>], vector<16xf32>,
        %get3A_502 = arith.constant 96 : index
        %get3A_503 = tpu.vector_load %arg15[%get3A_502] {strides = array<i32>} : memref<128xi32, #tpu.memory_space<vmem>>, vector<16xi32>,
        tpu.vector_store_idx %arg19[%get3A_503], %broadcast_in_dim3A_1 {add = true} : memref<10112xf32, #tpu.memory_space<vmem>>[vector<16xi32>], vector<16xf32>,
        %get3A_504 = arith.constant 112 : index
        %get3A_505 = tpu.vector_load %arg15[%get3A_504] {strides = array<i32>} : memref<128xi32, #tpu.memory_space<vmem>>, vector<16xi32>,
        tpu.vector_store_idx %arg19[%get3A_505], %broadcast_in_dim3A_1 {add = true} : memref<10112xf32, #tpu.memory_space<vmem>>[vector<16xi32>], vector<16xf32>,
        %dma_wait3A_506 = arith.constant 0 : i32
        %dma_wait3A_507 = arith.constant 0 : i32
        %dma_wait3A_508 = tpu.memref_slice %arg20[%dma_wait3A_506, %dma_wait3A_507] : memref<10112x128xf32, #tpu.memory_space<vmem_shared>> -> memref<10112x128xf32, #tpu.memory_space<vmem_shared>>
        tpu.wait_indirect_dma semaphore(%arg31 : memref<!tpu.dma_semaphore, #tpu.memory_space<semaphore_mem>>) src(%arg17 : memref<128x128xf32, #tpu.memory_space<vmem>>) dst(%dma_wait3A_508 : memref<10112x128xf32, #tpu.memory_space<vmem_shared>>)
        %add3A_509 = arith.addi %mul3A_18, %add3A_479 : i32
        %mul3A_510 = arith.constant 128 : i32
        %mul3A_511 = arith.muli %add3A_509, %mul3A_510 : i32
        %dma_start3A_512 = tpu.memref_slice %arg2[%mul3A_511] : memref<327680xi32, #tpu.memory_space<hbm>> -> memref<128xi32, #tpu.memory_space<hbm>>
        %dma_start3A_513 = tpu.memref_slice %arg2[%mul3A_511] : memref<327680xi32, #tpu.memory_space<hbm>> -> memref<128xi32, #tpu.memory_space<hbm>>
        tpu.enqueue_dma source(%dma_start3A_513 : memref<128xi32, #tpu.memory_space<hbm>>) target(%arg11 : memref<128xi32, #tpu.memory_space<vmem>>) target_semaphore(%arg23 : memref<!tpu.dma_semaphore, #tpu.memory_space<semaphore_mem>>)
        %dma_start3A_514 = tpu.memref_slice %arg3[%mul3A_511] : memref<327680xi32, #tpu.memory_space<hbm>> -> memref<128xi32, #tpu.memory_space<hbm>>
        %dma_start3A_515 = tpu.memref_slice %arg3[%mul3A_511] : memref<327680xi32, #tpu.memory_space<hbm>> -> memref<128xi32, #tpu.memory_space<hbm>>
        tpu.enqueue_dma source(%dma_start3A_515 : memref<128xi32, #tpu.memory_space<hbm>>) target(%arg15 : memref<128xi32, #tpu.memory_space<vmem>>) target_semaphore(%arg27 : memref<!tpu.dma_semaphore, #tpu.memory_space<semaphore_mem>>)
        %dma_wait3A_516 = arith.constant 0 : i32
        %dma_wait3A_517 = tpu.memref_slice %arg2[%dma_wait3A_516] : memref<327680xi32, #tpu.memory_space<hbm>> -> memref<128xi32, #tpu.memory_space<hbm>>
        %dma_wait3A_518 = arith.constant 0 : i32
        %dma_wait3A_519 = tpu.memref_slice %arg2[%dma_wait3A_518] : memref<327680xi32, #tpu.memory_space<hbm>> -> memref<128xi32, #tpu.memory_space<hbm>>
        tpu.wait_dma2 semaphore(%arg21 : memref<!tpu.dma_semaphore, #tpu.memory_space<semaphore_mem>>) src(%dma_wait3A_519 : memref<128xi32, #tpu.memory_space<hbm>>) dst(%arg9 : memref<128xi32, #tpu.memory_space<vmem>>)
        %dma_start3A_520 = arith.constant 0 : i32
        %dma_start3A_521 = arith.constant 0 : i32
        %dma_start3A_522 = tpu.memref_slice %arg4[%dma_start3A_520, %dma_start3A_521] : memref<10112x128xf32, #tpu.memory_space<hbm>> -> memref<10112x128xf32, #tpu.memory_space<hbm>>
        tpu.enqueue_indirect_dma source(%dma_start3A_522 : memref<10112x128xf32, #tpu.memory_space<hbm>>) target(%arg17 : memref<128x128xf32, #tpu.memory_space<vmem>>) offsets(%arg9 : memref<128xi32, #tpu.memory_space<vmem>>) semaphore(%arg29 : memref<!tpu.dma_semaphore, #tpu.memory_space<semaphore_mem>>)
        %mul3A_523 = arith.constant 4 : i32
        %mul3A_524 = arith.muli %scan3A_374, %mul3A_523 : i32
        %add3A_525 = arith.constant 8 : i32
        %add3A_526 = arith.addi %mul3A_524, %add3A_525 : i32
        %add3A_527 = arith.constant 3 : i32
        %add3A_528 = arith.addi %add3A_526, %add3A_527 : i32
        %dma_wait3A_529 = arith.constant 0 : i32
        %dma_wait3A_530 = tpu.memref_slice %arg3[%dma_wait3A_529] : memref<327680xi32, #tpu.memory_space<hbm>> -> memref<128xi32, #tpu.memory_space<hbm>>
        %dma_wait3A_531 = arith.constant 0 : i32
        %dma_wait3A_532 = tpu.memref_slice %arg3[%dma_wait3A_531] : memref<327680xi32, #tpu.memory_space<hbm>> -> memref<128xi32, #tpu.memory_space<hbm>>
        tpu.wait_dma2 semaphore(%arg28 : memref<!tpu.dma_semaphore, #tpu.memory_space<semaphore_mem>>) src(%dma_wait3A_532 : memref<128xi32, #tpu.memory_space<hbm>>) dst(%arg16 : memref<128xi32, #tpu.memory_space<vmem>>)
        %dma_wait3A_533 = arith.constant 0 : i32
        %dma_wait3A_534 = arith.constant 0 : i32
        %dma_wait3A_535 = tpu.memref_slice %arg4[%dma_wait3A_533, %dma_wait3A_534] : memref<10112x128xf32, #tpu.memory_space<hbm>> -> memref<10112x128xf32, #tpu.memory_space<hbm>>
        tpu.wait_indirect_dma semaphore(%arg30 : memref<!tpu.dma_semaphore, #tpu.memory_space<semaphore_mem>>) src(%dma_wait3A_535 : memref<10112x128xf32, #tpu.memory_space<hbm>>) dst(%arg18 : memref<128x128xf32, #tpu.memory_space<vmem>>)
        %dma_start3A_536 = arith.constant 0 : i32
        %dma_start3A_537 = arith.constant 0 : i32
        %dma_start3A_538 = tpu.memref_slice %arg20[%dma_start3A_536, %dma_start3A_537] : memref<10112x128xf32, #tpu.memory_space<vmem_shared>> -> memref<10112x128xf32, #tpu.memory_space<vmem_shared>>
        tpu.enqueue_indirect_dma source(%arg18 : memref<128x128xf32, #tpu.memory_space<vmem>>) target(%dma_start3A_538 : memref<10112x128xf32, #tpu.memory_space<vmem_shared>>) offsets(%arg16 : memref<128xi32, #tpu.memory_space<vmem>>) semaphore(%arg32 : memref<!tpu.dma_semaphore, #tpu.memory_space<semaphore_mem>>) {add = true}
        %get3A_539 = arith.constant 0 : index
        %get3A_540 = tpu.vector_load %arg16[%get3A_539] {strides = array<i32>} : memref<128xi32, #tpu.memory_space<vmem>>, vector<16xi32>,
        tpu.vector_store_idx %arg19[%get3A_540], %broadcast_in_dim3A_1 {add = true} : memref<10112xf32, #tpu.memory_space<vmem>>[vector<16xi32>], vector<16xf32>,
        %get3A_541 = arith.constant 16 : index
        %get3A_542 = tpu.vector_load %arg16[%get3A_541] {strides = array<i32>} : memref<128xi32, #tpu.memory_space<vmem>>, vector<16xi32>,
        tpu.vector_store_idx %arg19[%get3A_542], %broadcast_in_dim3A_1 {add = true} : memref<10112xf32, #tpu.memory_space<vmem>>[vector<16xi32>], vector<16xf32>,
        %get3A_543 = arith.constant 32 : index
        %get3A_544 = tpu.vector_load %arg16[%get3A_543] {strides = array<i32>} : memref<128xi32, #tpu.memory_space<vmem>>, vector<16xi32>,
        tpu.vector_store_idx %arg19[%get3A_544], %broadcast_in_dim3A_1 {add = true} : memref<10112xf32, #tpu.memory_space<vmem>>[vector<16xi32>], vector<16xf32>,
        %get3A_545 = arith.constant 48 : index
        %get3A_546 = tpu.vector_load %arg16[%get3A_545] {strides = array<i32>} : memref<128xi32, #tpu.memory_space<vmem>>, vector<16xi32>,
        tpu.vector_store_idx %arg19[%get3A_546], %broadcast_in_dim3A_1 {add = true} : memref<10112xf32, #tpu.memory_space<vmem>>[vector<16xi32>], vector<16xf32>,
        %get3A_547 = arith.constant 64 : index
        %get3A_548 = tpu.vector_load %arg16[%get3A_547] {strides = array<i32>} : memref<128xi32, #tpu.memory_space<vmem>>, vector<16xi32>,
        tpu.vector_store_idx %arg19[%get3A_548], %broadcast_in_dim3A_1 {add = true} : memref<10112xf32, #tpu.memory_space<vmem>>[vector<16xi32>], vector<16xf32>,
        %get3A_549 = arith.constant 80 : index
        %get3A_550 = tpu.vector_load %arg16[%get3A_549] {strides = array<i32>} : memref<128xi32, #tpu.memory_space<vmem>>, vector<16xi32>,
        tpu.vector_store_idx %arg19[%get3A_550], %broadcast_in_dim3A_1 {add = true} : memref<10112xf32, #tpu.memory_space<vmem>>[vector<16xi32>], vector<16xf32>,
        %get3A_551 = arith.constant 96 : index
        %get3A_552 = tpu.vector_load %arg16[%get3A_551] {strides = array<i32>} : memref<128xi32, #tpu.memory_space<vmem>>, vector<16xi32>,
        tpu.vector_store_idx %arg19[%get3A_552], %broadcast_in_dim3A_1 {add = true} : memref<10112xf32, #tpu.memory_space<vmem>>[vector<16xi32>], vector<16xf32>,
        %get3A_553 = arith.constant 112 : index
        %get3A_554 = tpu.vector_load %arg16[%get3A_553] {strides = array<i32>} : memref<128xi32, #tpu.memory_space<vmem>>, vector<16xi32>,
        tpu.vector_store_idx %arg19[%get3A_554], %broadcast_in_dim3A_1 {add = true} : memref<10112xf32, #tpu.memory_space<vmem>>[vector<16xi32>], vector<16xf32>,
        %dma_wait3A_555 = arith.constant 0 : i32
        %dma_wait3A_556 = arith.constant 0 : i32
        %dma_wait3A_557 = tpu.memref_slice %arg20[%dma_wait3A_555, %dma_wait3A_556] : memref<10112x128xf32, #tpu.memory_space<vmem_shared>> -> memref<10112x128xf32, #tpu.memory_space<vmem_shared>>
        tpu.wait_indirect_dma semaphore(%arg32 : memref<!tpu.dma_semaphore, #tpu.memory_space<semaphore_mem>>) src(%arg18 : memref<128x128xf32, #tpu.memory_space<vmem>>) dst(%dma_wait3A_557 : memref<10112x128xf32, #tpu.memory_space<vmem_shared>>)
        %add3A_558 = arith.addi %mul3A_18, %add3A_528 : i32
        %mul3A_559 = arith.constant 128 : i32
        %mul3A_560 = arith.muli %add3A_558, %mul3A_559 : i32
        %dma_start3A_561 = tpu.memref_slice %arg2[%mul3A_560] : memref<327680xi32, #tpu.memory_space<hbm>> -> memref<128xi32, #tpu.memory_space<hbm>>
        %dma_start3A_562 = tpu.memref_slice %arg2[%mul3A_560] : memref<327680xi32, #tpu.memory_space<hbm>> -> memref<128xi32, #tpu.memory_space<hbm>>
        tpu.enqueue_dma source(%dma_start3A_562 : memref<128xi32, #tpu.memory_space<hbm>>) target(%arg12 : memref<128xi32, #tpu.memory_space<vmem>>) target_semaphore(%arg24 : memref<!tpu.dma_semaphore, #tpu.memory_space<semaphore_mem>>)
        %dma_start3A_563 = tpu.memref_slice %arg3[%mul3A_560] : memref<327680xi32, #tpu.memory_space<hbm>> -> memref<128xi32, #tpu.memory_space<hbm>>
        %dma_start3A_564 = tpu.memref_slice %arg3[%mul3A_560] : memref<327680xi32, #tpu.memory_space<hbm>> -> memref<128xi32, #tpu.memory_space<hbm>>
        tpu.enqueue_dma source(%dma_start3A_564 : memref<128xi32, #tpu.memory_space<hbm>>) target(%arg16 : memref<128xi32, #tpu.memory_space<vmem>>) target_semaphore(%arg28 : memref<!tpu.dma_semaphore, #tpu.memory_space<semaphore_mem>>)
        %dma_wait3A_565 = arith.constant 0 : i32
        %dma_wait3A_566 = tpu.memref_slice %arg2[%dma_wait3A_565] : memref<327680xi32, #tpu.memory_space<hbm>> -> memref<128xi32, #tpu.memory_space<hbm>>
        %dma_wait3A_567 = arith.constant 0 : i32
        %dma_wait3A_568 = tpu.memref_slice %arg2[%dma_wait3A_567] : memref<327680xi32, #tpu.memory_space<hbm>> -> memref<128xi32, #tpu.memory_space<hbm>>
        tpu.wait_dma2 semaphore(%arg22 : memref<!tpu.dma_semaphore, #tpu.memory_space<semaphore_mem>>) src(%dma_wait3A_568 : memref<128xi32, #tpu.memory_space<hbm>>) dst(%arg10 : memref<128xi32, #tpu.memory_space<vmem>>)
        %dma_start3A_569 = arith.constant 0 : i32
        %dma_start3A_570 = arith.constant 0 : i32
        %dma_start3A_571 = tpu.memref_slice %arg4[%dma_start3A_569, %dma_start3A_570] : memref<10112x128xf32, #tpu.memory_space<hbm>> -> memref<10112x128xf32, #tpu.memory_space<hbm>>
        tpu.enqueue_indirect_dma source(%dma_start3A_571 : memref<10112x128xf32, #tpu.memory_space<hbm>>) target(%arg18 : memref<128x128xf32, #tpu.memory_space<vmem>>) offsets(%arg10 : memref<128xi32, #tpu.memory_space<vmem>>) semaphore(%arg30 : memref<!tpu.dma_semaphore, #tpu.memory_space<semaphore_mem>>)
        %scan3A_572 = arith.constant 0 : i32
        scf.yield %scan3A_572 : i32
      }
      %scan3A_243 = arith.constant 28 : i32
      %dma_wait3A_244 = arith.constant 0 : i32
      %dma_wait3A_245 = tpu.memref_slice %arg3[%dma_wait3A_244] : memref<327680xi32, #tpu.memory_space<hbm>> -> memref<128xi32, #tpu.memory_space<hbm>>
      %dma_wait3A_246 = arith.constant 0 : i32
      %dma_wait3A_247 = tpu.memref_slice %arg3[%dma_wait3A_246] : memref<327680xi32, #tpu.memory_space<hbm>> -> memref<128xi32, #tpu.memory_space<hbm>>
      tpu.wait_dma2 semaphore(%arg25 : memref<!tpu.dma_semaphore, #tpu.memory_space<semaphore_mem>>) src(%dma_wait3A_247 : memref<128xi32, #tpu.memory_space<hbm>>) dst(%arg13 : memref<128xi32, #tpu.memory_space<vmem>>)
      %dma_wait3A_248 = arith.constant 0 : i32
      %dma_wait3A_249 = arith.constant 0 : i32
      %dma_wait3A_250 = tpu.memref_slice %arg4[%dma_wait3A_248, %dma_wait3A_249] : memref<10112x128xf32, #tpu.memory_space<hbm>> -> memref<10112x128xf32, #tpu.memory_space<hbm>>
      tpu.wait_indirect_dma semaphore(%arg29 : memref<!tpu.dma_semaphore, #tpu.memory_space<semaphore_mem>>) src(%dma_wait3A_250 : memref<10112x128xf32, #tpu.memory_space<hbm>>) dst(%arg17 : memref<128x128xf32, #tpu.memory_space<vmem>>)
      %dma_start3A_251 = arith.constant 0 : i32
      %dma_start3A_252 = arith.constant 0 : i32
      %dma_start3A_253 = tpu.memref_slice %arg20[%dma_start3A_251, %dma_start3A_252] : memref<10112x128xf32, #tpu.memory_space<vmem_shared>> -> memref<10112x128xf32, #tpu.memory_space<vmem_shared>>
      tpu.enqueue_indirect_dma source(%arg17 : memref<128x128xf32, #tpu.memory_space<vmem>>) target(%dma_start3A_253 : memref<10112x128xf32, #tpu.memory_space<vmem_shared>>) offsets(%arg13 : memref<128xi32, #tpu.memory_space<vmem>>) semaphore(%arg31 : memref<!tpu.dma_semaphore, #tpu.memory_space<semaphore_mem>>) {add = true}
      %get3A_254 = arith.constant 0 : index
      %get3A_255 = tpu.vector_load %arg13[%get3A_254] {strides = array<i32>} : memref<128xi32, #tpu.memory_space<vmem>>, vector<16xi32>,
      tpu.vector_store_idx %arg19[%get3A_255], %broadcast_in_dim3A_1 {add = true} : memref<10112xf32, #tpu.memory_space<vmem>>[vector<16xi32>], vector<16xf32>,
      %get3A_256 = arith.constant 16 : index
      %get3A_257 = tpu.vector_load %arg13[%get3A_256] {strides = array<i32>} : memref<128xi32, #tpu.memory_space<vmem>>, vector<16xi32>,
      tpu.vector_store_idx %arg19[%get3A_257], %broadcast_in_dim3A_1 {add = true} : memref<10112xf32, #tpu.memory_space<vmem>>[vector<16xi32>], vector<16xf32>,
      %get3A_258 = arith.constant 32 : index
      %get3A_259 = tpu.vector_load %arg13[%get3A_258] {strides = array<i32>} : memref<128xi32, #tpu.memory_space<vmem>>, vector<16xi32>,
      tpu.vector_store_idx %arg19[%get3A_259], %broadcast_in_dim3A_1 {add = true} : memref<10112xf32, #tpu.memory_space<vmem>>[vector<16xi32>], vector<16xf32>,
      %get3A_260 = arith.constant 48 : index
      %get3A_261 = tpu.vector_load %arg13[%get3A_260] {strides = array<i32>} : memref<128xi32, #tpu.memory_space<vmem>>, vector<16xi32>,
      tpu.vector_store_idx %arg19[%get3A_261], %broadcast_in_dim3A_1 {add = true} : memref<10112xf32, #tpu.memory_space<vmem>>[vector<16xi32>], vector<16xf32>,
      %get3A_262 = arith.constant 64 : index
      %get3A_263 = tpu.vector_load %arg13[%get3A_262] {strides = array<i32>} : memref<128xi32, #tpu.memory_space<vmem>>, vector<16xi32>,
      tpu.vector_store_idx %arg19[%get3A_263], %broadcast_in_dim3A_1 {add = true} : memref<10112xf32, #tpu.memory_space<vmem>>[vector<16xi32>], vector<16xf32>,
      %get3A_264 = arith.constant 80 : index
      %get3A_265 = tpu.vector_load %arg13[%get3A_264] {strides = array<i32>} : memref<128xi32, #tpu.memory_space<vmem>>, vector<16xi32>,
      tpu.vector_store_idx %arg19[%get3A_265], %broadcast_in_dim3A_1 {add = true} : memref<10112xf32, #tpu.memory_space<vmem>>[vector<16xi32>], vector<16xf32>,
      %get3A_266 = arith.constant 96 : index
      %get3A_267 = tpu.vector_load %arg13[%get3A_266] {strides = array<i32>} : memref<128xi32, #tpu.memory_space<vmem>>, vector<16xi32>,
      tpu.vector_store_idx %arg19[%get3A_267], %broadcast_in_dim3A_1 {add = true} : memref<10112xf32, #tpu.memory_space<vmem>>[vector<16xi32>], vector<16xf32>,
      %get3A_268 = arith.constant 112 : index
      %get3A_269 = tpu.vector_load %arg13[%get3A_268] {strides = array<i32>} : memref<128xi32, #tpu.memory_space<vmem>>, vector<16xi32>,
      tpu.vector_store_idx %arg19[%get3A_269], %broadcast_in_dim3A_1 {add = true} : memref<10112xf32, #tpu.memory_space<vmem>>[vector<16xi32>], vector<16xf32>,
      %dma_wait3A_270 = arith.constant 0 : i32
      %dma_wait3A_271 = arith.constant 0 : i32
      %dma_wait3A_272 = tpu.memref_slice %arg20[%dma_wait3A_270, %dma_wait3A_271] : memref<10112x128xf32, #tpu.memory_space<vmem_shared>> -> memref<10112x128xf32, #tpu.memory_space<vmem_shared>>
      tpu.wait_indirect_dma semaphore(%arg31 : memref<!tpu.dma_semaphore, #tpu.memory_space<semaphore_mem>>) src(%arg17 : memref<128x128xf32, #tpu.memory_space<vmem>>) dst(%dma_wait3A_272 : memref<10112x128xf32, #tpu.memory_space<vmem_shared>>)
      %dma_wait3A_273 = arith.constant 0 : i32
      %dma_wait3A_274 = tpu.memref_slice %arg2[%dma_wait3A_273] : memref<327680xi32, #tpu.memory_space<hbm>> -> memref<128xi32, #tpu.memory_space<hbm>>
      %dma_wait3A_275 = arith.constant 0 : i32
      %dma_wait3A_276 = tpu.memref_slice %arg2[%dma_wait3A_275] : memref<327680xi32, #tpu.memory_space<hbm>> -> memref<128xi32, #tpu.memory_space<hbm>>
      tpu.wait_dma2 semaphore(%arg23 : memref<!tpu.dma_semaphore, #tpu.memory_space<semaphore_mem>>) src(%dma_wait3A_276 : memref<128xi32, #tpu.memory_space<hbm>>) dst(%arg11 : memref<128xi32, #tpu.memory_space<vmem>>)
      %dma_start3A_277 = arith.constant 0 : i32
      %dma_start3A_278 = arith.constant 0 : i32
      %dma_start3A_279 = tpu.memref_slice %arg4[%dma_start3A_277, %dma_start3A_278] : memref<10112x128xf32, #tpu.memory_space<hbm>> -> memref<10112x128xf32, #tpu.memory_space<hbm>>
      tpu.enqueue_indirect_dma source(%dma_start3A_279 : memref<10112x128xf32, #tpu.memory_space<hbm>>) target(%arg17 : memref<128x128xf32, #tpu.memory_space<vmem>>) offsets(%arg11 : memref<128xi32, #tpu.memory_space<vmem>>) semaphore(%arg29 : memref<!tpu.dma_semaphore, #tpu.memory_space<semaphore_mem>>)
      %dma_wait3A_280 = arith.constant 0 : i32
      %dma_wait3A_281 = tpu.memref_slice %arg3[%dma_wait3A_280] : memref<327680xi32, #tpu.memory_space<hbm>> -> memref<128xi32, #tpu.memory_space<hbm>>
      %dma_wait3A_282 = arith.constant 0 : i32
      %dma_wait3A_283 = tpu.memref_slice %arg3[%dma_wait3A_282] : memref<327680xi32, #tpu.memory_space<hbm>> -> memref<128xi32, #tpu.memory_space<hbm>>
      tpu.wait_dma2 semaphore(%arg26 : memref<!tpu.dma_semaphore, #tpu.memory_space<semaphore_mem>>) src(%dma_wait3A_283 : memref<128xi32, #tpu.memory_space<hbm>>) dst(%arg14 : memref<128xi32, #tpu.memory_space<vmem>>)
      %dma_wait3A_284 = arith.constant 0 : i32
      %dma_wait3A_285 = arith.constant 0 : i32
      %dma_wait3A_286 = tpu.memref_slice %arg4[%dma_wait3A_284, %dma_wait3A_285] : memref<10112x128xf32, #tpu.memory_space<hbm>> -> memref<10112x128xf32, #tpu.memory_space<hbm>>
      tpu.wait_indirect_dma semaphore(%arg30 : memref<!tpu.dma_semaphore, #tpu.memory_space<semaphore_mem>>) src(%dma_wait3A_286 : memref<10112x128xf32, #tpu.memory_space<hbm>>) dst(%arg18 : memref<128x128xf32, #tpu.memory_space<vmem>>)
      %dma_start3A_287 = arith.constant 0 : i32
      %dma_start3A_288 = arith.constant 0 : i32
      %dma_start3A_289 = tpu.memref_slice %arg20[%dma_start3A_287, %dma_start3A_288] : memref<10112x128xf32, #tpu.memory_space<vmem_shared>> -> memref<10112x128xf32, #tpu.memory_space<vmem_shared>>
      tpu.enqueue_indirect_dma source(%arg18 : memref<128x128xf32, #tpu.memory_space<vmem>>) target(%dma_start3A_289 : memref<10112x128xf32, #tpu.memory_space<vmem_shared>>) offsets(%arg14 : memref<128xi32, #tpu.memory_space<vmem>>) semaphore(%arg32 : memref<!tpu.dma_semaphore, #tpu.memory_space<semaphore_mem>>) {add = true}
      %get3A_290 = arith.constant 0 : index
      %get3A_291 = tpu.vector_load %arg14[%get3A_290] {strides = array<i32>} : memref<128xi32, #tpu.memory_space<vmem>>, vector<16xi32>,
      tpu.vector_store_idx %arg19[%get3A_291], %broadcast_in_dim3A_1 {add = true} : memref<10112xf32, #tpu.memory_space<vmem>>[vector<16xi32>], vector<16xf32>,
      %get3A_292 = arith.constant 16 : index
      %get3A_293 = tpu.vector_load %arg14[%get3A_292] {strides = array<i32>} : memref<128xi32, #tpu.memory_space<vmem>>, vector<16xi32>,
      tpu.vector_store_idx %arg19[%get3A_293], %broadcast_in_dim3A_1 {add = true} : memref<10112xf32, #tpu.memory_space<vmem>>[vector<16xi32>], vector<16xf32>,
      %get3A_294 = arith.constant 32 : index
      %get3A_295 = tpu.vector_load %arg14[%get3A_294] {strides = array<i32>} : memref<128xi32, #tpu.memory_space<vmem>>, vector<16xi32>,
      tpu.vector_store_idx %arg19[%get3A_295], %broadcast_in_dim3A_1 {add = true} : memref<10112xf32, #tpu.memory_space<vmem>>[vector<16xi32>], vector<16xf32>,
      %get3A_296 = arith.constant 48 : index
      %get3A_297 = tpu.vector_load %arg14[%get3A_296] {strides = array<i32>} : memref<128xi32, #tpu.memory_space<vmem>>, vector<16xi32>,
      tpu.vector_store_idx %arg19[%get3A_297], %broadcast_in_dim3A_1 {add = true} : memref<10112xf32, #tpu.memory_space<vmem>>[vector<16xi32>], vector<16xf32>,
      %get3A_298 = arith.constant 64 : index
      %get3A_299 = tpu.vector_load %arg14[%get3A_298] {strides = array<i32>} : memref<128xi32, #tpu.memory_space<vmem>>, vector<16xi32>,
      tpu.vector_store_idx %arg19[%get3A_299], %broadcast_in_dim3A_1 {add = true} : memref<10112xf32, #tpu.memory_space<vmem>>[vector<16xi32>], vector<16xf32>,
      %get3A_300 = arith.constant 80 : index
      %get3A_301 = tpu.vector_load %arg14[%get3A_300] {strides = array<i32>} : memref<128xi32, #tpu.memory_space<vmem>>, vector<16xi32>,
      tpu.vector_store_idx %arg19[%get3A_301], %broadcast_in_dim3A_1 {add = true} : memref<10112xf32, #tpu.memory_space<vmem>>[vector<16xi32>], vector<16xf32>,
      %get3A_302 = arith.constant 96 : index
      %get3A_303 = tpu.vector_load %arg14[%get3A_302] {strides = array<i32>} : memref<128xi32, #tpu.memory_space<vmem>>, vector<16xi32>,
      tpu.vector_store_idx %arg19[%get3A_303], %broadcast_in_dim3A_1 {add = true} : memref<10112xf32, #tpu.memory_space<vmem>>[vector<16xi32>], vector<16xf32>,
      %get3A_304 = arith.constant 112 : index
      %get3A_305 = tpu.vector_load %arg14[%get3A_304] {strides = array<i32>} : memref<128xi32, #tpu.memory_space<vmem>>, vector<16xi32>,
      tpu.vector_store_idx %arg19[%get3A_305], %broadcast_in_dim3A_1 {add = true} : memref<10112xf32, #tpu.memory_space<vmem>>[vector<16xi32>], vector<16xf32>,
      %dma_wait3A_306 = arith.constant 0 : i32
      %dma_wait3A_307 = arith.constant 0 : i32
      %dma_wait3A_308 = tpu.memref_slice %arg20[%dma_wait3A_306, %dma_wait3A_307] : memref<10112x128xf32, #tpu.memory_space<vmem_shared>> -> memref<10112x128xf32, #tpu.memory_space<vmem_shared>>
      tpu.wait_indirect_dma semaphore(%arg32 : memref<!tpu.dma_semaphore, #tpu.memory_space<semaphore_mem>>) src(%arg18 : memref<128x128xf32, #tpu.memory_space<vmem>>) dst(%dma_wait3A_308 : memref<10112x128xf32, #tpu.memory_space<vmem_shared>>)
      %dma_wait3A_309 = arith.constant 0 : i32
      %dma_wait3A_310 = tpu.memref_slice %arg2[%dma_wait3A_309] : memref<327680xi32, #tpu.memory_space<hbm>> -> memref<128xi32, #tpu.memory_space<hbm>>
      %dma_wait3A_311 = arith.constant 0 : i32
      %dma_wait3A_312 = tpu.memref_slice %arg2[%dma_wait3A_311] : memref<327680xi32, #tpu.memory_space<hbm>> -> memref<128xi32, #tpu.memory_space<hbm>>
      tpu.wait_dma2 semaphore(%arg24 : memref<!tpu.dma_semaphore, #tpu.memory_space<semaphore_mem>>) src(%dma_wait3A_312 : memref<128xi32, #tpu.memory_space<hbm>>) dst(%arg12 : memref<128xi32, #tpu.memory_space<vmem>>)
      %dma_start3A_313 = arith.constant 0 : i32
      %dma_start3A_314 = arith.constant 0 : i32
      %dma_start3A_315 = tpu.memref_slice %arg4[%dma_start3A_313, %dma_start3A_314] : memref<10112x128xf32, #tpu.memory_space<hbm>> -> memref<10112x128xf32, #tpu.memory_space<hbm>>
      tpu.enqueue_indirect_dma source(%dma_start3A_315 : memref<10112x128xf32, #tpu.memory_space<hbm>>) target(%arg18 : memref<128x128xf32, #tpu.memory_space<vmem>>) offsets(%arg12 : memref<128xi32, #tpu.memory_space<vmem>>) semaphore(%arg30 : memref<!tpu.dma_semaphore, #tpu.memory_space<semaphore_mem>>)
      %dma_wait3A_316 = arith.constant 0 : i32
      %dma_wait3A_317 = tpu.memref_slice %arg3[%dma_wait3A_316] : memref<327680xi32, #tpu.memory_space<hbm>> -> memref<128xi32, #tpu.memory_space<hbm>>
      %dma_wait3A_318 = arith.constant 0 : i32
      %dma_wait3A_319 = tpu.memref_slice %arg3[%dma_wait3A_318] : memref<327680xi32, #tpu.memory_space<hbm>> -> memref<128xi32, #tpu.memory_space<hbm>>
      tpu.wait_dma2 semaphore(%arg27 : memref<!tpu.dma_semaphore, #tpu.memory_space<semaphore_mem>>) src(%dma_wait3A_319 : memref<128xi32, #tpu.memory_space<hbm>>) dst(%arg15 : memref<128xi32, #tpu.memory_space<vmem>>)
      %dma_wait3A_320 = arith.constant 0 : i32
      %dma_wait3A_321 = arith.constant 0 : i32
      %dma_wait3A_322 = tpu.memref_slice %arg4[%dma_wait3A_320, %dma_wait3A_321] : memref<10112x128xf32, #tpu.memory_space<hbm>> -> memref<10112x128xf32, #tpu.memory_space<hbm>>
      tpu.wait_indirect_dma semaphore(%arg29 : memref<!tpu.dma_semaphore, #tpu.memory_space<semaphore_mem>>) src(%dma_wait3A_322 : memref<10112x128xf32, #tpu.memory_space<hbm>>) dst(%arg17 : memref<128x128xf32, #tpu.memory_space<vmem>>)
      %dma_start3A_323 = arith.constant 0 : i32
      %dma_start3A_324 = arith.constant 0 : i32
      %dma_start3A_325 = tpu.memref_slice %arg20[%dma_start3A_323, %dma_start3A_324] : memref<10112x128xf32, #tpu.memory_space<vmem_shared>> -> memref<10112x128xf32, #tpu.memory_space<vmem_shared>>
      tpu.enqueue_indirect_dma source(%arg17 : memref<128x128xf32, #tpu.memory_space<vmem>>) target(%dma_start3A_325 : memref<10112x128xf32, #tpu.memory_space<vmem_shared>>) offsets(%arg15 : memref<128xi32, #tpu.memory_space<vmem>>) semaphore(%arg31 : memref<!tpu.dma_semaphore, #tpu.memory_space<semaphore_mem>>) {add = true}
      %get3A_326 = arith.constant 0 : index
      %get3A_327 = tpu.vector_load %arg15[%get3A_326] {strides = array<i32>} : memref<128xi32, #tpu.memory_space<vmem>>, vector<16xi32>,
      tpu.vector_store_idx %arg19[%get3A_327], %broadcast_in_dim3A_1 {add = true} : memref<10112xf32, #tpu.memory_space<vmem>>[vector<16xi32>], vector<16xf32>,
      %get3A_328 = arith.constant 16 : index
      %get3A_329 = tpu.vector_load %arg15[%get3A_328] {strides = array<i32>} : memref<128xi32, #tpu.memory_space<vmem>>, vector<16xi32>,
      tpu.vector_store_idx %arg19[%get3A_329], %broadcast_in_dim3A_1 {add = true} : memref<10112xf32, #tpu.memory_space<vmem>>[vector<16xi32>], vector<16xf32>,
      %get3A_330 = arith.constant 32 : index
      %get3A_331 = tpu.vector_load %arg15[%get3A_330] {strides = array<i32>} : memref<128xi32, #tpu.memory_space<vmem>>, vector<16xi32>,
      tpu.vector_store_idx %arg19[%get3A_331], %broadcast_in_dim3A_1 {add = true} : memref<10112xf32, #tpu.memory_space<vmem>>[vector<16xi32>], vector<16xf32>,
      %get3A_332 = arith.constant 48 : index
      %get3A_333 = tpu.vector_load %arg15[%get3A_332] {strides = array<i32>} : memref<128xi32, #tpu.memory_space<vmem>>, vector<16xi32>,
      tpu.vector_store_idx %arg19[%get3A_333], %broadcast_in_dim3A_1 {add = true} : memref<10112xf32, #tpu.memory_space<vmem>>[vector<16xi32>], vector<16xf32>,
      %get3A_334 = arith.constant 64 : index
      %get3A_335 = tpu.vector_load %arg15[%get3A_334] {strides = array<i32>} : memref<128xi32, #tpu.memory_space<vmem>>, vector<16xi32>,
      tpu.vector_store_idx %arg19[%get3A_335], %broadcast_in_dim3A_1 {add = true} : memref<10112xf32, #tpu.memory_space<vmem>>[vector<16xi32>], vector<16xf32>,
      %get3A_336 = arith.constant 80 : index
      %get3A_337 = tpu.vector_load %arg15[%get3A_336] {strides = array<i32>} : memref<128xi32, #tpu.memory_space<vmem>>, vector<16xi32>,
      tpu.vector_store_idx %arg19[%get3A_337], %broadcast_in_dim3A_1 {add = true} : memref<10112xf32, #tpu.memory_space<vmem>>[vector<16xi32>], vector<16xf32>,
      %get3A_338 = arith.constant 96 : index
      %get3A_339 = tpu.vector_load %arg15[%get3A_338] {strides = array<i32>} : memref<128xi32, #tpu.memory_space<vmem>>, vector<16xi32>,
      tpu.vector_store_idx %arg19[%get3A_339], %broadcast_in_dim3A_1 {add = true} : memref<10112xf32, #tpu.memory_space<vmem>>[vector<16xi32>], vector<16xf32>,
      %get3A_340 = arith.constant 112 : index
      %get3A_341 = tpu.vector_load %arg15[%get3A_340] {strides = array<i32>} : memref<128xi32, #tpu.memory_space<vmem>>, vector<16xi32>,
      tpu.vector_store_idx %arg19[%get3A_341], %broadcast_in_dim3A_1 {add = true} : memref<10112xf32, #tpu.memory_space<vmem>>[vector<16xi32>], vector<16xf32>,
      %dma_wait3A_342 = arith.constant 0 : i32
      %dma_wait3A_343 = arith.constant 0 : i32
      %dma_wait3A_344 = tpu.memref_slice %arg20[%dma_wait3A_342, %dma_wait3A_343] : memref<10112x128xf32, #tpu.memory_space<vmem_shared>> -> memref<10112x128xf32, #tpu.memory_space<vmem_shared>>
      tpu.wait_indirect_dma semaphore(%arg31 : memref<!tpu.dma_semaphore, #tpu.memory_space<semaphore_mem>>) src(%arg17 : memref<128x128xf32, #tpu.memory_space<vmem>>) dst(%dma_wait3A_344 : memref<10112x128xf32, #tpu.memory_space<vmem_shared>>)
      %dma_wait3A_345 = arith.constant 0 : i32
      %dma_wait3A_346 = tpu.memref_slice %arg3[%dma_wait3A_345] : memref<327680xi32, #tpu.memory_space<hbm>> -> memref<128xi32, #tpu.memory_space<hbm>>
      %dma_wait3A_347 = arith.constant 0 : i32
      %dma_wait3A_348 = tpu.memref_slice %arg3[%dma_wait3A_347] : memref<327680xi32, #tpu.memory_space<hbm>> -> memref<128xi32, #tpu.memory_space<hbm>>
      tpu.wait_dma2 semaphore(%arg28 : memref<!tpu.dma_semaphore, #tpu.memory_space<semaphore_mem>>) src(%dma_wait3A_348 : memref<128xi32, #tpu.memory_space<hbm>>) dst(%arg16 : memref<128xi32, #tpu.memory_space<vmem>>)
      %dma_wait3A_349 = arith.constant 0 : i32
      %dma_wait3A_350 = arith.constant 0 : i32
      %dma_wait3A_351 = tpu.memref_slice %arg4[%dma_wait3A_349, %dma_wait3A_350] : memref<10112x128xf32, #tpu.memory_space<hbm>> -> memref<10112x128xf32, #tpu.memory_space<hbm>>
      tpu.wait_indirect_dma semaphore(%arg30 : memref<!tpu.dma_semaphore, #tpu.memory_space<semaphore_mem>>) src(%dma_wait3A_351 : memref<10112x128xf32, #tpu.memory_space<hbm>>) dst(%arg18 : memref<128x128xf32, #tpu.memory_space<vmem>>)
      %dma_start3A_352 = arith.constant 0 : i32
      %dma_start3A_353 = arith.constant 0 : i32
      %dma_start3A_354 = tpu.memref_slice %arg20[%dma_start3A_352, %dma_start3A_353] : memref<10112x128xf32, #tpu.memory_space<vmem_shared>> -> memref<10112x128xf32, #tpu.memory_space<vmem_shared>>
      tpu.enqueue_indirect_dma source(%arg18 : memref<128x128xf32, #tpu.memory_space<vmem>>) target(%dma_start3A_354 : memref<10112x128xf32, #tpu.memory_space<vmem_shared>>) offsets(%arg16 : memref<128xi32, #tpu.memory_space<vmem>>) semaphore(%arg32 : memref<!tpu.dma_semaphore, #tpu.memory_space<semaphore_mem>>) {add = true}
      %get3A_355 = arith.constant 0 : index
      %get3A_356 = tpu.vector_load %arg16[%get3A_355] {strides = array<i32>} : memref<128xi32, #tpu.memory_space<vmem>>, vector<16xi32>,
      tpu.vector_store_idx %arg19[%get3A_356], %broadcast_in_dim3A_1 {add = true} : memref<10112xf32, #tpu.memory_space<vmem>>[vector<16xi32>], vector<16xf32>,
      %get3A_357 = arith.constant 16 : index
      %get3A_358 = tpu.vector_load %arg16[%get3A_357] {strides = array<i32>} : memref<128xi32, #tpu.memory_space<vmem>>, vector<16xi32>,
      tpu.vector_store_idx %arg19[%get3A_358], %broadcast_in_dim3A_1 {add = true} : memref<10112xf32, #tpu.memory_space<vmem>>[vector<16xi32>], vector<16xf32>,
      %get3A_359 = arith.constant 32 : index
      %get3A_360 = tpu.vector_load %arg16[%get3A_359] {strides = array<i32>} : memref<128xi32, #tpu.memory_space<vmem>>, vector<16xi32>,
      tpu.vector_store_idx %arg19[%get3A_360], %broadcast_in_dim3A_1 {add = true} : memref<10112xf32, #tpu.memory_space<vmem>>[vector<16xi32>], vector<16xf32>,
      %get3A_361 = arith.constant 48 : index
      %get3A_362 = tpu.vector_load %arg16[%get3A_361] {strides = array<i32>} : memref<128xi32, #tpu.memory_space<vmem>>, vector<16xi32>,
      tpu.vector_store_idx %arg19[%get3A_362], %broadcast_in_dim3A_1 {add = true} : memref<10112xf32, #tpu.memory_space<vmem>>[vector<16xi32>], vector<16xf32>,
      %get3A_363 = arith.constant 64 : index
      %get3A_364 = tpu.vector_load %arg16[%get3A_363] {strides = array<i32>} : memref<128xi32, #tpu.memory_space<vmem>>, vector<16xi32>,
      tpu.vector_store_idx %arg19[%get3A_364], %broadcast_in_dim3A_1 {add = true} : memref<10112xf32, #tpu.memory_space<vmem>>[vector<16xi32>], vector<16xf32>,
      %get3A_365 = arith.constant 80 : index
      %get3A_366 = tpu.vector_load %arg16[%get3A_365] {strides = array<i32>} : memref<128xi32, #tpu.memory_space<vmem>>, vector<16xi32>,
      tpu.vector_store_idx %arg19[%get3A_366], %broadcast_in_dim3A_1 {add = true} : memref<10112xf32, #tpu.memory_space<vmem>>[vector<16xi32>], vector<16xf32>,
      %get3A_367 = arith.constant 96 : index
      %get3A_368 = tpu.vector_load %arg16[%get3A_367] {strides = array<i32>} : memref<128xi32, #tpu.memory_space<vmem>>, vector<16xi32>,
      tpu.vector_store_idx %arg19[%get3A_368], %broadcast_in_dim3A_1 {add = true} : memref<10112xf32, #tpu.memory_space<vmem>>[vector<16xi32>], vector<16xf32>,
      %get3A_369 = arith.constant 112 : index
      %get3A_370 = tpu.vector_load %arg16[%get3A_369] {strides = array<i32>} : memref<128xi32, #tpu.memory_space<vmem>>, vector<16xi32>,
      tpu.vector_store_idx %arg19[%get3A_370], %broadcast_in_dim3A_1 {add = true} : memref<10112xf32, #tpu.memory_space<vmem>>[vector<16xi32>], vector<16xf32>,
      %dma_wait3A_371 = arith.constant 0 : i32
      %dma_wait3A_372 = arith.constant 0 : i32
      %dma_wait3A_373 = tpu.memref_slice %arg20[%dma_wait3A_371, %dma_wait3A_372] : memref<10112x128xf32, #tpu.memory_space<vmem_shared>> -> memref<10112x128xf32, #tpu.memory_space<vmem_shared>>
      tpu.wait_indirect_dma semaphore(%arg32 : memref<!tpu.dma_semaphore, #tpu.memory_space<semaphore_mem>>) src(%arg18 : memref<128x128xf32, #tpu.memory_space<vmem>>) dst(%dma_wait3A_373 : memref<10112x128xf32, #tpu.memory_space<vmem_shared>>)
    } else {
    }
    %eq3A_6 = arith.constant 1 : i32
    %eq3A_7 = arith.cmpi eq, %arg0, %eq3A_6 : i32
    %convert_element_type3A_8 = arith.extui %eq3A_7 : i1 to i32
    %cond3A_9 = arith.constant 0 : i32
    %cond3A_10 = arith.cmpi ne, %convert_element_type3A_8, %cond3A_9 : i32
    scf.if %cond3A_10 {
      %mul3A_17 = arith.constant 40 : i32
      %mul3A_18 = arith.muli %arg1, %mul3A_17 : i32
      %add3A_19 = arith.constant 1920 : i32
      %add3A_20 = arith.addi %add3A_19, %mul3A_18 : i32
      %add3A_21 = arith.constant 0 : i32
      %add3A_22 = arith.addi %add3A_20, %add3A_21 : i32
      %mul3A_23 = arith.constant 128 : i32
      %mul3A_24 = arith.muli %add3A_22, %mul3A_23 : i32
      %dma_start3A = tpu.memref_slice %arg2[%mul3A_24] : memref<327680xi32, #tpu.memory_space<hbm>> -> memref<128xi32, #tpu.memory_space<hbm>>
      %dma_start3A_25 = tpu.memref_slice %arg2[%mul3A_24] : memref<327680xi32, #tpu.memory_space<hbm>> -> memref<128xi32, #tpu.memory_space<hbm>>
      tpu.enqueue_dma source(%dma_start3A_25 : memref<128xi32, #tpu.memory_space<hbm>>) target(%arg9 : memref<128xi32, #tpu.memory_space<vmem>>) target_semaphore(%arg21 : memref<!tpu.dma_semaphore, #tpu.memory_space<semaphore_mem>>)
      %dma_start3A_26 = tpu.memref_slice %arg3[%mul3A_24] : memref<327680xi32, #tpu.memory_space<hbm>> -> memref<128xi32, #tpu.memory_space<hbm>>
      %dma_start3A_27 = tpu.memref_slice %arg3[%mul3A_24] : memref<327680xi32, #tpu.memory_space<hbm>> -> memref<128xi32, #tpu.memory_space<hbm>>
      tpu.enqueue_dma source(%dma_start3A_27 : memref<128xi32, #tpu.memory_space<hbm>>) target(%arg13 : memref<128xi32, #tpu.memory_space<vmem>>) target_semaphore(%arg25 : memref<!tpu.dma_semaphore, #tpu.memory_space<semaphore_mem>>)
      %add3A_28 = arith.constant 1 : i32
      %add3A_29 = arith.addi %add3A_20, %add3A_28 : i32
      %mul3A_30 = arith.constant 128 : i32
      %mul3A_31 = arith.muli %add3A_29, %mul3A_30 : i32
      %dma_start3A_32 = tpu.memref_slice %arg2[%mul3A_31] : memref<327680xi32, #tpu.memory_space<hbm>> -> memref<128xi32, #tpu.memory_space<hbm>>
      %dma_start3A_33 = tpu.memref_slice %arg2[%mul3A_31] : memref<327680xi32, #tpu.memory_space<hbm>> -> memref<128xi32, #tpu.memory_space<hbm>>
      tpu.enqueue_dma source(%dma_start3A_33 : memref<128xi32, #tpu.memory_space<hbm>>) target(%arg10 : memref<128xi32, #tpu.memory_space<vmem>>) target_semaphore(%arg22 : memref<!tpu.dma_semaphore, #tpu.memory_space<semaphore_mem>>)
      %dma_start3A_34 = tpu.memref_slice %arg3[%mul3A_31] : memref<327680xi32, #tpu.memory_space<hbm>> -> memref<128xi32, #tpu.memory_space<hbm>>
      %dma_start3A_35 = tpu.memref_slice %arg3[%mul3A_31] : memref<327680xi32, #tpu.memory_space<hbm>> -> memref<128xi32, #tpu.memory_space<hbm>>
      tpu.enqueue_dma source(%dma_start3A_35 : memref<128xi32, #tpu.memory_space<hbm>>) target(%arg14 : memref<128xi32, #tpu.memory_space<vmem>>) target_semaphore(%arg26 : memref<!tpu.dma_semaphore, #tpu.memory_space<semaphore_mem>>)
      %add3A_36 = arith.constant 2 : i32
      %add3A_37 = arith.addi %add3A_20, %add3A_36 : i32
      %mul3A_38 = arith.constant 128 : i32
      %mul3A_39 = arith.muli %add3A_37, %mul3A_38 : i32
      %dma_start3A_40 = tpu.memref_slice %arg2[%mul3A_39] : memref<327680xi32, #tpu.memory_space<hbm>> -> memref<128xi32, #tpu.memory_space<hbm>>
      %dma_start3A_41 = tpu.memref_slice %arg2[%mul3A_39] : memref<327680xi32, #tpu.memory_space<hbm>> -> memref<128xi32, #tpu.memory_space<hbm>>
      tpu.enqueue_dma source(%dma_start3A_41 : memref<128xi32, #tpu.memory_space<hbm>>) target(%arg11 : memref<128xi32, #tpu.memory_space<vmem>>) target_semaphore(%arg23 : memref<!tpu.dma_semaphore, #tpu.memory_space<semaphore_mem>>)
      %dma_start3A_42 = tpu.memref_slice %arg3[%mul3A_39] : memref<327680xi32, #tpu.memory_space<hbm>> -> memref<128xi32, #tpu.memory_space<hbm>>
      %dma_start3A_43 = tpu.memref_slice %arg3[%mul3A_39] : memref<327680xi32, #tpu.memory_space<hbm>> -> memref<128xi32, #tpu.memory_space<hbm>>
      tpu.enqueue_dma source(%dma_start3A_43 : memref<128xi32, #tpu.memory_space<hbm>>) target(%arg15 : memref<128xi32, #tpu.memory_space<vmem>>) target_semaphore(%arg27 : memref<!tpu.dma_semaphore, #tpu.memory_space<semaphore_mem>>)
      %add3A_44 = arith.constant 3 : i32
      %add3A_45 = arith.addi %add3A_20, %add3A_44 : i32
      %mul3A_46 = arith.constant 128 : i32
      %mul3A_47 = arith.muli %add3A_45, %mul3A_46 : i32
      %dma_start3A_48 = tpu.memref_slice %arg2[%mul3A_47] : memref<327680xi32, #tpu.memory_space<hbm>> -> memref<128xi32, #tpu.memory_space<hbm>>
      %dma_start3A_49 = tpu.memref_slice %arg2[%mul3A_47] : memref<327680xi32, #tpu.memory_space<hbm>> -> memref<128xi32, #tpu.memory_space<hbm>>
      tpu.enqueue_dma source(%dma_start3A_49 : memref<128xi32, #tpu.memory_space<hbm>>) target(%arg12 : memref<128xi32, #tpu.memory_space<vmem>>) target_semaphore(%arg24 : memref<!tpu.dma_semaphore, #tpu.memory_space<semaphore_mem>>)
      %dma_start3A_50 = tpu.memref_slice %arg3[%mul3A_47] : memref<327680xi32, #tpu.memory_space<hbm>> -> memref<128xi32, #tpu.memory_space<hbm>>
      %dma_start3A_51 = tpu.memref_slice %arg3[%mul3A_47] : memref<327680xi32, #tpu.memory_space<hbm>> -> memref<128xi32, #tpu.memory_space<hbm>>
      tpu.enqueue_dma source(%dma_start3A_51 : memref<128xi32, #tpu.memory_space<hbm>>) target(%arg16 : memref<128xi32, #tpu.memory_space<vmem>>) target_semaphore(%arg28 : memref<!tpu.dma_semaphore, #tpu.memory_space<semaphore_mem>>)
      %dma_wait3A = arith.constant 0 : i32
      %dma_wait3A_52 = tpu.memref_slice %arg2[%dma_wait3A] : memref<327680xi32, #tpu.memory_space<hbm>> -> memref<128xi32, #tpu.memory_space<hbm>>
      %dma_wait3A_53 = arith.constant 0 : i32
      %dma_wait3A_54 = tpu.memref_slice %arg2[%dma_wait3A_53] : memref<327680xi32, #tpu.memory_space<hbm>> -> memref<128xi32, #tpu.memory_space<hbm>>
      tpu.wait_dma2 semaphore(%arg21 : memref<!tpu.dma_semaphore, #tpu.memory_space<semaphore_mem>>) src(%dma_wait3A_54 : memref<128xi32, #tpu.memory_space<hbm>>) dst(%arg9 : memref<128xi32, #tpu.memory_space<vmem>>)
      %dma_start3A_55 = arith.constant 0 : i32
      %dma_start3A_56 = arith.constant 0 : i32
      %dma_start3A_57 = tpu.memref_slice %arg4[%dma_start3A_55, %dma_start3A_56] : memref<10112x128xf32, #tpu.memory_space<hbm>> -> memref<10112x128xf32, #tpu.memory_space<hbm>>
      tpu.enqueue_indirect_dma source(%dma_start3A_57 : memref<10112x128xf32, #tpu.memory_space<hbm>>) target(%arg17 : memref<128x128xf32, #tpu.memory_space<vmem>>) offsets(%arg9 : memref<128xi32, #tpu.memory_space<vmem>>) semaphore(%arg29 : memref<!tpu.dma_semaphore, #tpu.memory_space<semaphore_mem>>)
      %dma_wait3A_58 = arith.constant 0 : i32
      %dma_wait3A_59 = tpu.memref_slice %arg2[%dma_wait3A_58] : memref<327680xi32, #tpu.memory_space<hbm>> -> memref<128xi32, #tpu.memory_space<hbm>>
      %dma_wait3A_60 = arith.constant 0 : i32
      %dma_wait3A_61 = tpu.memref_slice %arg2[%dma_wait3A_60] : memref<327680xi32, #tpu.memory_space<hbm>> -> memref<128xi32, #tpu.memory_space<hbm>>
      tpu.wait_dma2 semaphore(%arg22 : memref<!tpu.dma_semaphore, #tpu.memory_space<semaphore_mem>>) src(%dma_wait3A_61 : memref<128xi32, #tpu.memory_space<hbm>>) dst(%arg10 : memref<128xi32, #tpu.memory_space<vmem>>)
      %dma_start3A_62 = arith.constant 0 : i32
      %dma_start3A_63 = arith.constant 0 : i32
      %dma_start3A_64 = tpu.memref_slice %arg4[%dma_start3A_62, %dma_start3A_63] : memref<10112x128xf32, #tpu.memory_space<hbm>> -> memref<10112x128xf32, #tpu.memory_space<hbm>>
      tpu.enqueue_indirect_dma source(%dma_start3A_64 : memref<10112x128xf32, #tpu.memory_space<hbm>>) target(%arg18 : memref<128x128xf32, #tpu.memory_space<vmem>>) offsets(%arg10 : memref<128xi32, #tpu.memory_space<vmem>>) semaphore(%arg30 : memref<!tpu.dma_semaphore, #tpu.memory_space<semaphore_mem>>)
      %dma_wait3A_65 = arith.constant 0 : i32
      %dma_wait3A_66 = tpu.memref_slice %arg3[%dma_wait3A_65] : memref<327680xi32, #tpu.memory_space<hbm>> -> memref<128xi32, #tpu.memory_space<hbm>>
      %dma_wait3A_67 = arith.constant 0 : i32
      %dma_wait3A_68 = tpu.memref_slice %arg3[%dma_wait3A_67] : memref<327680xi32, #tpu.memory_space<hbm>> -> memref<128xi32, #tpu.memory_space<hbm>>
      tpu.wait_dma2 semaphore(%arg25 : memref<!tpu.dma_semaphore, #tpu.memory_space<semaphore_mem>>) src(%dma_wait3A_68 : memref<128xi32, #tpu.memory_space<hbm>>) dst(%arg13 : memref<128xi32, #tpu.memory_space<vmem>>)
      %dma_wait3A_69 = arith.constant 0 : i32
      %dma_wait3A_70 = arith.constant 0 : i32
      %dma_wait3A_71 = tpu.memref_slice %arg4[%dma_wait3A_69, %dma_wait3A_70] : memref<10112x128xf32, #tpu.memory_space<hbm>> -> memref<10112x128xf32, #tpu.memory_space<hbm>>
      tpu.wait_indirect_dma semaphore(%arg29 : memref<!tpu.dma_semaphore, #tpu.memory_space<semaphore_mem>>) src(%dma_wait3A_71 : memref<10112x128xf32, #tpu.memory_space<hbm>>) dst(%arg17 : memref<128x128xf32, #tpu.memory_space<vmem>>)
      %dma_start3A_72 = arith.constant 0 : i32
      %dma_start3A_73 = arith.constant 0 : i32
      %dma_start3A_74 = tpu.memref_slice %arg20[%dma_start3A_72, %dma_start3A_73] : memref<10112x128xf32, #tpu.memory_space<vmem_shared>> -> memref<10112x128xf32, #tpu.memory_space<vmem_shared>>
      tpu.enqueue_indirect_dma source(%arg17 : memref<128x128xf32, #tpu.memory_space<vmem>>) target(%dma_start3A_74 : memref<10112x128xf32, #tpu.memory_space<vmem_shared>>) offsets(%arg13 : memref<128xi32, #tpu.memory_space<vmem>>) semaphore(%arg31 : memref<!tpu.dma_semaphore, #tpu.memory_space<semaphore_mem>>) {add = true}
      %get3A = arith.constant 0 : index
      %get3A_75 = tpu.vector_load %arg13[%get3A] {strides = array<i32>} : memref<128xi32, #tpu.memory_space<vmem>>, vector<16xi32>,
      tpu.vector_store_idx %arg19[%get3A_75], %broadcast_in_dim3A_1 {add = true} : memref<10112xf32, #tpu.memory_space<vmem>>[vector<16xi32>], vector<16xf32>,
      %get3A_76 = arith.constant 16 : index
      %get3A_77 = tpu.vector_load %arg13[%get3A_76] {strides = array<i32>} : memref<128xi32, #tpu.memory_space<vmem>>, vector<16xi32>,
      tpu.vector_store_idx %arg19[%get3A_77], %broadcast_in_dim3A_1 {add = true} : memref<10112xf32, #tpu.memory_space<vmem>>[vector<16xi32>], vector<16xf32>,
      %get3A_78 = arith.constant 32 : index
      %get3A_79 = tpu.vector_load %arg13[%get3A_78] {strides = array<i32>} : memref<128xi32, #tpu.memory_space<vmem>>, vector<16xi32>,
      tpu.vector_store_idx %arg19[%get3A_79], %broadcast_in_dim3A_1 {add = true} : memref<10112xf32, #tpu.memory_space<vmem>>[vector<16xi32>], vector<16xf32>,
      %get3A_80 = arith.constant 48 : index
      %get3A_81 = tpu.vector_load %arg13[%get3A_80] {strides = array<i32>} : memref<128xi32, #tpu.memory_space<vmem>>, vector<16xi32>,
      tpu.vector_store_idx %arg19[%get3A_81], %broadcast_in_dim3A_1 {add = true} : memref<10112xf32, #tpu.memory_space<vmem>>[vector<16xi32>], vector<16xf32>,
      %get3A_82 = arith.constant 64 : index
      %get3A_83 = tpu.vector_load %arg13[%get3A_82] {strides = array<i32>} : memref<128xi32, #tpu.memory_space<vmem>>, vector<16xi32>,
      tpu.vector_store_idx %arg19[%get3A_83], %broadcast_in_dim3A_1 {add = true} : memref<10112xf32, #tpu.memory_space<vmem>>[vector<16xi32>], vector<16xf32>,
      %get3A_84 = arith.constant 80 : index
      %get3A_85 = tpu.vector_load %arg13[%get3A_84] {strides = array<i32>} : memref<128xi32, #tpu.memory_space<vmem>>, vector<16xi32>,
      tpu.vector_store_idx %arg19[%get3A_85], %broadcast_in_dim3A_1 {add = true} : memref<10112xf32, #tpu.memory_space<vmem>>[vector<16xi32>], vector<16xf32>,
      %get3A_86 = arith.constant 96 : index
      %get3A_87 = tpu.vector_load %arg13[%get3A_86] {strides = array<i32>} : memref<128xi32, #tpu.memory_space<vmem>>, vector<16xi32>,
      tpu.vector_store_idx %arg19[%get3A_87], %broadcast_in_dim3A_1 {add = true} : memref<10112xf32, #tpu.memory_space<vmem>>[vector<16xi32>], vector<16xf32>,
      %get3A_88 = arith.constant 112 : index
      %get3A_89 = tpu.vector_load %arg13[%get3A_88] {strides = array<i32>} : memref<128xi32, #tpu.memory_space<vmem>>, vector<16xi32>,
      tpu.vector_store_idx %arg19[%get3A_89], %broadcast_in_dim3A_1 {add = true} : memref<10112xf32, #tpu.memory_space<vmem>>[vector<16xi32>], vector<16xf32>,
      %dma_wait3A_90 = arith.constant 0 : i32
      %dma_wait3A_91 = arith.constant 0 : i32
      %dma_wait3A_92 = tpu.memref_slice %arg20[%dma_wait3A_90, %dma_wait3A_91] : memref<10112x128xf32, #tpu.memory_space<vmem_shared>> -> memref<10112x128xf32, #tpu.memory_space<vmem_shared>>
      tpu.wait_indirect_dma semaphore(%arg31 : memref<!tpu.dma_semaphore, #tpu.memory_space<semaphore_mem>>) src(%arg17 : memref<128x128xf32, #tpu.memory_space<vmem>>) dst(%dma_wait3A_92 : memref<10112x128xf32, #tpu.memory_space<vmem_shared>>)
      %add3A_93 = arith.constant 4 : i32
      %add3A_94 = arith.addi %add3A_20, %add3A_93 : i32
      %mul3A_95 = arith.constant 128 : i32
      %mul3A_96 = arith.muli %add3A_94, %mul3A_95 : i32
      %dma_start3A_97 = tpu.memref_slice %arg2[%mul3A_96] : memref<327680xi32, #tpu.memory_space<hbm>> -> memref<128xi32, #tpu.memory_space<hbm>>
      %dma_start3A_98 = tpu.memref_slice %arg2[%mul3A_96] : memref<327680xi32, #tpu.memory_space<hbm>> -> memref<128xi32, #tpu.memory_space<hbm>>
      tpu.enqueue_dma source(%dma_start3A_98 : memref<128xi32, #tpu.memory_space<hbm>>) target(%arg9 : memref<128xi32, #tpu.memory_space<vmem>>) target_semaphore(%arg21 : memref<!tpu.dma_semaphore, #tpu.memory_space<semaphore_mem>>)
      %dma_start3A_99 = tpu.memref_slice %arg3[%mul3A_96] : memref<327680xi32, #tpu.memory_space<hbm>> -> memref<128xi32, #tpu.memory_space<hbm>>
      %dma_start3A_100 = tpu.memref_slice %arg3[%mul3A_96] : memref<327680xi32, #tpu.memory_space<hbm>> -> memref<128xi32, #tpu.memory_space<hbm>>
      tpu.enqueue_dma source(%dma_start3A_100 : memref<128xi32, #tpu.memory_space<hbm>>) target(%arg13 : memref<128xi32, #tpu.memory_space<vmem>>) target_semaphore(%arg25 : memref<!tpu.dma_semaphore, #tpu.memory_space<semaphore_mem>>)
      %dma_wait3A_101 = arith.constant 0 : i32
      %dma_wait3A_102 = tpu.memref_slice %arg2[%dma_wait3A_101] : memref<327680xi32, #tpu.memory_space<hbm>> -> memref<128xi32, #tpu.memory_space<hbm>>
      %dma_wait3A_103 = arith.constant 0 : i32
      %dma_wait3A_104 = tpu.memref_slice %arg2[%dma_wait3A_103] : memref<327680xi32, #tpu.memory_space<hbm>> -> memref<128xi32, #tpu.memory_space<hbm>>
      tpu.wait_dma2 semaphore(%arg23 : memref<!tpu.dma_semaphore, #tpu.memory_space<semaphore_mem>>) src(%dma_wait3A_104 : memref<128xi32, #tpu.memory_space<hbm>>) dst(%arg11 : memref<128xi32, #tpu.memory_space<vmem>>)
      %dma_start3A_105 = arith.constant 0 : i32
      %dma_start3A_106 = arith.constant 0 : i32
      %dma_start3A_107 = tpu.memref_slice %arg4[%dma_start3A_105, %dma_start3A_106] : memref<10112x128xf32, #tpu.memory_space<hbm>> -> memref<10112x128xf32, #tpu.memory_space<hbm>>
      tpu.enqueue_indirect_dma source(%dma_start3A_107 : memref<10112x128xf32, #tpu.memory_space<hbm>>) target(%arg17 : memref<128x128xf32, #tpu.memory_space<vmem>>) offsets(%arg11 : memref<128xi32, #tpu.memory_space<vmem>>) semaphore(%arg29 : memref<!tpu.dma_semaphore, #tpu.memory_space<semaphore_mem>>)
      %dma_wait3A_108 = arith.constant 0 : i32
      %dma_wait3A_109 = tpu.memref_slice %arg3[%dma_wait3A_108] : memref<327680xi32, #tpu.memory_space<hbm>> -> memref<128xi32, #tpu.memory_space<hbm>>
      %dma_wait3A_110 = arith.constant 0 : i32
      %dma_wait3A_111 = tpu.memref_slice %arg3[%dma_wait3A_110] : memref<327680xi32, #tpu.memory_space<hbm>> -> memref<128xi32, #tpu.memory_space<hbm>>
      tpu.wait_dma2 semaphore(%arg26 : memref<!tpu.dma_semaphore, #tpu.memory_space<semaphore_mem>>) src(%dma_wait3A_111 : memref<128xi32, #tpu.memory_space<hbm>>) dst(%arg14 : memref<128xi32, #tpu.memory_space<vmem>>)
      %dma_wait3A_112 = arith.constant 0 : i32
      %dma_wait3A_113 = arith.constant 0 : i32
      %dma_wait3A_114 = tpu.memref_slice %arg4[%dma_wait3A_112, %dma_wait3A_113] : memref<10112x128xf32, #tpu.memory_space<hbm>> -> memref<10112x128xf32, #tpu.memory_space<hbm>>
      tpu.wait_indirect_dma semaphore(%arg30 : memref<!tpu.dma_semaphore, #tpu.memory_space<semaphore_mem>>) src(%dma_wait3A_114 : memref<10112x128xf32, #tpu.memory_space<hbm>>) dst(%arg18 : memref<128x128xf32, #tpu.memory_space<vmem>>)
      %dma_start3A_115 = arith.constant 0 : i32
      %dma_start3A_116 = arith.constant 0 : i32
      %dma_start3A_117 = tpu.memref_slice %arg20[%dma_start3A_115, %dma_start3A_116] : memref<10112x128xf32, #tpu.memory_space<vmem_shared>> -> memref<10112x128xf32, #tpu.memory_space<vmem_shared>>
      tpu.enqueue_indirect_dma source(%arg18 : memref<128x128xf32, #tpu.memory_space<vmem>>) target(%dma_start3A_117 : memref<10112x128xf32, #tpu.memory_space<vmem_shared>>) offsets(%arg14 : memref<128xi32, #tpu.memory_space<vmem>>) semaphore(%arg32 : memref<!tpu.dma_semaphore, #tpu.memory_space<semaphore_mem>>) {add = true}
      %get3A_118 = arith.constant 0 : index
      %get3A_119 = tpu.vector_load %arg14[%get3A_118] {strides = array<i32>} : memref<128xi32, #tpu.memory_space<vmem>>, vector<16xi32>,
      tpu.vector_store_idx %arg19[%get3A_119], %broadcast_in_dim3A_1 {add = true} : memref<10112xf32, #tpu.memory_space<vmem>>[vector<16xi32>], vector<16xf32>,
      %get3A_120 = arith.constant 16 : index
      %get3A_121 = tpu.vector_load %arg14[%get3A_120] {strides = array<i32>} : memref<128xi32, #tpu.memory_space<vmem>>, vector<16xi32>,
      tpu.vector_store_idx %arg19[%get3A_121], %broadcast_in_dim3A_1 {add = true} : memref<10112xf32, #tpu.memory_space<vmem>>[vector<16xi32>], vector<16xf32>,
      %get3A_122 = arith.constant 32 : index
      %get3A_123 = tpu.vector_load %arg14[%get3A_122] {strides = array<i32>} : memref<128xi32, #tpu.memory_space<vmem>>, vector<16xi32>,
      tpu.vector_store_idx %arg19[%get3A_123], %broadcast_in_dim3A_1 {add = true} : memref<10112xf32, #tpu.memory_space<vmem>>[vector<16xi32>], vector<16xf32>,
      %get3A_124 = arith.constant 48 : index
      %get3A_125 = tpu.vector_load %arg14[%get3A_124] {strides = array<i32>} : memref<128xi32, #tpu.memory_space<vmem>>, vector<16xi32>,
      tpu.vector_store_idx %arg19[%get3A_125], %broadcast_in_dim3A_1 {add = true} : memref<10112xf32, #tpu.memory_space<vmem>>[vector<16xi32>], vector<16xf32>,
      %get3A_126 = arith.constant 64 : index
      %get3A_127 = tpu.vector_load %arg14[%get3A_126] {strides = array<i32>} : memref<128xi32, #tpu.memory_space<vmem>>, vector<16xi32>,
      tpu.vector_store_idx %arg19[%get3A_127], %broadcast_in_dim3A_1 {add = true} : memref<10112xf32, #tpu.memory_space<vmem>>[vector<16xi32>], vector<16xf32>,
      %get3A_128 = arith.constant 80 : index
      %get3A_129 = tpu.vector_load %arg14[%get3A_128] {strides = array<i32>} : memref<128xi32, #tpu.memory_space<vmem>>, vector<16xi32>,
      tpu.vector_store_idx %arg19[%get3A_129], %broadcast_in_dim3A_1 {add = true} : memref<10112xf32, #tpu.memory_space<vmem>>[vector<16xi32>], vector<16xf32>,
      %get3A_130 = arith.constant 96 : index
      %get3A_131 = tpu.vector_load %arg14[%get3A_130] {strides = array<i32>} : memref<128xi32, #tpu.memory_space<vmem>>, vector<16xi32>,
      tpu.vector_store_idx %arg19[%get3A_131], %broadcast_in_dim3A_1 {add = true} : memref<10112xf32, #tpu.memory_space<vmem>>[vector<16xi32>], vector<16xf32>,
      %get3A_132 = arith.constant 112 : index
      %get3A_133 = tpu.vector_load %arg14[%get3A_132] {strides = array<i32>} : memref<128xi32, #tpu.memory_space<vmem>>, vector<16xi32>,
      tpu.vector_store_idx %arg19[%get3A_133], %broadcast_in_dim3A_1 {add = true} : memref<10112xf32, #tpu.memory_space<vmem>>[vector<16xi32>], vector<16xf32>,
      %dma_wait3A_134 = arith.constant 0 : i32
      %dma_wait3A_135 = arith.constant 0 : i32
      %dma_wait3A_136 = tpu.memref_slice %arg20[%dma_wait3A_134, %dma_wait3A_135] : memref<10112x128xf32, #tpu.memory_space<vmem_shared>> -> memref<10112x128xf32, #tpu.memory_space<vmem_shared>>
      tpu.wait_indirect_dma semaphore(%arg32 : memref<!tpu.dma_semaphore, #tpu.memory_space<semaphore_mem>>) src(%arg18 : memref<128x128xf32, #tpu.memory_space<vmem>>) dst(%dma_wait3A_136 : memref<10112x128xf32, #tpu.memory_space<vmem_shared>>)
      %add3A_137 = arith.constant 5 : i32
      %add3A_138 = arith.addi %add3A_20, %add3A_137 : i32
      %mul3A_139 = arith.constant 128 : i32
      %mul3A_140 = arith.muli %add3A_138, %mul3A_139 : i32
      %dma_start3A_141 = tpu.memref_slice %arg2[%mul3A_140] : memref<327680xi32, #tpu.memory_space<hbm>> -> memref<128xi32, #tpu.memory_space<hbm>>
      %dma_start3A_142 = tpu.memref_slice %arg2[%mul3A_140] : memref<327680xi32, #tpu.memory_space<hbm>> -> memref<128xi32, #tpu.memory_space<hbm>>
      tpu.enqueue_dma source(%dma_start3A_142 : memref<128xi32, #tpu.memory_space<hbm>>) target(%arg10 : memref<128xi32, #tpu.memory_space<vmem>>) target_semaphore(%arg22 : memref<!tpu.dma_semaphore, #tpu.memory_space<semaphore_mem>>)
      %dma_start3A_143 = tpu.memref_slice %arg3[%mul3A_140] : memref<327680xi32, #tpu.memory_space<hbm>> -> memref<128xi32, #tpu.memory_space<hbm>>
      %dma_start3A_144 = tpu.memref_slice %arg3[%mul3A_140] : memref<327680xi32, #tpu.memory_space<hbm>> -> memref<128xi32, #tpu.memory_space<hbm>>
      tpu.enqueue_dma source(%dma_start3A_144 : memref<128xi32, #tpu.memory_space<hbm>>) target(%arg14 : memref<128xi32, #tpu.memory_space<vmem>>) target_semaphore(%arg26 : memref<!tpu.dma_semaphore, #tpu.memory_space<semaphore_mem>>)
      %dma_wait3A_145 = arith.constant 0 : i32
      %dma_wait3A_146 = tpu.memref_slice %arg2[%dma_wait3A_145] : memref<327680xi32, #tpu.memory_space<hbm>> -> memref<128xi32, #tpu.memory_space<hbm>>
      %dma_wait3A_147 = arith.constant 0 : i32
      %dma_wait3A_148 = tpu.memref_slice %arg2[%dma_wait3A_147] : memref<327680xi32, #tpu.memory_space<hbm>> -> memref<128xi32, #tpu.memory_space<hbm>>
      tpu.wait_dma2 semaphore(%arg24 : memref<!tpu.dma_semaphore, #tpu.memory_space<semaphore_mem>>) src(%dma_wait3A_148 : memref<128xi32, #tpu.memory_space<hbm>>) dst(%arg12 : memref<128xi32, #tpu.memory_space<vmem>>)
      %dma_start3A_149 = arith.constant 0 : i32
      %dma_start3A_150 = arith.constant 0 : i32
      %dma_start3A_151 = tpu.memref_slice %arg4[%dma_start3A_149, %dma_start3A_150] : memref<10112x128xf32, #tpu.memory_space<hbm>> -> memref<10112x128xf32, #tpu.memory_space<hbm>>
      tpu.enqueue_indirect_dma source(%dma_start3A_151 : memref<10112x128xf32, #tpu.memory_space<hbm>>) target(%arg18 : memref<128x128xf32, #tpu.memory_space<vmem>>) offsets(%arg12 : memref<128xi32, #tpu.memory_space<vmem>>) semaphore(%arg30 : memref<!tpu.dma_semaphore, #tpu.memory_space<semaphore_mem>>)
      %dma_wait3A_152 = arith.constant 0 : i32
      %dma_wait3A_153 = tpu.memref_slice %arg3[%dma_wait3A_152] : memref<327680xi32, #tpu.memory_space<hbm>> -> memref<128xi32, #tpu.memory_space<hbm>>
      %dma_wait3A_154 = arith.constant 0 : i32
      %dma_wait3A_155 = tpu.memref_slice %arg3[%dma_wait3A_154] : memref<327680xi32, #tpu.memory_space<hbm>> -> memref<128xi32, #tpu.memory_space<hbm>>
      tpu.wait_dma2 semaphore(%arg27 : memref<!tpu.dma_semaphore, #tpu.memory_space<semaphore_mem>>) src(%dma_wait3A_155 : memref<128xi32, #tpu.memory_space<hbm>>) dst(%arg15 : memref<128xi32, #tpu.memory_space<vmem>>)
      %dma_wait3A_156 = arith.constant 0 : i32
      %dma_wait3A_157 = arith.constant 0 : i32
      %dma_wait3A_158 = tpu.memref_slice %arg4[%dma_wait3A_156, %dma_wait3A_157] : memref<10112x128xf32, #tpu.memory_space<hbm>> -> memref<10112x128xf32, #tpu.memory_space<hbm>>
      tpu.wait_indirect_dma semaphore(%arg29 : memref<!tpu.dma_semaphore, #tpu.memory_space<semaphore_mem>>) src(%dma_wait3A_158 : memref<10112x128xf32, #tpu.memory_space<hbm>>) dst(%arg17 : memref<128x128xf32, #tpu.memory_space<vmem>>)
      %dma_start3A_159 = arith.constant 0 : i32
      %dma_start3A_160 = arith.constant 0 : i32
      %dma_start3A_161 = tpu.memref_slice %arg20[%dma_start3A_159, %dma_start3A_160] : memref<10112x128xf32, #tpu.memory_space<vmem_shared>> -> memref<10112x128xf32, #tpu.memory_space<vmem_shared>>
      tpu.enqueue_indirect_dma source(%arg17 : memref<128x128xf32, #tpu.memory_space<vmem>>) target(%dma_start3A_161 : memref<10112x128xf32, #tpu.memory_space<vmem_shared>>) offsets(%arg15 : memref<128xi32, #tpu.memory_space<vmem>>) semaphore(%arg31 : memref<!tpu.dma_semaphore, #tpu.memory_space<semaphore_mem>>) {add = true}
      %get3A_162 = arith.constant 0 : index
      %get3A_163 = tpu.vector_load %arg15[%get3A_162] {strides = array<i32>} : memref<128xi32, #tpu.memory_space<vmem>>, vector<16xi32>,
      tpu.vector_store_idx %arg19[%get3A_163], %broadcast_in_dim3A_1 {add = true} : memref<10112xf32, #tpu.memory_space<vmem>>[vector<16xi32>], vector<16xf32>,
      %get3A_164 = arith.constant 16 : index
      %get3A_165 = tpu.vector_load %arg15[%get3A_164] {strides = array<i32>} : memref<128xi32, #tpu.memory_space<vmem>>, vector<16xi32>,
      tpu.vector_store_idx %arg19[%get3A_165], %broadcast_in_dim3A_1 {add = true} : memref<10112xf32, #tpu.memory_space<vmem>>[vector<16xi32>], vector<16xf32>,
      %get3A_166 = arith.constant 32 : index
      %get3A_167 = tpu.vector_load %arg15[%get3A_166] {strides = array<i32>} : memref<128xi32, #tpu.memory_space<vmem>>, vector<16xi32>,
      tpu.vector_store_idx %arg19[%get3A_167], %broadcast_in_dim3A_1 {add = true} : memref<10112xf32, #tpu.memory_space<vmem>>[vector<16xi32>], vector<16xf32>,
      %get3A_168 = arith.constant 48 : index
      %get3A_169 = tpu.vector_load %arg15[%get3A_168] {strides = array<i32>} : memref<128xi32, #tpu.memory_space<vmem>>, vector<16xi32>,
      tpu.vector_store_idx %arg19[%get3A_169], %broadcast_in_dim3A_1 {add = true} : memref<10112xf32, #tpu.memory_space<vmem>>[vector<16xi32>], vector<16xf32>,
      %get3A_170 = arith.constant 64 : index
      %get3A_171 = tpu.vector_load %arg15[%get3A_170] {strides = array<i32>} : memref<128xi32, #tpu.memory_space<vmem>>, vector<16xi32>,
      tpu.vector_store_idx %arg19[%get3A_171], %broadcast_in_dim3A_1 {add = true} : memref<10112xf32, #tpu.memory_space<vmem>>[vector<16xi32>], vector<16xf32>,
      %get3A_172 = arith.constant 80 : index
      %get3A_173 = tpu.vector_load %arg15[%get3A_172] {strides = array<i32>} : memref<128xi32, #tpu.memory_space<vmem>>, vector<16xi32>,
      tpu.vector_store_idx %arg19[%get3A_173], %broadcast_in_dim3A_1 {add = true} : memref<10112xf32, #tpu.memory_space<vmem>>[vector<16xi32>], vector<16xf32>,
      %get3A_174 = arith.constant 96 : index
      %get3A_175 = tpu.vector_load %arg15[%get3A_174] {strides = array<i32>} : memref<128xi32, #tpu.memory_space<vmem>>, vector<16xi32>,
      tpu.vector_store_idx %arg19[%get3A_175], %broadcast_in_dim3A_1 {add = true} : memref<10112xf32, #tpu.memory_space<vmem>>[vector<16xi32>], vector<16xf32>,
      %get3A_176 = arith.constant 112 : index
      %get3A_177 = tpu.vector_load %arg15[%get3A_176] {strides = array<i32>} : memref<128xi32, #tpu.memory_space<vmem>>, vector<16xi32>,
      tpu.vector_store_idx %arg19[%get3A_177], %broadcast_in_dim3A_1 {add = true} : memref<10112xf32, #tpu.memory_space<vmem>>[vector<16xi32>], vector<16xf32>,
      %dma_wait3A_178 = arith.constant 0 : i32
      %dma_wait3A_179 = arith.constant 0 : i32
      %dma_wait3A_180 = tpu.memref_slice %arg20[%dma_wait3A_178, %dma_wait3A_179] : memref<10112x128xf32, #tpu.memory_space<vmem_shared>> -> memref<10112x128xf32, #tpu.memory_space<vmem_shared>>
      tpu.wait_indirect_dma semaphore(%arg31 : memref<!tpu.dma_semaphore, #tpu.memory_space<semaphore_mem>>) src(%arg17 : memref<128x128xf32, #tpu.memory_space<vmem>>) dst(%dma_wait3A_180 : memref<10112x128xf32, #tpu.memory_space<vmem_shared>>)
      %add3A_181 = arith.constant 6 : i32
      %add3A_182 = arith.addi %add3A_20, %add3A_181 : i32
      %mul3A_183 = arith.constant 128 : i32
      %mul3A_184 = arith.muli %add3A_182, %mul3A_183 : i32
      %dma_start3A_185 = tpu.memref_slice %arg2[%mul3A_184] : memref<327680xi32, #tpu.memory_space<hbm>> -> memref<128xi32, #tpu.memory_space<hbm>>
      %dma_start3A_186 = tpu.memref_slice %arg2[%mul3A_184] : memref<327680xi32, #tpu.memory_space<hbm>> -> memref<128xi32, #tpu.memory_space<hbm>>
      tpu.enqueue_dma source(%dma_start3A_186 : memref<128xi32, #tpu.memory_space<hbm>>) target(%arg11 : memref<128xi32, #tpu.memory_space<vmem>>) target_semaphore(%arg23 : memref<!tpu.dma_semaphore, #tpu.memory_space<semaphore_mem>>)
      %dma_start3A_187 = tpu.memref_slice %arg3[%mul3A_184] : memref<327680xi32, #tpu.memory_space<hbm>> -> memref<128xi32, #tpu.memory_space<hbm>>
      %dma_start3A_188 = tpu.memref_slice %arg3[%mul3A_184] : memref<327680xi32, #tpu.memory_space<hbm>> -> memref<128xi32, #tpu.memory_space<hbm>>
      tpu.enqueue_dma source(%dma_start3A_188 : memref<128xi32, #tpu.memory_space<hbm>>) target(%arg15 : memref<128xi32, #tpu.memory_space<vmem>>) target_semaphore(%arg27 : memref<!tpu.dma_semaphore, #tpu.memory_space<semaphore_mem>>)
      %dma_wait3A_189 = arith.constant 0 : i32
      %dma_wait3A_190 = tpu.memref_slice %arg2[%dma_wait3A_189] : memref<327680xi32, #tpu.memory_space<hbm>> -> memref<128xi32, #tpu.memory_space<hbm>>
      %dma_wait3A_191 = arith.constant 0 : i32
      %dma_wait3A_192 = tpu.memref_slice %arg2[%dma_wait3A_191] : memref<327680xi32, #tpu.memory_space<hbm>> -> memref<128xi32, #tpu.memory_space<hbm>>
      tpu.wait_dma2 semaphore(%arg21 : memref<!tpu.dma_semaphore, #tpu.memory_space<semaphore_mem>>) src(%dma_wait3A_192 : memref<128xi32, #tpu.memory_space<hbm>>) dst(%arg9 : memref<128xi32, #tpu.memory_space<vmem>>)
      %dma_start3A_193 = arith.constant 0 : i32
      %dma_start3A_194 = arith.constant 0 : i32
      %dma_start3A_195 = tpu.memref_slice %arg4[%dma_start3A_193, %dma_start3A_194] : memref<10112x128xf32, #tpu.memory_space<hbm>> -> memref<10112x128xf32, #tpu.memory_space<hbm>>
      tpu.enqueue_indirect_dma source(%dma_start3A_195 : memref<10112x128xf32, #tpu.memory_space<hbm>>) target(%arg17 : memref<128x128xf32, #tpu.memory_space<vmem>>) offsets(%arg9 : memref<128xi32, #tpu.memory_space<vmem>>) semaphore(%arg29 : memref<!tpu.dma_semaphore, #tpu.memory_space<semaphore_mem>>)
      %dma_wait3A_196 = arith.constant 0 : i32
      %dma_wait3A_197 = tpu.memref_slice %arg3[%dma_wait3A_196] : memref<327680xi32, #tpu.memory_space<hbm>> -> memref<128xi32, #tpu.memory_space<hbm>>
      %dma_wait3A_198 = arith.constant 0 : i32
      %dma_wait3A_199 = tpu.memref_slice %arg3[%dma_wait3A_198] : memref<327680xi32, #tpu.memory_space<hbm>> -> memref<128xi32, #tpu.memory_space<hbm>>
      tpu.wait_dma2 semaphore(%arg28 : memref<!tpu.dma_semaphore, #tpu.memory_space<semaphore_mem>>) src(%dma_wait3A_199 : memref<128xi32, #tpu.memory_space<hbm>>) dst(%arg16 : memref<128xi32, #tpu.memory_space<vmem>>)
      %dma_wait3A_200 = arith.constant 0 : i32
      %dma_wait3A_201 = arith.constant 0 : i32
      %dma_wait3A_202 = tpu.memref_slice %arg4[%dma_wait3A_200, %dma_wait3A_201] : memref<10112x128xf32, #tpu.memory_space<hbm>> -> memref<10112x128xf32, #tpu.memory_space<hbm>>
      tpu.wait_indirect_dma semaphore(%arg30 : memref<!tpu.dma_semaphore, #tpu.memory_space<semaphore_mem>>) src(%dma_wait3A_202 : memref<10112x128xf32, #tpu.memory_space<hbm>>) dst(%arg18 : memref<128x128xf32, #tpu.memory_space<vmem>>)
      %dma_start3A_203 = arith.constant 0 : i32
      %dma_start3A_204 = arith.constant 0 : i32
      %dma_start3A_205 = tpu.memref_slice %arg20[%dma_start3A_203, %dma_start3A_204] : memref<10112x128xf32, #tpu.memory_space<vmem_shared>> -> memref<10112x128xf32, #tpu.memory_space<vmem_shared>>
      tpu.enqueue_indirect_dma source(%arg18 : memref<128x128xf32, #tpu.memory_space<vmem>>) target(%dma_start3A_205 : memref<10112x128xf32, #tpu.memory_space<vmem_shared>>) offsets(%arg16 : memref<128xi32, #tpu.memory_space<vmem>>) semaphore(%arg32 : memref<!tpu.dma_semaphore, #tpu.memory_space<semaphore_mem>>) {add = true}
      %get3A_206 = arith.constant 0 : index
      %get3A_207 = tpu.vector_load %arg16[%get3A_206] {strides = array<i32>} : memref<128xi32, #tpu.memory_space<vmem>>, vector<16xi32>,
      tpu.vector_store_idx %arg19[%get3A_207], %broadcast_in_dim3A_1 {add = true} : memref<10112xf32, #tpu.memory_space<vmem>>[vector<16xi32>], vector<16xf32>,
      %get3A_208 = arith.constant 16 : index
      %get3A_209 = tpu.vector_load %arg16[%get3A_208] {strides = array<i32>} : memref<128xi32, #tpu.memory_space<vmem>>, vector<16xi32>,
      tpu.vector_store_idx %arg19[%get3A_209], %broadcast_in_dim3A_1 {add = true} : memref<10112xf32, #tpu.memory_space<vmem>>[vector<16xi32>], vector<16xf32>,
      %get3A_210 = arith.constant 32 : index
      %get3A_211 = tpu.vector_load %arg16[%get3A_210] {strides = array<i32>} : memref<128xi32, #tpu.memory_space<vmem>>, vector<16xi32>,
      tpu.vector_store_idx %arg19[%get3A_211], %broadcast_in_dim3A_1 {add = true} : memref<10112xf32, #tpu.memory_space<vmem>>[vector<16xi32>], vector<16xf32>,
      %get3A_212 = arith.constant 48 : index
      %get3A_213 = tpu.vector_load %arg16[%get3A_212] {strides = array<i32>} : memref<128xi32, #tpu.memory_space<vmem>>, vector<16xi32>,
      tpu.vector_store_idx %arg19[%get3A_213], %broadcast_in_dim3A_1 {add = true} : memref<10112xf32, #tpu.memory_space<vmem>>[vector<16xi32>], vector<16xf32>,
      %get3A_214 = arith.constant 64 : index
      %get3A_215 = tpu.vector_load %arg16[%get3A_214] {strides = array<i32>} : memref<128xi32, #tpu.memory_space<vmem>>, vector<16xi32>,
      tpu.vector_store_idx %arg19[%get3A_215], %broadcast_in_dim3A_1 {add = true} : memref<10112xf32, #tpu.memory_space<vmem>>[vector<16xi32>], vector<16xf32>,
      %get3A_216 = arith.constant 80 : index
      %get3A_217 = tpu.vector_load %arg16[%get3A_216] {strides = array<i32>} : memref<128xi32, #tpu.memory_space<vmem>>, vector<16xi32>,
      tpu.vector_store_idx %arg19[%get3A_217], %broadcast_in_dim3A_1 {add = true} : memref<10112xf32, #tpu.memory_space<vmem>>[vector<16xi32>], vector<16xf32>,
      %get3A_218 = arith.constant 96 : index
      %get3A_219 = tpu.vector_load %arg16[%get3A_218] {strides = array<i32>} : memref<128xi32, #tpu.memory_space<vmem>>, vector<16xi32>,
      tpu.vector_store_idx %arg19[%get3A_219], %broadcast_in_dim3A_1 {add = true} : memref<10112xf32, #tpu.memory_space<vmem>>[vector<16xi32>], vector<16xf32>,
      %get3A_220 = arith.constant 112 : index
      %get3A_221 = tpu.vector_load %arg16[%get3A_220] {strides = array<i32>} : memref<128xi32, #tpu.memory_space<vmem>>, vector<16xi32>,
      tpu.vector_store_idx %arg19[%get3A_221], %broadcast_in_dim3A_1 {add = true} : memref<10112xf32, #tpu.memory_space<vmem>>[vector<16xi32>], vector<16xf32>,
      %dma_wait3A_222 = arith.constant 0 : i32
      %dma_wait3A_223 = arith.constant 0 : i32
      %dma_wait3A_224 = tpu.memref_slice %arg20[%dma_wait3A_222, %dma_wait3A_223] : memref<10112x128xf32, #tpu.memory_space<vmem_shared>> -> memref<10112x128xf32, #tpu.memory_space<vmem_shared>>
      tpu.wait_indirect_dma semaphore(%arg32 : memref<!tpu.dma_semaphore, #tpu.memory_space<semaphore_mem>>) src(%arg18 : memref<128x128xf32, #tpu.memory_space<vmem>>) dst(%dma_wait3A_224 : memref<10112x128xf32, #tpu.memory_space<vmem_shared>>)
      %add3A_225 = arith.constant 7 : i32
      %add3A_226 = arith.addi %add3A_20, %add3A_225 : i32
      %mul3A_227 = arith.constant 128 : i32
      %mul3A_228 = arith.muli %add3A_226, %mul3A_227 : i32
      %dma_start3A_229 = tpu.memref_slice %arg2[%mul3A_228] : memref<327680xi32, #tpu.memory_space<hbm>> -> memref<128xi32, #tpu.memory_space<hbm>>
      %dma_start3A_230 = tpu.memref_slice %arg2[%mul3A_228] : memref<327680xi32, #tpu.memory_space<hbm>> -> memref<128xi32, #tpu.memory_space<hbm>>
      tpu.enqueue_dma source(%dma_start3A_230 : memref<128xi32, #tpu.memory_space<hbm>>) target(%arg12 : memref<128xi32, #tpu.memory_space<vmem>>) target_semaphore(%arg24 : memref<!tpu.dma_semaphore, #tpu.memory_space<semaphore_mem>>)
      %dma_start3A_231 = tpu.memref_slice %arg3[%mul3A_228] : memref<327680xi32, #tpu.memory_space<hbm>> -> memref<128xi32, #tpu.memory_space<hbm>>
      %dma_start3A_232 = tpu.memref_slice %arg3[%mul3A_228] : memref<327680xi32, #tpu.memory_space<hbm>> -> memref<128xi32, #tpu.memory_space<hbm>>
      tpu.enqueue_dma source(%dma_start3A_232 : memref<128xi32, #tpu.memory_space<hbm>>) target(%arg16 : memref<128xi32, #tpu.memory_space<vmem>>) target_semaphore(%arg28 : memref<!tpu.dma_semaphore, #tpu.memory_space<semaphore_mem>>)
      %dma_wait3A_233 = arith.constant 0 : i32
      %dma_wait3A_234 = tpu.memref_slice %arg2[%dma_wait3A_233] : memref<327680xi32, #tpu.memory_space<hbm>> -> memref<128xi32, #tpu.memory_space<hbm>>
      %dma_wait3A_235 = arith.constant 0 : i32
      %dma_wait3A_236 = tpu.memref_slice %arg2[%dma_wait3A_235] : memref<327680xi32, #tpu.memory_space<hbm>> -> memref<128xi32, #tpu.memory_space<hbm>>
      tpu.wait_dma2 semaphore(%arg22 : memref<!tpu.dma_semaphore, #tpu.memory_space<semaphore_mem>>) src(%dma_wait3A_236 : memref<128xi32, #tpu.memory_space<hbm>>) dst(%arg10 : memref<128xi32, #tpu.memory_space<vmem>>)
      %dma_start3A_237 = arith.constant 0 : i32
      %dma_start3A_238 = arith.constant 0 : i32
      %dma_start3A_239 = tpu.memref_slice %arg4[%dma_start3A_237, %dma_start3A_238] : memref<10112x128xf32, #tpu.memory_space<hbm>> -> memref<10112x128xf32, #tpu.memory_space<hbm>>
      tpu.enqueue_indirect_dma source(%dma_start3A_239 : memref<10112x128xf32, #tpu.memory_space<hbm>>) target(%arg18 : memref<128x128xf32, #tpu.memory_space<vmem>>) offsets(%arg10 : memref<128xi32, #tpu.memory_space<vmem>>) semaphore(%arg30 : memref<!tpu.dma_semaphore, #tpu.memory_space<semaphore_mem>>)
      %scan3A = arith.constant 0 : i32
      %scan3A_240 = arith.constant 0 : i32
      %scan3A_241 = arith.constant 8 : i32
      %scan3A_242 = arith.addi %scan3A_240, %scan3A_241 : i32
      %scan3A_243 = arith.constant 1 : i32
      %scan3A_244 = scf.for %scan3A_376 = %scan3A_240 to %scan3A_242 step %scan3A_243 iter_args(%scan3A_377 = %scan3A) -> (i32)  : i32 {
        %mul3A_378 = arith.constant 4 : i32
        %mul3A_379 = arith.muli %scan3A_376, %mul3A_378 : i32
        %add3A_380 = arith.constant 8 : i32
        %add3A_381 = arith.addi %mul3A_379, %add3A_380 : i32
        %add3A_382 = arith.constant 0 : i32
        %add3A_383 = arith.addi %add3A_381, %add3A_382 : i32
        %dma_wait3A_384 = arith.constant 0 : i32
        %dma_wait3A_385 = tpu.memref_slice %arg3[%dma_wait3A_384] : memref<327680xi32, #tpu.memory_space<hbm>> -> memref<128xi32, #tpu.memory_space<hbm>>
        %dma_wait3A_386 = arith.constant 0 : i32
        %dma_wait3A_387 = tpu.memref_slice %arg3[%dma_wait3A_386] : memref<327680xi32, #tpu.memory_space<hbm>> -> memref<128xi32, #tpu.memory_space<hbm>>
        tpu.wait_dma2 semaphore(%arg25 : memref<!tpu.dma_semaphore, #tpu.memory_space<semaphore_mem>>) src(%dma_wait3A_387 : memref<128xi32, #tpu.memory_space<hbm>>) dst(%arg13 : memref<128xi32, #tpu.memory_space<vmem>>)
        %dma_wait3A_388 = arith.constant 0 : i32
        %dma_wait3A_389 = arith.constant 0 : i32
        %dma_wait3A_390 = tpu.memref_slice %arg4[%dma_wait3A_388, %dma_wait3A_389] : memref<10112x128xf32, #tpu.memory_space<hbm>> -> memref<10112x128xf32, #tpu.memory_space<hbm>>
        tpu.wait_indirect_dma semaphore(%arg29 : memref<!tpu.dma_semaphore, #tpu.memory_space<semaphore_mem>>) src(%dma_wait3A_390 : memref<10112x128xf32, #tpu.memory_space<hbm>>) dst(%arg17 : memref<128x128xf32, #tpu.memory_space<vmem>>)
        %dma_start3A_391 = arith.constant 0 : i32
        %dma_start3A_392 = arith.constant 0 : i32
        %dma_start3A_393 = tpu.memref_slice %arg20[%dma_start3A_391, %dma_start3A_392] : memref<10112x128xf32, #tpu.memory_space<vmem_shared>> -> memref<10112x128xf32, #tpu.memory_space<vmem_shared>>
        tpu.enqueue_indirect_dma source(%arg17 : memref<128x128xf32, #tpu.memory_space<vmem>>) target(%dma_start3A_393 : memref<10112x128xf32, #tpu.memory_space<vmem_shared>>) offsets(%arg13 : memref<128xi32, #tpu.memory_space<vmem>>) semaphore(%arg31 : memref<!tpu.dma_semaphore, #tpu.memory_space<semaphore_mem>>) {add = true}
        %get3A_394 = arith.constant 0 : index
        %get3A_395 = tpu.vector_load %arg13[%get3A_394] {strides = array<i32>} : memref<128xi32, #tpu.memory_space<vmem>>, vector<16xi32>,
        tpu.vector_store_idx %arg19[%get3A_395], %broadcast_in_dim3A_1 {add = true} : memref<10112xf32, #tpu.memory_space<vmem>>[vector<16xi32>], vector<16xf32>,
        %get3A_396 = arith.constant 16 : index
        %get3A_397 = tpu.vector_load %arg13[%get3A_396] {strides = array<i32>} : memref<128xi32, #tpu.memory_space<vmem>>, vector<16xi32>,
        tpu.vector_store_idx %arg19[%get3A_397], %broadcast_in_dim3A_1 {add = true} : memref<10112xf32, #tpu.memory_space<vmem>>[vector<16xi32>], vector<16xf32>,
        %get3A_398 = arith.constant 32 : index
        %get3A_399 = tpu.vector_load %arg13[%get3A_398] {strides = array<i32>} : memref<128xi32, #tpu.memory_space<vmem>>, vector<16xi32>,
        tpu.vector_store_idx %arg19[%get3A_399], %broadcast_in_dim3A_1 {add = true} : memref<10112xf32, #tpu.memory_space<vmem>>[vector<16xi32>], vector<16xf32>,
        %get3A_400 = arith.constant 48 : index
        %get3A_401 = tpu.vector_load %arg13[%get3A_400] {strides = array<i32>} : memref<128xi32, #tpu.memory_space<vmem>>, vector<16xi32>,
        tpu.vector_store_idx %arg19[%get3A_401], %broadcast_in_dim3A_1 {add = true} : memref<10112xf32, #tpu.memory_space<vmem>>[vector<16xi32>], vector<16xf32>,
        %get3A_402 = arith.constant 64 : index
        %get3A_403 = tpu.vector_load %arg13[%get3A_402] {strides = array<i32>} : memref<128xi32, #tpu.memory_space<vmem>>, vector<16xi32>,
        tpu.vector_store_idx %arg19[%get3A_403], %broadcast_in_dim3A_1 {add = true} : memref<10112xf32, #tpu.memory_space<vmem>>[vector<16xi32>], vector<16xf32>,
        %get3A_404 = arith.constant 80 : index
        %get3A_405 = tpu.vector_load %arg13[%get3A_404] {strides = array<i32>} : memref<128xi32, #tpu.memory_space<vmem>>, vector<16xi32>,
        tpu.vector_store_idx %arg19[%get3A_405], %broadcast_in_dim3A_1 {add = true} : memref<10112xf32, #tpu.memory_space<vmem>>[vector<16xi32>], vector<16xf32>,
        %get3A_406 = arith.constant 96 : index
        %get3A_407 = tpu.vector_load %arg13[%get3A_406] {strides = array<i32>} : memref<128xi32, #tpu.memory_space<vmem>>, vector<16xi32>,
        tpu.vector_store_idx %arg19[%get3A_407], %broadcast_in_dim3A_1 {add = true} : memref<10112xf32, #tpu.memory_space<vmem>>[vector<16xi32>], vector<16xf32>,
        %get3A_408 = arith.constant 112 : index
        %get3A_409 = tpu.vector_load %arg13[%get3A_408] {strides = array<i32>} : memref<128xi32, #tpu.memory_space<vmem>>, vector<16xi32>,
        tpu.vector_store_idx %arg19[%get3A_409], %broadcast_in_dim3A_1 {add = true} : memref<10112xf32, #tpu.memory_space<vmem>>[vector<16xi32>], vector<16xf32>,
        %dma_wait3A_410 = arith.constant 0 : i32
        %dma_wait3A_411 = arith.constant 0 : i32
        %dma_wait3A_412 = tpu.memref_slice %arg20[%dma_wait3A_410, %dma_wait3A_411] : memref<10112x128xf32, #tpu.memory_space<vmem_shared>> -> memref<10112x128xf32, #tpu.memory_space<vmem_shared>>
        tpu.wait_indirect_dma semaphore(%arg31 : memref<!tpu.dma_semaphore, #tpu.memory_space<semaphore_mem>>) src(%arg17 : memref<128x128xf32, #tpu.memory_space<vmem>>) dst(%dma_wait3A_412 : memref<10112x128xf32, #tpu.memory_space<vmem_shared>>)
        %add3A_413 = arith.addi %add3A_20, %add3A_383 : i32
        %mul3A_414 = arith.constant 128 : i32
        %mul3A_415 = arith.muli %add3A_413, %mul3A_414 : i32
        %dma_start3A_416 = tpu.memref_slice %arg2[%mul3A_415] : memref<327680xi32, #tpu.memory_space<hbm>> -> memref<128xi32, #tpu.memory_space<hbm>>
        %dma_start3A_417 = tpu.memref_slice %arg2[%mul3A_415] : memref<327680xi32, #tpu.memory_space<hbm>> -> memref<128xi32, #tpu.memory_space<hbm>>
        tpu.enqueue_dma source(%dma_start3A_417 : memref<128xi32, #tpu.memory_space<hbm>>) target(%arg9 : memref<128xi32, #tpu.memory_space<vmem>>) target_semaphore(%arg21 : memref<!tpu.dma_semaphore, #tpu.memory_space<semaphore_mem>>)
        %dma_start3A_418 = tpu.memref_slice %arg3[%mul3A_415] : memref<327680xi32, #tpu.memory_space<hbm>> -> memref<128xi32, #tpu.memory_space<hbm>>
        %dma_start3A_419 = tpu.memref_slice %arg3[%mul3A_415] : memref<327680xi32, #tpu.memory_space<hbm>> -> memref<128xi32, #tpu.memory_space<hbm>>
        tpu.enqueue_dma source(%dma_start3A_419 : memref<128xi32, #tpu.memory_space<hbm>>) target(%arg13 : memref<128xi32, #tpu.memory_space<vmem>>) target_semaphore(%arg25 : memref<!tpu.dma_semaphore, #tpu.memory_space<semaphore_mem>>)
        %dma_wait3A_420 = arith.constant 0 : i32
        %dma_wait3A_421 = tpu.memref_slice %arg2[%dma_wait3A_420] : memref<327680xi32, #tpu.memory_space<hbm>> -> memref<128xi32, #tpu.memory_space<hbm>>
        %dma_wait3A_422 = arith.constant 0 : i32
        %dma_wait3A_423 = tpu.memref_slice %arg2[%dma_wait3A_422] : memref<327680xi32, #tpu.memory_space<hbm>> -> memref<128xi32, #tpu.memory_space<hbm>>
        tpu.wait_dma2 semaphore(%arg23 : memref<!tpu.dma_semaphore, #tpu.memory_space<semaphore_mem>>) src(%dma_wait3A_423 : memref<128xi32, #tpu.memory_space<hbm>>) dst(%arg11 : memref<128xi32, #tpu.memory_space<vmem>>)
        %dma_start3A_424 = arith.constant 0 : i32
        %dma_start3A_425 = arith.constant 0 : i32
        %dma_start3A_426 = tpu.memref_slice %arg4[%dma_start3A_424, %dma_start3A_425] : memref<10112x128xf32, #tpu.memory_space<hbm>> -> memref<10112x128xf32, #tpu.memory_space<hbm>>
        tpu.enqueue_indirect_dma source(%dma_start3A_426 : memref<10112x128xf32, #tpu.memory_space<hbm>>) target(%arg17 : memref<128x128xf32, #tpu.memory_space<vmem>>) offsets(%arg11 : memref<128xi32, #tpu.memory_space<vmem>>) semaphore(%arg29 : memref<!tpu.dma_semaphore, #tpu.memory_space<semaphore_mem>>)
        %mul3A_427 = arith.constant 4 : i32
        %mul3A_428 = arith.muli %scan3A_376, %mul3A_427 : i32
        %add3A_429 = arith.constant 8 : i32
        %add3A_430 = arith.addi %mul3A_428, %add3A_429 : i32
        %add3A_431 = arith.constant 1 : i32
        %add3A_432 = arith.addi %add3A_430, %add3A_431 : i32
        %dma_wait3A_433 = arith.constant 0 : i32
        %dma_wait3A_434 = tpu.memref_slice %arg3[%dma_wait3A_433] : memref<327680xi32, #tpu.memory_space<hbm>> -> memref<128xi32, #tpu.memory_space<hbm>>
        %dma_wait3A_435 = arith.constant 0 : i32
        %dma_wait3A_436 = tpu.memref_slice %arg3[%dma_wait3A_435] : memref<327680xi32, #tpu.memory_space<hbm>> -> memref<128xi32, #tpu.memory_space<hbm>>
        tpu.wait_dma2 semaphore(%arg26 : memref<!tpu.dma_semaphore, #tpu.memory_space<semaphore_mem>>) src(%dma_wait3A_436 : memref<128xi32, #tpu.memory_space<hbm>>) dst(%arg14 : memref<128xi32, #tpu.memory_space<vmem>>)
        %dma_wait3A_437 = arith.constant 0 : i32
        %dma_wait3A_438 = arith.constant 0 : i32
        %dma_wait3A_439 = tpu.memref_slice %arg4[%dma_wait3A_437, %dma_wait3A_438] : memref<10112x128xf32, #tpu.memory_space<hbm>> -> memref<10112x128xf32, #tpu.memory_space<hbm>>
        tpu.wait_indirect_dma semaphore(%arg30 : memref<!tpu.dma_semaphore, #tpu.memory_space<semaphore_mem>>) src(%dma_wait3A_439 : memref<10112x128xf32, #tpu.memory_space<hbm>>) dst(%arg18 : memref<128x128xf32, #tpu.memory_space<vmem>>)
        %dma_start3A_440 = arith.constant 0 : i32
        %dma_start3A_441 = arith.constant 0 : i32
        %dma_start3A_442 = tpu.memref_slice %arg20[%dma_start3A_440, %dma_start3A_441] : memref<10112x128xf32, #tpu.memory_space<vmem_shared>> -> memref<10112x128xf32, #tpu.memory_space<vmem_shared>>
        tpu.enqueue_indirect_dma source(%arg18 : memref<128x128xf32, #tpu.memory_space<vmem>>) target(%dma_start3A_442 : memref<10112x128xf32, #tpu.memory_space<vmem_shared>>) offsets(%arg14 : memref<128xi32, #tpu.memory_space<vmem>>) semaphore(%arg32 : memref<!tpu.dma_semaphore, #tpu.memory_space<semaphore_mem>>) {add = true}
        %get3A_443 = arith.constant 0 : index
        %get3A_444 = tpu.vector_load %arg14[%get3A_443] {strides = array<i32>} : memref<128xi32, #tpu.memory_space<vmem>>, vector<16xi32>,
        tpu.vector_store_idx %arg19[%get3A_444], %broadcast_in_dim3A_1 {add = true} : memref<10112xf32, #tpu.memory_space<vmem>>[vector<16xi32>], vector<16xf32>,
        %get3A_445 = arith.constant 16 : index
        %get3A_446 = tpu.vector_load %arg14[%get3A_445] {strides = array<i32>} : memref<128xi32, #tpu.memory_space<vmem>>, vector<16xi32>,
        tpu.vector_store_idx %arg19[%get3A_446], %broadcast_in_dim3A_1 {add = true} : memref<10112xf32, #tpu.memory_space<vmem>>[vector<16xi32>], vector<16xf32>,
        %get3A_447 = arith.constant 32 : index
        %get3A_448 = tpu.vector_load %arg14[%get3A_447] {strides = array<i32>} : memref<128xi32, #tpu.memory_space<vmem>>, vector<16xi32>,
        tpu.vector_store_idx %arg19[%get3A_448], %broadcast_in_dim3A_1 {add = true} : memref<10112xf32, #tpu.memory_space<vmem>>[vector<16xi32>], vector<16xf32>,
        %get3A_449 = arith.constant 48 : index
        %get3A_450 = tpu.vector_load %arg14[%get3A_449] {strides = array<i32>} : memref<128xi32, #tpu.memory_space<vmem>>, vector<16xi32>,
        tpu.vector_store_idx %arg19[%get3A_450], %broadcast_in_dim3A_1 {add = true} : memref<10112xf32, #tpu.memory_space<vmem>>[vector<16xi32>], vector<16xf32>,
        %get3A_451 = arith.constant 64 : index
        %get3A_452 = tpu.vector_load %arg14[%get3A_451] {strides = array<i32>} : memref<128xi32, #tpu.memory_space<vmem>>, vector<16xi32>,
        tpu.vector_store_idx %arg19[%get3A_452], %broadcast_in_dim3A_1 {add = true} : memref<10112xf32, #tpu.memory_space<vmem>>[vector<16xi32>], vector<16xf32>,
        %get3A_453 = arith.constant 80 : index
        %get3A_454 = tpu.vector_load %arg14[%get3A_453] {strides = array<i32>} : memref<128xi32, #tpu.memory_space<vmem>>, vector<16xi32>,
        tpu.vector_store_idx %arg19[%get3A_454], %broadcast_in_dim3A_1 {add = true} : memref<10112xf32, #tpu.memory_space<vmem>>[vector<16xi32>], vector<16xf32>,
        %get3A_455 = arith.constant 96 : index
        %get3A_456 = tpu.vector_load %arg14[%get3A_455] {strides = array<i32>} : memref<128xi32, #tpu.memory_space<vmem>>, vector<16xi32>,
        tpu.vector_store_idx %arg19[%get3A_456], %broadcast_in_dim3A_1 {add = true} : memref<10112xf32, #tpu.memory_space<vmem>>[vector<16xi32>], vector<16xf32>,
        %get3A_457 = arith.constant 112 : index
        %get3A_458 = tpu.vector_load %arg14[%get3A_457] {strides = array<i32>} : memref<128xi32, #tpu.memory_space<vmem>>, vector<16xi32>,
        tpu.vector_store_idx %arg19[%get3A_458], %broadcast_in_dim3A_1 {add = true} : memref<10112xf32, #tpu.memory_space<vmem>>[vector<16xi32>], vector<16xf32>,
        %dma_wait3A_459 = arith.constant 0 : i32
        %dma_wait3A_460 = arith.constant 0 : i32
        %dma_wait3A_461 = tpu.memref_slice %arg20[%dma_wait3A_459, %dma_wait3A_460] : memref<10112x128xf32, #tpu.memory_space<vmem_shared>> -> memref<10112x128xf32, #tpu.memory_space<vmem_shared>>
        tpu.wait_indirect_dma semaphore(%arg32 : memref<!tpu.dma_semaphore, #tpu.memory_space<semaphore_mem>>) src(%arg18 : memref<128x128xf32, #tpu.memory_space<vmem>>) dst(%dma_wait3A_461 : memref<10112x128xf32, #tpu.memory_space<vmem_shared>>)
        %add3A_462 = arith.addi %add3A_20, %add3A_432 : i32
        %mul3A_463 = arith.constant 128 : i32
        %mul3A_464 = arith.muli %add3A_462, %mul3A_463 : i32
        %dma_start3A_465 = tpu.memref_slice %arg2[%mul3A_464] : memref<327680xi32, #tpu.memory_space<hbm>> -> memref<128xi32, #tpu.memory_space<hbm>>
        %dma_start3A_466 = tpu.memref_slice %arg2[%mul3A_464] : memref<327680xi32, #tpu.memory_space<hbm>> -> memref<128xi32, #tpu.memory_space<hbm>>
        tpu.enqueue_dma source(%dma_start3A_466 : memref<128xi32, #tpu.memory_space<hbm>>) target(%arg10 : memref<128xi32, #tpu.memory_space<vmem>>) target_semaphore(%arg22 : memref<!tpu.dma_semaphore, #tpu.memory_space<semaphore_mem>>)
        %dma_start3A_467 = tpu.memref_slice %arg3[%mul3A_464] : memref<327680xi32, #tpu.memory_space<hbm>> -> memref<128xi32, #tpu.memory_space<hbm>>
        %dma_start3A_468 = tpu.memref_slice %arg3[%mul3A_464] : memref<327680xi32, #tpu.memory_space<hbm>> -> memref<128xi32, #tpu.memory_space<hbm>>
        tpu.enqueue_dma source(%dma_start3A_468 : memref<128xi32, #tpu.memory_space<hbm>>) target(%arg14 : memref<128xi32, #tpu.memory_space<vmem>>) target_semaphore(%arg26 : memref<!tpu.dma_semaphore, #tpu.memory_space<semaphore_mem>>)
        %dma_wait3A_469 = arith.constant 0 : i32
        %dma_wait3A_470 = tpu.memref_slice %arg2[%dma_wait3A_469] : memref<327680xi32, #tpu.memory_space<hbm>> -> memref<128xi32, #tpu.memory_space<hbm>>
        %dma_wait3A_471 = arith.constant 0 : i32
        %dma_wait3A_472 = tpu.memref_slice %arg2[%dma_wait3A_471] : memref<327680xi32, #tpu.memory_space<hbm>> -> memref<128xi32, #tpu.memory_space<hbm>>
        tpu.wait_dma2 semaphore(%arg24 : memref<!tpu.dma_semaphore, #tpu.memory_space<semaphore_mem>>) src(%dma_wait3A_472 : memref<128xi32, #tpu.memory_space<hbm>>) dst(%arg12 : memref<128xi32, #tpu.memory_space<vmem>>)
        %dma_start3A_473 = arith.constant 0 : i32
        %dma_start3A_474 = arith.constant 0 : i32
        %dma_start3A_475 = tpu.memref_slice %arg4[%dma_start3A_473, %dma_start3A_474] : memref<10112x128xf32, #tpu.memory_space<hbm>> -> memref<10112x128xf32, #tpu.memory_space<hbm>>
        tpu.enqueue_indirect_dma source(%dma_start3A_475 : memref<10112x128xf32, #tpu.memory_space<hbm>>) target(%arg18 : memref<128x128xf32, #tpu.memory_space<vmem>>) offsets(%arg12 : memref<128xi32, #tpu.memory_space<vmem>>) semaphore(%arg30 : memref<!tpu.dma_semaphore, #tpu.memory_space<semaphore_mem>>)
        %mul3A_476 = arith.constant 4 : i32
        %mul3A_477 = arith.muli %scan3A_376, %mul3A_476 : i32
        %add3A_478 = arith.constant 8 : i32
        %add3A_479 = arith.addi %mul3A_477, %add3A_478 : i32
        %add3A_480 = arith.constant 2 : i32
        %add3A_481 = arith.addi %add3A_479, %add3A_480 : i32
        %dma_wait3A_482 = arith.constant 0 : i32
        %dma_wait3A_483 = tpu.memref_slice %arg3[%dma_wait3A_482] : memref<327680xi32, #tpu.memory_space<hbm>> -> memref<128xi32, #tpu.memory_space<hbm>>
        %dma_wait3A_484 = arith.constant 0 : i32
        %dma_wait3A_485 = tpu.memref_slice %arg3[%dma_wait3A_484] : memref<327680xi32, #tpu.memory_space<hbm>> -> memref<128xi32, #tpu.memory_space<hbm>>
        tpu.wait_dma2 semaphore(%arg27 : memref<!tpu.dma_semaphore, #tpu.memory_space<semaphore_mem>>) src(%dma_wait3A_485 : memref<128xi32, #tpu.memory_space<hbm>>) dst(%arg15 : memref<128xi32, #tpu.memory_space<vmem>>)
        %dma_wait3A_486 = arith.constant 0 : i32
        %dma_wait3A_487 = arith.constant 0 : i32
        %dma_wait3A_488 = tpu.memref_slice %arg4[%dma_wait3A_486, %dma_wait3A_487] : memref<10112x128xf32, #tpu.memory_space<hbm>> -> memref<10112x128xf32, #tpu.memory_space<hbm>>
        tpu.wait_indirect_dma semaphore(%arg29 : memref<!tpu.dma_semaphore, #tpu.memory_space<semaphore_mem>>) src(%dma_wait3A_488 : memref<10112x128xf32, #tpu.memory_space<hbm>>) dst(%arg17 : memref<128x128xf32, #tpu.memory_space<vmem>>)
        %dma_start3A_489 = arith.constant 0 : i32
        %dma_start3A_490 = arith.constant 0 : i32
        %dma_start3A_491 = tpu.memref_slice %arg20[%dma_start3A_489, %dma_start3A_490] : memref<10112x128xf32, #tpu.memory_space<vmem_shared>> -> memref<10112x128xf32, #tpu.memory_space<vmem_shared>>
        tpu.enqueue_indirect_dma source(%arg17 : memref<128x128xf32, #tpu.memory_space<vmem>>) target(%dma_start3A_491 : memref<10112x128xf32, #tpu.memory_space<vmem_shared>>) offsets(%arg15 : memref<128xi32, #tpu.memory_space<vmem>>) semaphore(%arg31 : memref<!tpu.dma_semaphore, #tpu.memory_space<semaphore_mem>>) {add = true}
        %get3A_492 = arith.constant 0 : index
        %get3A_493 = tpu.vector_load %arg15[%get3A_492] {strides = array<i32>} : memref<128xi32, #tpu.memory_space<vmem>>, vector<16xi32>,
        tpu.vector_store_idx %arg19[%get3A_493], %broadcast_in_dim3A_1 {add = true} : memref<10112xf32, #tpu.memory_space<vmem>>[vector<16xi32>], vector<16xf32>,
        %get3A_494 = arith.constant 16 : index
        %get3A_495 = tpu.vector_load %arg15[%get3A_494] {strides = array<i32>} : memref<128xi32, #tpu.memory_space<vmem>>, vector<16xi32>,
        tpu.vector_store_idx %arg19[%get3A_495], %broadcast_in_dim3A_1 {add = true} : memref<10112xf32, #tpu.memory_space<vmem>>[vector<16xi32>], vector<16xf32>,
        %get3A_496 = arith.constant 32 : index
        %get3A_497 = tpu.vector_load %arg15[%get3A_496] {strides = array<i32>} : memref<128xi32, #tpu.memory_space<vmem>>, vector<16xi32>,
        tpu.vector_store_idx %arg19[%get3A_497], %broadcast_in_dim3A_1 {add = true} : memref<10112xf32, #tpu.memory_space<vmem>>[vector<16xi32>], vector<16xf32>,
        %get3A_498 = arith.constant 48 : index
        %get3A_499 = tpu.vector_load %arg15[%get3A_498] {strides = array<i32>} : memref<128xi32, #tpu.memory_space<vmem>>, vector<16xi32>,
        tpu.vector_store_idx %arg19[%get3A_499], %broadcast_in_dim3A_1 {add = true} : memref<10112xf32, #tpu.memory_space<vmem>>[vector<16xi32>], vector<16xf32>,
        %get3A_500 = arith.constant 64 : index
        %get3A_501 = tpu.vector_load %arg15[%get3A_500] {strides = array<i32>} : memref<128xi32, #tpu.memory_space<vmem>>, vector<16xi32>,
        tpu.vector_store_idx %arg19[%get3A_501], %broadcast_in_dim3A_1 {add = true} : memref<10112xf32, #tpu.memory_space<vmem>>[vector<16xi32>], vector<16xf32>,
        %get3A_502 = arith.constant 80 : index
        %get3A_503 = tpu.vector_load %arg15[%get3A_502] {strides = array<i32>} : memref<128xi32, #tpu.memory_space<vmem>>, vector<16xi32>,
        tpu.vector_store_idx %arg19[%get3A_503], %broadcast_in_dim3A_1 {add = true} : memref<10112xf32, #tpu.memory_space<vmem>>[vector<16xi32>], vector<16xf32>,
        %get3A_504 = arith.constant 96 : index
        %get3A_505 = tpu.vector_load %arg15[%get3A_504] {strides = array<i32>} : memref<128xi32, #tpu.memory_space<vmem>>, vector<16xi32>,
        tpu.vector_store_idx %arg19[%get3A_505], %broadcast_in_dim3A_1 {add = true} : memref<10112xf32, #tpu.memory_space<vmem>>[vector<16xi32>], vector<16xf32>,
        %get3A_506 = arith.constant 112 : index
        %get3A_507 = tpu.vector_load %arg15[%get3A_506] {strides = array<i32>} : memref<128xi32, #tpu.memory_space<vmem>>, vector<16xi32>,
        tpu.vector_store_idx %arg19[%get3A_507], %broadcast_in_dim3A_1 {add = true} : memref<10112xf32, #tpu.memory_space<vmem>>[vector<16xi32>], vector<16xf32>,
        %dma_wait3A_508 = arith.constant 0 : i32
        %dma_wait3A_509 = arith.constant 0 : i32
        %dma_wait3A_510 = tpu.memref_slice %arg20[%dma_wait3A_508, %dma_wait3A_509] : memref<10112x128xf32, #tpu.memory_space<vmem_shared>> -> memref<10112x128xf32, #tpu.memory_space<vmem_shared>>
        tpu.wait_indirect_dma semaphore(%arg31 : memref<!tpu.dma_semaphore, #tpu.memory_space<semaphore_mem>>) src(%arg17 : memref<128x128xf32, #tpu.memory_space<vmem>>) dst(%dma_wait3A_510 : memref<10112x128xf32, #tpu.memory_space<vmem_shared>>)
        %add3A_511 = arith.addi %add3A_20, %add3A_481 : i32
        %mul3A_512 = arith.constant 128 : i32
        %mul3A_513 = arith.muli %add3A_511, %mul3A_512 : i32
        %dma_start3A_514 = tpu.memref_slice %arg2[%mul3A_513] : memref<327680xi32, #tpu.memory_space<hbm>> -> memref<128xi32, #tpu.memory_space<hbm>>
        %dma_start3A_515 = tpu.memref_slice %arg2[%mul3A_513] : memref<327680xi32, #tpu.memory_space<hbm>> -> memref<128xi32, #tpu.memory_space<hbm>>
        tpu.enqueue_dma source(%dma_start3A_515 : memref<128xi32, #tpu.memory_space<hbm>>) target(%arg11 : memref<128xi32, #tpu.memory_space<vmem>>) target_semaphore(%arg23 : memref<!tpu.dma_semaphore, #tpu.memory_space<semaphore_mem>>)
        %dma_start3A_516 = tpu.memref_slice %arg3[%mul3A_513] : memref<327680xi32, #tpu.memory_space<hbm>> -> memref<128xi32, #tpu.memory_space<hbm>>
        %dma_start3A_517 = tpu.memref_slice %arg3[%mul3A_513] : memref<327680xi32, #tpu.memory_space<hbm>> -> memref<128xi32, #tpu.memory_space<hbm>>
        tpu.enqueue_dma source(%dma_start3A_517 : memref<128xi32, #tpu.memory_space<hbm>>) target(%arg15 : memref<128xi32, #tpu.memory_space<vmem>>) target_semaphore(%arg27 : memref<!tpu.dma_semaphore, #tpu.memory_space<semaphore_mem>>)
        %dma_wait3A_518 = arith.constant 0 : i32
        %dma_wait3A_519 = tpu.memref_slice %arg2[%dma_wait3A_518] : memref<327680xi32, #tpu.memory_space<hbm>> -> memref<128xi32, #tpu.memory_space<hbm>>
        %dma_wait3A_520 = arith.constant 0 : i32
        %dma_wait3A_521 = tpu.memref_slice %arg2[%dma_wait3A_520] : memref<327680xi32, #tpu.memory_space<hbm>> -> memref<128xi32, #tpu.memory_space<hbm>>
        tpu.wait_dma2 semaphore(%arg21 : memref<!tpu.dma_semaphore, #tpu.memory_space<semaphore_mem>>) src(%dma_wait3A_521 : memref<128xi32, #tpu.memory_space<hbm>>) dst(%arg9 : memref<128xi32, #tpu.memory_space<vmem>>)
        %dma_start3A_522 = arith.constant 0 : i32
        %dma_start3A_523 = arith.constant 0 : i32
        %dma_start3A_524 = tpu.memref_slice %arg4[%dma_start3A_522, %dma_start3A_523] : memref<10112x128xf32, #tpu.memory_space<hbm>> -> memref<10112x128xf32, #tpu.memory_space<hbm>>
        tpu.enqueue_indirect_dma source(%dma_start3A_524 : memref<10112x128xf32, #tpu.memory_space<hbm>>) target(%arg17 : memref<128x128xf32, #tpu.memory_space<vmem>>) offsets(%arg9 : memref<128xi32, #tpu.memory_space<vmem>>) semaphore(%arg29 : memref<!tpu.dma_semaphore, #tpu.memory_space<semaphore_mem>>)
        %mul3A_525 = arith.constant 4 : i32
        %mul3A_526 = arith.muli %scan3A_376, %mul3A_525 : i32
        %add3A_527 = arith.constant 8 : i32
        %add3A_528 = arith.addi %mul3A_526, %add3A_527 : i32
        %add3A_529 = arith.constant 3 : i32
        %add3A_530 = arith.addi %add3A_528, %add3A_529 : i32
        %dma_wait3A_531 = arith.constant 0 : i32
        %dma_wait3A_532 = tpu.memref_slice %arg3[%dma_wait3A_531] : memref<327680xi32, #tpu.memory_space<hbm>> -> memref<128xi32, #tpu.memory_space<hbm>>
        %dma_wait3A_533 = arith.constant 0 : i32
        %dma_wait3A_534 = tpu.memref_slice %arg3[%dma_wait3A_533] : memref<327680xi32, #tpu.memory_space<hbm>> -> memref<128xi32, #tpu.memory_space<hbm>>
        tpu.wait_dma2 semaphore(%arg28 : memref<!tpu.dma_semaphore, #tpu.memory_space<semaphore_mem>>) src(%dma_wait3A_534 : memref<128xi32, #tpu.memory_space<hbm>>) dst(%arg16 : memref<128xi32, #tpu.memory_space<vmem>>)
        %dma_wait3A_535 = arith.constant 0 : i32
        %dma_wait3A_536 = arith.constant 0 : i32
        %dma_wait3A_537 = tpu.memref_slice %arg4[%dma_wait3A_535, %dma_wait3A_536] : memref<10112x128xf32, #tpu.memory_space<hbm>> -> memref<10112x128xf32, #tpu.memory_space<hbm>>
        tpu.wait_indirect_dma semaphore(%arg30 : memref<!tpu.dma_semaphore, #tpu.memory_space<semaphore_mem>>) src(%dma_wait3A_537 : memref<10112x128xf32, #tpu.memory_space<hbm>>) dst(%arg18 : memref<128x128xf32, #tpu.memory_space<vmem>>)
        %dma_start3A_538 = arith.constant 0 : i32
        %dma_start3A_539 = arith.constant 0 : i32
        %dma_start3A_540 = tpu.memref_slice %arg20[%dma_start3A_538, %dma_start3A_539] : memref<10112x128xf32, #tpu.memory_space<vmem_shared>> -> memref<10112x128xf32, #tpu.memory_space<vmem_shared>>
        tpu.enqueue_indirect_dma source(%arg18 : memref<128x128xf32, #tpu.memory_space<vmem>>) target(%dma_start3A_540 : memref<10112x128xf32, #tpu.memory_space<vmem_shared>>) offsets(%arg16 : memref<128xi32, #tpu.memory_space<vmem>>) semaphore(%arg32 : memref<!tpu.dma_semaphore, #tpu.memory_space<semaphore_mem>>) {add = true}
        %get3A_541 = arith.constant 0 : index
        %get3A_542 = tpu.vector_load %arg16[%get3A_541] {strides = array<i32>} : memref<128xi32, #tpu.memory_space<vmem>>, vector<16xi32>,
        tpu.vector_store_idx %arg19[%get3A_542], %broadcast_in_dim3A_1 {add = true} : memref<10112xf32, #tpu.memory_space<vmem>>[vector<16xi32>], vector<16xf32>,
        %get3A_543 = arith.constant 16 : index
        %get3A_544 = tpu.vector_load %arg16[%get3A_543] {strides = array<i32>} : memref<128xi32, #tpu.memory_space<vmem>>, vector<16xi32>,
        tpu.vector_store_idx %arg19[%get3A_544], %broadcast_in_dim3A_1 {add = true} : memref<10112xf32, #tpu.memory_space<vmem>>[vector<16xi32>], vector<16xf32>,
        %get3A_545 = arith.constant 32 : index
        %get3A_546 = tpu.vector_load %arg16[%get3A_545] {strides = array<i32>} : memref<128xi32, #tpu.memory_space<vmem>>, vector<16xi32>,
        tpu.vector_store_idx %arg19[%get3A_546], %broadcast_in_dim3A_1 {add = true} : memref<10112xf32, #tpu.memory_space<vmem>>[vector<16xi32>], vector<16xf32>,
        %get3A_547 = arith.constant 48 : index
        %get3A_548 = tpu.vector_load %arg16[%get3A_547] {strides = array<i32>} : memref<128xi32, #tpu.memory_space<vmem>>, vector<16xi32>,
        tpu.vector_store_idx %arg19[%get3A_548], %broadcast_in_dim3A_1 {add = true} : memref<10112xf32, #tpu.memory_space<vmem>>[vector<16xi32>], vector<16xf32>,
        %get3A_549 = arith.constant 64 : index
        %get3A_550 = tpu.vector_load %arg16[%get3A_549] {strides = array<i32>} : memref<128xi32, #tpu.memory_space<vmem>>, vector<16xi32>,
        tpu.vector_store_idx %arg19[%get3A_550], %broadcast_in_dim3A_1 {add = true} : memref<10112xf32, #tpu.memory_space<vmem>>[vector<16xi32>], vector<16xf32>,
        %get3A_551 = arith.constant 80 : index
        %get3A_552 = tpu.vector_load %arg16[%get3A_551] {strides = array<i32>} : memref<128xi32, #tpu.memory_space<vmem>>, vector<16xi32>,
        tpu.vector_store_idx %arg19[%get3A_552], %broadcast_in_dim3A_1 {add = true} : memref<10112xf32, #tpu.memory_space<vmem>>[vector<16xi32>], vector<16xf32>,
        %get3A_553 = arith.constant 96 : index
        %get3A_554 = tpu.vector_load %arg16[%get3A_553] {strides = array<i32>} : memref<128xi32, #tpu.memory_space<vmem>>, vector<16xi32>,
        tpu.vector_store_idx %arg19[%get3A_554], %broadcast_in_dim3A_1 {add = true} : memref<10112xf32, #tpu.memory_space<vmem>>[vector<16xi32>], vector<16xf32>,
        %get3A_555 = arith.constant 112 : index
        %get3A_556 = tpu.vector_load %arg16[%get3A_555] {strides = array<i32>} : memref<128xi32, #tpu.memory_space<vmem>>, vector<16xi32>,
        tpu.vector_store_idx %arg19[%get3A_556], %broadcast_in_dim3A_1 {add = true} : memref<10112xf32, #tpu.memory_space<vmem>>[vector<16xi32>], vector<16xf32>,
        %dma_wait3A_557 = arith.constant 0 : i32
        %dma_wait3A_558 = arith.constant 0 : i32
        %dma_wait3A_559 = tpu.memref_slice %arg20[%dma_wait3A_557, %dma_wait3A_558] : memref<10112x128xf32, #tpu.memory_space<vmem_shared>> -> memref<10112x128xf32, #tpu.memory_space<vmem_shared>>
        tpu.wait_indirect_dma semaphore(%arg32 : memref<!tpu.dma_semaphore, #tpu.memory_space<semaphore_mem>>) src(%arg18 : memref<128x128xf32, #tpu.memory_space<vmem>>) dst(%dma_wait3A_559 : memref<10112x128xf32, #tpu.memory_space<vmem_shared>>)
        %add3A_560 = arith.addi %add3A_20, %add3A_530 : i32
        %mul3A_561 = arith.constant 128 : i32
        %mul3A_562 = arith.muli %add3A_560, %mul3A_561 : i32
        %dma_start3A_563 = tpu.memref_slice %arg2[%mul3A_562] : memref<327680xi32, #tpu.memory_space<hbm>> -> memref<128xi32, #tpu.memory_space<hbm>>
        %dma_start3A_564 = tpu.memref_slice %arg2[%mul3A_562] : memref<327680xi32, #tpu.memory_space<hbm>> -> memref<128xi32, #tpu.memory_space<hbm>>
        tpu.enqueue_dma source(%dma_start3A_564 : memref<128xi32, #tpu.memory_space<hbm>>) target(%arg12 : memref<128xi32, #tpu.memory_space<vmem>>) target_semaphore(%arg24 : memref<!tpu.dma_semaphore, #tpu.memory_space<semaphore_mem>>)
        %dma_start3A_565 = tpu.memref_slice %arg3[%mul3A_562] : memref<327680xi32, #tpu.memory_space<hbm>> -> memref<128xi32, #tpu.memory_space<hbm>>
        %dma_start3A_566 = tpu.memref_slice %arg3[%mul3A_562] : memref<327680xi32, #tpu.memory_space<hbm>> -> memref<128xi32, #tpu.memory_space<hbm>>
        tpu.enqueue_dma source(%dma_start3A_566 : memref<128xi32, #tpu.memory_space<hbm>>) target(%arg16 : memref<128xi32, #tpu.memory_space<vmem>>) target_semaphore(%arg28 : memref<!tpu.dma_semaphore, #tpu.memory_space<semaphore_mem>>)
        %dma_wait3A_567 = arith.constant 0 : i32
        %dma_wait3A_568 = tpu.memref_slice %arg2[%dma_wait3A_567] : memref<327680xi32, #tpu.memory_space<hbm>> -> memref<128xi32, #tpu.memory_space<hbm>>
        %dma_wait3A_569 = arith.constant 0 : i32
        %dma_wait3A_570 = tpu.memref_slice %arg2[%dma_wait3A_569] : memref<327680xi32, #tpu.memory_space<hbm>> -> memref<128xi32, #tpu.memory_space<hbm>>
        tpu.wait_dma2 semaphore(%arg22 : memref<!tpu.dma_semaphore, #tpu.memory_space<semaphore_mem>>) src(%dma_wait3A_570 : memref<128xi32, #tpu.memory_space<hbm>>) dst(%arg10 : memref<128xi32, #tpu.memory_space<vmem>>)
        %dma_start3A_571 = arith.constant 0 : i32
        %dma_start3A_572 = arith.constant 0 : i32
        %dma_start3A_573 = tpu.memref_slice %arg4[%dma_start3A_571, %dma_start3A_572] : memref<10112x128xf32, #tpu.memory_space<hbm>> -> memref<10112x128xf32, #tpu.memory_space<hbm>>
        tpu.enqueue_indirect_dma source(%dma_start3A_573 : memref<10112x128xf32, #tpu.memory_space<hbm>>) target(%arg18 : memref<128x128xf32, #tpu.memory_space<vmem>>) offsets(%arg10 : memref<128xi32, #tpu.memory_space<vmem>>) semaphore(%arg30 : memref<!tpu.dma_semaphore, #tpu.memory_space<semaphore_mem>>)
        %scan3A_574 = arith.constant 0 : i32
        scf.yield %scan3A_574 : i32
      }
      %scan3A_245 = arith.constant 8 : i32
      %dma_wait3A_246 = arith.constant 0 : i32
      %dma_wait3A_247 = tpu.memref_slice %arg3[%dma_wait3A_246] : memref<327680xi32, #tpu.memory_space<hbm>> -> memref<128xi32, #tpu.memory_space<hbm>>
      %dma_wait3A_248 = arith.constant 0 : i32
      %dma_wait3A_249 = tpu.memref_slice %arg3[%dma_wait3A_248] : memref<327680xi32, #tpu.memory_space<hbm>> -> memref<128xi32, #tpu.memory_space<hbm>>
      tpu.wait_dma2 semaphore(%arg25 : memref<!tpu.dma_semaphore, #tpu.memory_space<semaphore_mem>>) src(%dma_wait3A_249 : memref<128xi32, #tpu.memory_space<hbm>>) dst(%arg13 : memref<128xi32, #tpu.memory_space<vmem>>)
      %dma_wait3A_250 = arith.constant 0 : i32
      %dma_wait3A_251 = arith.constant 0 : i32
      %dma_wait3A_252 = tpu.memref_slice %arg4[%dma_wait3A_250, %dma_wait3A_251] : memref<10112x128xf32, #tpu.memory_space<hbm>> -> memref<10112x128xf32, #tpu.memory_space<hbm>>
      tpu.wait_indirect_dma semaphore(%arg29 : memref<!tpu.dma_semaphore, #tpu.memory_space<semaphore_mem>>) src(%dma_wait3A_252 : memref<10112x128xf32, #tpu.memory_space<hbm>>) dst(%arg17 : memref<128x128xf32, #tpu.memory_space<vmem>>)
      %dma_start3A_253 = arith.constant 0 : i32
      %dma_start3A_254 = arith.constant 0 : i32
      %dma_start3A_255 = tpu.memref_slice %arg20[%dma_start3A_253, %dma_start3A_254] : memref<10112x128xf32, #tpu.memory_space<vmem_shared>> -> memref<10112x128xf32, #tpu.memory_space<vmem_shared>>
      tpu.enqueue_indirect_dma source(%arg17 : memref<128x128xf32, #tpu.memory_space<vmem>>) target(%dma_start3A_255 : memref<10112x128xf32, #tpu.memory_space<vmem_shared>>) offsets(%arg13 : memref<128xi32, #tpu.memory_space<vmem>>) semaphore(%arg31 : memref<!tpu.dma_semaphore, #tpu.memory_space<semaphore_mem>>) {add = true}
      %get3A_256 = arith.constant 0 : index
      %get3A_257 = tpu.vector_load %arg13[%get3A_256] {strides = array<i32>} : memref<128xi32, #tpu.memory_space<vmem>>, vector<16xi32>,
      tpu.vector_store_idx %arg19[%get3A_257], %broadcast_in_dim3A_1 {add = true} : memref<10112xf32, #tpu.memory_space<vmem>>[vector<16xi32>], vector<16xf32>,
      %get3A_258 = arith.constant 16 : index
      %get3A_259 = tpu.vector_load %arg13[%get3A_258] {strides = array<i32>} : memref<128xi32, #tpu.memory_space<vmem>>, vector<16xi32>,
      tpu.vector_store_idx %arg19[%get3A_259], %broadcast_in_dim3A_1 {add = true} : memref<10112xf32, #tpu.memory_space<vmem>>[vector<16xi32>], vector<16xf32>,
      %get3A_260 = arith.constant 32 : index
      %get3A_261 = tpu.vector_load %arg13[%get3A_260] {strides = array<i32>} : memref<128xi32, #tpu.memory_space<vmem>>, vector<16xi32>,
      tpu.vector_store_idx %arg19[%get3A_261], %broadcast_in_dim3A_1 {add = true} : memref<10112xf32, #tpu.memory_space<vmem>>[vector<16xi32>], vector<16xf32>,
      %get3A_262 = arith.constant 48 : index
      %get3A_263 = tpu.vector_load %arg13[%get3A_262] {strides = array<i32>} : memref<128xi32, #tpu.memory_space<vmem>>, vector<16xi32>,
      tpu.vector_store_idx %arg19[%get3A_263], %broadcast_in_dim3A_1 {add = true} : memref<10112xf32, #tpu.memory_space<vmem>>[vector<16xi32>], vector<16xf32>,
      %get3A_264 = arith.constant 64 : index
      %get3A_265 = tpu.vector_load %arg13[%get3A_264] {strides = array<i32>} : memref<128xi32, #tpu.memory_space<vmem>>, vector<16xi32>,
      tpu.vector_store_idx %arg19[%get3A_265], %broadcast_in_dim3A_1 {add = true} : memref<10112xf32, #tpu.memory_space<vmem>>[vector<16xi32>], vector<16xf32>,
      %get3A_266 = arith.constant 80 : index
      %get3A_267 = tpu.vector_load %arg13[%get3A_266] {strides = array<i32>} : memref<128xi32, #tpu.memory_space<vmem>>, vector<16xi32>,
      tpu.vector_store_idx %arg19[%get3A_267], %broadcast_in_dim3A_1 {add = true} : memref<10112xf32, #tpu.memory_space<vmem>>[vector<16xi32>], vector<16xf32>,
      %get3A_268 = arith.constant 96 : index
      %get3A_269 = tpu.vector_load %arg13[%get3A_268] {strides = array<i32>} : memref<128xi32, #tpu.memory_space<vmem>>, vector<16xi32>,
      tpu.vector_store_idx %arg19[%get3A_269], %broadcast_in_dim3A_1 {add = true} : memref<10112xf32, #tpu.memory_space<vmem>>[vector<16xi32>], vector<16xf32>,
      %get3A_270 = arith.constant 112 : index
      %get3A_271 = tpu.vector_load %arg13[%get3A_270] {strides = array<i32>} : memref<128xi32, #tpu.memory_space<vmem>>, vector<16xi32>,
      tpu.vector_store_idx %arg19[%get3A_271], %broadcast_in_dim3A_1 {add = true} : memref<10112xf32, #tpu.memory_space<vmem>>[vector<16xi32>], vector<16xf32>,
      %dma_wait3A_272 = arith.constant 0 : i32
      %dma_wait3A_273 = arith.constant 0 : i32
      %dma_wait3A_274 = tpu.memref_slice %arg20[%dma_wait3A_272, %dma_wait3A_273] : memref<10112x128xf32, #tpu.memory_space<vmem_shared>> -> memref<10112x128xf32, #tpu.memory_space<vmem_shared>>
      tpu.wait_indirect_dma semaphore(%arg31 : memref<!tpu.dma_semaphore, #tpu.memory_space<semaphore_mem>>) src(%arg17 : memref<128x128xf32, #tpu.memory_space<vmem>>) dst(%dma_wait3A_274 : memref<10112x128xf32, #tpu.memory_space<vmem_shared>>)
      %dma_wait3A_275 = arith.constant 0 : i32
      %dma_wait3A_276 = tpu.memref_slice %arg2[%dma_wait3A_275] : memref<327680xi32, #tpu.memory_space<hbm>> -> memref<128xi32, #tpu.memory_space<hbm>>
      %dma_wait3A_277 = arith.constant 0 : i32
      %dma_wait3A_278 = tpu.memref_slice %arg2[%dma_wait3A_277] : memref<327680xi32, #tpu.memory_space<hbm>> -> memref<128xi32, #tpu.memory_space<hbm>>
      tpu.wait_dma2 semaphore(%arg23 : memref<!tpu.dma_semaphore, #tpu.memory_space<semaphore_mem>>) src(%dma_wait3A_278 : memref<128xi32, #tpu.memory_space<hbm>>) dst(%arg11 : memref<128xi32, #tpu.memory_space<vmem>>)
      %dma_start3A_279 = arith.constant 0 : i32
      %dma_start3A_280 = arith.constant 0 : i32
      %dma_start3A_281 = tpu.memref_slice %arg4[%dma_start3A_279, %dma_start3A_280] : memref<10112x128xf32, #tpu.memory_space<hbm>> -> memref<10112x128xf32, #tpu.memory_space<hbm>>
      tpu.enqueue_indirect_dma source(%dma_start3A_281 : memref<10112x128xf32, #tpu.memory_space<hbm>>) target(%arg17 : memref<128x128xf32, #tpu.memory_space<vmem>>) offsets(%arg11 : memref<128xi32, #tpu.memory_space<vmem>>) semaphore(%arg29 : memref<!tpu.dma_semaphore, #tpu.memory_space<semaphore_mem>>)
      %dma_wait3A_282 = arith.constant 0 : i32
      %dma_wait3A_283 = tpu.memref_slice %arg3[%dma_wait3A_282] : memref<327680xi32, #tpu.memory_space<hbm>> -> memref<128xi32, #tpu.memory_space<hbm>>
      %dma_wait3A_284 = arith.constant 0 : i32
      %dma_wait3A_285 = tpu.memref_slice %arg3[%dma_wait3A_284] : memref<327680xi32, #tpu.memory_space<hbm>> -> memref<128xi32, #tpu.memory_space<hbm>>
      tpu.wait_dma2 semaphore(%arg26 : memref<!tpu.dma_semaphore, #tpu.memory_space<semaphore_mem>>) src(%dma_wait3A_285 : memref<128xi32, #tpu.memory_space<hbm>>) dst(%arg14 : memref<128xi32, #tpu.memory_space<vmem>>)
      %dma_wait3A_286 = arith.constant 0 : i32
      %dma_wait3A_287 = arith.constant 0 : i32
      %dma_wait3A_288 = tpu.memref_slice %arg4[%dma_wait3A_286, %dma_wait3A_287] : memref<10112x128xf32, #tpu.memory_space<hbm>> -> memref<10112x128xf32, #tpu.memory_space<hbm>>
      tpu.wait_indirect_dma semaphore(%arg30 : memref<!tpu.dma_semaphore, #tpu.memory_space<semaphore_mem>>) src(%dma_wait3A_288 : memref<10112x128xf32, #tpu.memory_space<hbm>>) dst(%arg18 : memref<128x128xf32, #tpu.memory_space<vmem>>)
      %dma_start3A_289 = arith.constant 0 : i32
      %dma_start3A_290 = arith.constant 0 : i32
      %dma_start3A_291 = tpu.memref_slice %arg20[%dma_start3A_289, %dma_start3A_290] : memref<10112x128xf32, #tpu.memory_space<vmem_shared>> -> memref<10112x128xf32, #tpu.memory_space<vmem_shared>>
      tpu.enqueue_indirect_dma source(%arg18 : memref<128x128xf32, #tpu.memory_space<vmem>>) target(%dma_start3A_291 : memref<10112x128xf32, #tpu.memory_space<vmem_shared>>) offsets(%arg14 : memref<128xi32, #tpu.memory_space<vmem>>) semaphore(%arg32 : memref<!tpu.dma_semaphore, #tpu.memory_space<semaphore_mem>>) {add = true}
      %get3A_292 = arith.constant 0 : index
      %get3A_293 = tpu.vector_load %arg14[%get3A_292] {strides = array<i32>} : memref<128xi32, #tpu.memory_space<vmem>>, vector<16xi32>,
      tpu.vector_store_idx %arg19[%get3A_293], %broadcast_in_dim3A_1 {add = true} : memref<10112xf32, #tpu.memory_space<vmem>>[vector<16xi32>], vector<16xf32>,
      %get3A_294 = arith.constant 16 : index
      %get3A_295 = tpu.vector_load %arg14[%get3A_294] {strides = array<i32>} : memref<128xi32, #tpu.memory_space<vmem>>, vector<16xi32>,
      tpu.vector_store_idx %arg19[%get3A_295], %broadcast_in_dim3A_1 {add = true} : memref<10112xf32, #tpu.memory_space<vmem>>[vector<16xi32>], vector<16xf32>,
      %get3A_296 = arith.constant 32 : index
      %get3A_297 = tpu.vector_load %arg14[%get3A_296] {strides = array<i32>} : memref<128xi32, #tpu.memory_space<vmem>>, vector<16xi32>,
      tpu.vector_store_idx %arg19[%get3A_297], %broadcast_in_dim3A_1 {add = true} : memref<10112xf32, #tpu.memory_space<vmem>>[vector<16xi32>], vector<16xf32>,
      %get3A_298 = arith.constant 48 : index
      %get3A_299 = tpu.vector_load %arg14[%get3A_298] {strides = array<i32>} : memref<128xi32, #tpu.memory_space<vmem>>, vector<16xi32>,
      tpu.vector_store_idx %arg19[%get3A_299], %broadcast_in_dim3A_1 {add = true} : memref<10112xf32, #tpu.memory_space<vmem>>[vector<16xi32>], vector<16xf32>,
      %get3A_300 = arith.constant 64 : index
      %get3A_301 = tpu.vector_load %arg14[%get3A_300] {strides = array<i32>} : memref<128xi32, #tpu.memory_space<vmem>>, vector<16xi32>,
      tpu.vector_store_idx %arg19[%get3A_301], %broadcast_in_dim3A_1 {add = true} : memref<10112xf32, #tpu.memory_space<vmem>>[vector<16xi32>], vector<16xf32>,
      %get3A_302 = arith.constant 80 : index
      %get3A_303 = tpu.vector_load %arg14[%get3A_302] {strides = array<i32>} : memref<128xi32, #tpu.memory_space<vmem>>, vector<16xi32>,
      tpu.vector_store_idx %arg19[%get3A_303], %broadcast_in_dim3A_1 {add = true} : memref<10112xf32, #tpu.memory_space<vmem>>[vector<16xi32>], vector<16xf32>,
      %get3A_304 = arith.constant 96 : index
      %get3A_305 = tpu.vector_load %arg14[%get3A_304] {strides = array<i32>} : memref<128xi32, #tpu.memory_space<vmem>>, vector<16xi32>,
      tpu.vector_store_idx %arg19[%get3A_305], %broadcast_in_dim3A_1 {add = true} : memref<10112xf32, #tpu.memory_space<vmem>>[vector<16xi32>], vector<16xf32>,
      %get3A_306 = arith.constant 112 : index
      %get3A_307 = tpu.vector_load %arg14[%get3A_306] {strides = array<i32>} : memref<128xi32, #tpu.memory_space<vmem>>, vector<16xi32>,
      tpu.vector_store_idx %arg19[%get3A_307], %broadcast_in_dim3A_1 {add = true} : memref<10112xf32, #tpu.memory_space<vmem>>[vector<16xi32>], vector<16xf32>,
      %dma_wait3A_308 = arith.constant 0 : i32
      %dma_wait3A_309 = arith.constant 0 : i32
      %dma_wait3A_310 = tpu.memref_slice %arg20[%dma_wait3A_308, %dma_wait3A_309] : memref<10112x128xf32, #tpu.memory_space<vmem_shared>> -> memref<10112x128xf32, #tpu.memory_space<vmem_shared>>
      tpu.wait_indirect_dma semaphore(%arg32 : memref<!tpu.dma_semaphore, #tpu.memory_space<semaphore_mem>>) src(%arg18 : memref<128x128xf32, #tpu.memory_space<vmem>>) dst(%dma_wait3A_310 : memref<10112x128xf32, #tpu.memory_space<vmem_shared>>)
      %dma_wait3A_311 = arith.constant 0 : i32
      %dma_wait3A_312 = tpu.memref_slice %arg2[%dma_wait3A_311] : memref<327680xi32, #tpu.memory_space<hbm>> -> memref<128xi32, #tpu.memory_space<hbm>>
      %dma_wait3A_313 = arith.constant 0 : i32
      %dma_wait3A_314 = tpu.memref_slice %arg2[%dma_wait3A_313] : memref<327680xi32, #tpu.memory_space<hbm>> -> memref<128xi32, #tpu.memory_space<hbm>>
      tpu.wait_dma2 semaphore(%arg24 : memref<!tpu.dma_semaphore, #tpu.memory_space<semaphore_mem>>) src(%dma_wait3A_314 : memref<128xi32, #tpu.memory_space<hbm>>) dst(%arg12 : memref<128xi32, #tpu.memory_space<vmem>>)
      %dma_start3A_315 = arith.constant 0 : i32
      %dma_start3A_316 = arith.constant 0 : i32
      %dma_start3A_317 = tpu.memref_slice %arg4[%dma_start3A_315, %dma_start3A_316] : memref<10112x128xf32, #tpu.memory_space<hbm>> -> memref<10112x128xf32, #tpu.memory_space<hbm>>
      tpu.enqueue_indirect_dma source(%dma_start3A_317 : memref<10112x128xf32, #tpu.memory_space<hbm>>) target(%arg18 : memref<128x128xf32, #tpu.memory_space<vmem>>) offsets(%arg12 : memref<128xi32, #tpu.memory_space<vmem>>) semaphore(%arg30 : memref<!tpu.dma_semaphore, #tpu.memory_space<semaphore_mem>>)
      %dma_wait3A_318 = arith.constant 0 : i32
      %dma_wait3A_319 = tpu.memref_slice %arg3[%dma_wait3A_318] : memref<327680xi32, #tpu.memory_space<hbm>> -> memref<128xi32, #tpu.memory_space<hbm>>
      %dma_wait3A_320 = arith.constant 0 : i32
      %dma_wait3A_321 = tpu.memref_slice %arg3[%dma_wait3A_320] : memref<327680xi32, #tpu.memory_space<hbm>> -> memref<128xi32, #tpu.memory_space<hbm>>
      tpu.wait_dma2 semaphore(%arg27 : memref<!tpu.dma_semaphore, #tpu.memory_space<semaphore_mem>>) src(%dma_wait3A_321 : memref<128xi32, #tpu.memory_space<hbm>>) dst(%arg15 : memref<128xi32, #tpu.memory_space<vmem>>)
      %dma_wait3A_322 = arith.constant 0 : i32
      %dma_wait3A_323 = arith.constant 0 : i32
      %dma_wait3A_324 = tpu.memref_slice %arg4[%dma_wait3A_322, %dma_wait3A_323] : memref<10112x128xf32, #tpu.memory_space<hbm>> -> memref<10112x128xf32, #tpu.memory_space<hbm>>
      tpu.wait_indirect_dma semaphore(%arg29 : memref<!tpu.dma_semaphore, #tpu.memory_space<semaphore_mem>>) src(%dma_wait3A_324 : memref<10112x128xf32, #tpu.memory_space<hbm>>) dst(%arg17 : memref<128x128xf32, #tpu.memory_space<vmem>>)
      %dma_start3A_325 = arith.constant 0 : i32
      %dma_start3A_326 = arith.constant 0 : i32
      %dma_start3A_327 = tpu.memref_slice %arg20[%dma_start3A_325, %dma_start3A_326] : memref<10112x128xf32, #tpu.memory_space<vmem_shared>> -> memref<10112x128xf32, #tpu.memory_space<vmem_shared>>
      tpu.enqueue_indirect_dma source(%arg17 : memref<128x128xf32, #tpu.memory_space<vmem>>) target(%dma_start3A_327 : memref<10112x128xf32, #tpu.memory_space<vmem_shared>>) offsets(%arg15 : memref<128xi32, #tpu.memory_space<vmem>>) semaphore(%arg31 : memref<!tpu.dma_semaphore, #tpu.memory_space<semaphore_mem>>) {add = true}
      %get3A_328 = arith.constant 0 : index
      %get3A_329 = tpu.vector_load %arg15[%get3A_328] {strides = array<i32>} : memref<128xi32, #tpu.memory_space<vmem>>, vector<16xi32>,
      tpu.vector_store_idx %arg19[%get3A_329], %broadcast_in_dim3A_1 {add = true} : memref<10112xf32, #tpu.memory_space<vmem>>[vector<16xi32>], vector<16xf32>,
      %get3A_330 = arith.constant 16 : index
      %get3A_331 = tpu.vector_load %arg15[%get3A_330] {strides = array<i32>} : memref<128xi32, #tpu.memory_space<vmem>>, vector<16xi32>,
      tpu.vector_store_idx %arg19[%get3A_331], %broadcast_in_dim3A_1 {add = true} : memref<10112xf32, #tpu.memory_space<vmem>>[vector<16xi32>], vector<16xf32>,
      %get3A_332 = arith.constant 32 : index
      %get3A_333 = tpu.vector_load %arg15[%get3A_332] {strides = array<i32>} : memref<128xi32, #tpu.memory_space<vmem>>, vector<16xi32>,
      tpu.vector_store_idx %arg19[%get3A_333], %broadcast_in_dim3A_1 {add = true} : memref<10112xf32, #tpu.memory_space<vmem>>[vector<16xi32>], vector<16xf32>,
      %get3A_334 = arith.constant 48 : index
      %get3A_335 = tpu.vector_load %arg15[%get3A_334] {strides = array<i32>} : memref<128xi32, #tpu.memory_space<vmem>>, vector<16xi32>,
      tpu.vector_store_idx %arg19[%get3A_335], %broadcast_in_dim3A_1 {add = true} : memref<10112xf32, #tpu.memory_space<vmem>>[vector<16xi32>], vector<16xf32>,
      %get3A_336 = arith.constant 64 : index
      %get3A_337 = tpu.vector_load %arg15[%get3A_336] {strides = array<i32>} : memref<128xi32, #tpu.memory_space<vmem>>, vector<16xi32>,
      tpu.vector_store_idx %arg19[%get3A_337], %broadcast_in_dim3A_1 {add = true} : memref<10112xf32, #tpu.memory_space<vmem>>[vector<16xi32>], vector<16xf32>,
      %get3A_338 = arith.constant 80 : index
      %get3A_339 = tpu.vector_load %arg15[%get3A_338] {strides = array<i32>} : memref<128xi32, #tpu.memory_space<vmem>>, vector<16xi32>,
      tpu.vector_store_idx %arg19[%get3A_339], %broadcast_in_dim3A_1 {add = true} : memref<10112xf32, #tpu.memory_space<vmem>>[vector<16xi32>], vector<16xf32>,
      %get3A_340 = arith.constant 96 : index
      %get3A_341 = tpu.vector_load %arg15[%get3A_340] {strides = array<i32>} : memref<128xi32, #tpu.memory_space<vmem>>, vector<16xi32>,
      tpu.vector_store_idx %arg19[%get3A_341], %broadcast_in_dim3A_1 {add = true} : memref<10112xf32, #tpu.memory_space<vmem>>[vector<16xi32>], vector<16xf32>,
      %get3A_342 = arith.constant 112 : index
      %get3A_343 = tpu.vector_load %arg15[%get3A_342] {strides = array<i32>} : memref<128xi32, #tpu.memory_space<vmem>>, vector<16xi32>,
      tpu.vector_store_idx %arg19[%get3A_343], %broadcast_in_dim3A_1 {add = true} : memref<10112xf32, #tpu.memory_space<vmem>>[vector<16xi32>], vector<16xf32>,
      %dma_wait3A_344 = arith.constant 0 : i32
      %dma_wait3A_345 = arith.constant 0 : i32
      %dma_wait3A_346 = tpu.memref_slice %arg20[%dma_wait3A_344, %dma_wait3A_345] : memref<10112x128xf32, #tpu.memory_space<vmem_shared>> -> memref<10112x128xf32, #tpu.memory_space<vmem_shared>>
      tpu.wait_indirect_dma semaphore(%arg31 : memref<!tpu.dma_semaphore, #tpu.memory_space<semaphore_mem>>) src(%arg17 : memref<128x128xf32, #tpu.memory_space<vmem>>) dst(%dma_wait3A_346 : memref<10112x128xf32, #tpu.memory_space<vmem_shared>>)
      %dma_wait3A_347 = arith.constant 0 : i32
      %dma_wait3A_348 = tpu.memref_slice %arg3[%dma_wait3A_347] : memref<327680xi32, #tpu.memory_space<hbm>> -> memref<128xi32, #tpu.memory_space<hbm>>
      %dma_wait3A_349 = arith.constant 0 : i32
      %dma_wait3A_350 = tpu.memref_slice %arg3[%dma_wait3A_349] : memref<327680xi32, #tpu.memory_space<hbm>> -> memref<128xi32, #tpu.memory_space<hbm>>
      tpu.wait_dma2 semaphore(%arg28 : memref<!tpu.dma_semaphore, #tpu.memory_space<semaphore_mem>>) src(%dma_wait3A_350 : memref<128xi32, #tpu.memory_space<hbm>>) dst(%arg16 : memref<128xi32, #tpu.memory_space<vmem>>)
      %dma_wait3A_351 = arith.constant 0 : i32
      %dma_wait3A_352 = arith.constant 0 : i32
      %dma_wait3A_353 = tpu.memref_slice %arg4[%dma_wait3A_351, %dma_wait3A_352] : memref<10112x128xf32, #tpu.memory_space<hbm>> -> memref<10112x128xf32, #tpu.memory_space<hbm>>
      tpu.wait_indirect_dma semaphore(%arg30 : memref<!tpu.dma_semaphore, #tpu.memory_space<semaphore_mem>>) src(%dma_wait3A_353 : memref<10112x128xf32, #tpu.memory_space<hbm>>) dst(%arg18 : memref<128x128xf32, #tpu.memory_space<vmem>>)
      %dma_start3A_354 = arith.constant 0 : i32
      %dma_start3A_355 = arith.constant 0 : i32
      %dma_start3A_356 = tpu.memref_slice %arg20[%dma_start3A_354, %dma_start3A_355] : memref<10112x128xf32, #tpu.memory_space<vmem_shared>> -> memref<10112x128xf32, #tpu.memory_space<vmem_shared>>
      tpu.enqueue_indirect_dma source(%arg18 : memref<128x128xf32, #tpu.memory_space<vmem>>) target(%dma_start3A_356 : memref<10112x128xf32, #tpu.memory_space<vmem_shared>>) offsets(%arg16 : memref<128xi32, #tpu.memory_space<vmem>>) semaphore(%arg32 : memref<!tpu.dma_semaphore, #tpu.memory_space<semaphore_mem>>) {add = true}
      %get3A_357 = arith.constant 0 : index
      %get3A_358 = tpu.vector_load %arg16[%get3A_357] {strides = array<i32>} : memref<128xi32, #tpu.memory_space<vmem>>, vector<16xi32>,
      tpu.vector_store_idx %arg19[%get3A_358], %broadcast_in_dim3A_1 {add = true} : memref<10112xf32, #tpu.memory_space<vmem>>[vector<16xi32>], vector<16xf32>,
      %get3A_359 = arith.constant 16 : index
      %get3A_360 = tpu.vector_load %arg16[%get3A_359] {strides = array<i32>} : memref<128xi32, #tpu.memory_space<vmem>>, vector<16xi32>,
      tpu.vector_store_idx %arg19[%get3A_360], %broadcast_in_dim3A_1 {add = true} : memref<10112xf32, #tpu.memory_space<vmem>>[vector<16xi32>], vector<16xf32>,
      %get3A_361 = arith.constant 32 : index
      %get3A_362 = tpu.vector_load %arg16[%get3A_361] {strides = array<i32>} : memref<128xi32, #tpu.memory_space<vmem>>, vector<16xi32>,
      tpu.vector_store_idx %arg19[%get3A_362], %broadcast_in_dim3A_1 {add = true} : memref<10112xf32, #tpu.memory_space<vmem>>[vector<16xi32>], vector<16xf32>,
      %get3A_363 = arith.constant 48 : index
      %get3A_364 = tpu.vector_load %arg16[%get3A_363] {strides = array<i32>} : memref<128xi32, #tpu.memory_space<vmem>>, vector<16xi32>,
      tpu.vector_store_idx %arg19[%get3A_364], %broadcast_in_dim3A_1 {add = true} : memref<10112xf32, #tpu.memory_space<vmem>>[vector<16xi32>], vector<16xf32>,
      %get3A_365 = arith.constant 64 : index
      %get3A_366 = tpu.vector_load %arg16[%get3A_365] {strides = array<i32>} : memref<128xi32, #tpu.memory_space<vmem>>, vector<16xi32>,
      tpu.vector_store_idx %arg19[%get3A_366], %broadcast_in_dim3A_1 {add = true} : memref<10112xf32, #tpu.memory_space<vmem>>[vector<16xi32>], vector<16xf32>,
      %get3A_367 = arith.constant 80 : index
      %get3A_368 = tpu.vector_load %arg16[%get3A_367] {strides = array<i32>} : memref<128xi32, #tpu.memory_space<vmem>>, vector<16xi32>,
      tpu.vector_store_idx %arg19[%get3A_368], %broadcast_in_dim3A_1 {add = true} : memref<10112xf32, #tpu.memory_space<vmem>>[vector<16xi32>], vector<16xf32>,
      %get3A_369 = arith.constant 96 : index
      %get3A_370 = tpu.vector_load %arg16[%get3A_369] {strides = array<i32>} : memref<128xi32, #tpu.memory_space<vmem>>, vector<16xi32>,
      tpu.vector_store_idx %arg19[%get3A_370], %broadcast_in_dim3A_1 {add = true} : memref<10112xf32, #tpu.memory_space<vmem>>[vector<16xi32>], vector<16xf32>,
      %get3A_371 = arith.constant 112 : index
      %get3A_372 = tpu.vector_load %arg16[%get3A_371] {strides = array<i32>} : memref<128xi32, #tpu.memory_space<vmem>>, vector<16xi32>,
      tpu.vector_store_idx %arg19[%get3A_372], %broadcast_in_dim3A_1 {add = true} : memref<10112xf32, #tpu.memory_space<vmem>>[vector<16xi32>], vector<16xf32>,
      %dma_wait3A_373 = arith.constant 0 : i32
      %dma_wait3A_374 = arith.constant 0 : i32
      %dma_wait3A_375 = tpu.memref_slice %arg20[%dma_wait3A_373, %dma_wait3A_374] : memref<10112x128xf32, #tpu.memory_space<vmem_shared>> -> memref<10112x128xf32, #tpu.memory_space<vmem_shared>>
      tpu.wait_indirect_dma semaphore(%arg32 : memref<!tpu.dma_semaphore, #tpu.memory_space<semaphore_mem>>) src(%arg18 : memref<128x128xf32, #tpu.memory_space<vmem>>) dst(%dma_wait3A_375 : memref<10112x128xf32, #tpu.memory_space<vmem_shared>>)
    } else {
    }
    "tpu.region"() ({
      %run_scoped3A = tpu.sem_alloc : memref<!tpu.dma_semaphore, #tpu.memory_space<semaphore_mem>>
      %dma_start3A = arith.constant 0 : i32
      %dma_start3A_17 = tpu.memref_slice %arg8[%add3A, %dma_start3A] : memref<32x10112xf32, #tpu.memory_space<hbm>> -> memref<1x10112xf32, #tpu.memory_space<hbm>>
      %dma_start3A_18 = tpu.memref_squeeze %dma_start3A_17 : memref<1x10112xf32, #tpu.memory_space<hbm>> -> memref<10112xf32, #tpu.memory_space<hbm>>
      %dma_start3A_19 = arith.constant 0 : i32
      %dma_start3A_20 = tpu.memref_slice %arg8[%add3A, %dma_start3A_19] : memref<32x10112xf32, #tpu.memory_space<hbm>> -> memref<1x10112xf32, #tpu.memory_space<hbm>>
      %dma_start3A_21 = tpu.memref_squeeze %dma_start3A_20 : memref<1x10112xf32, #tpu.memory_space<hbm>> -> memref<10112xf32, #tpu.memory_space<hbm>>
      tpu.enqueue_dma source(%arg19 : memref<10112xf32, #tpu.memory_space<vmem>>) target(%dma_start3A_21 : memref<10112xf32, #tpu.memory_space<hbm>>) target_semaphore(%run_scoped3A : memref<!tpu.dma_semaphore, #tpu.memory_space<semaphore_mem>>)
      %dma_wait3A = arith.constant 0 : i32
      %dma_wait3A_22 = tpu.memref_slice %arg8[%add3A, %dma_wait3A] : memref<32x10112xf32, #tpu.memory_space<hbm>> -> memref<1x10112xf32, #tpu.memory_space<hbm>>
      %dma_wait3A_23 = tpu.memref_squeeze %dma_wait3A_22 : memref<1x10112xf32, #tpu.memory_space<hbm>> -> memref<10112xf32, #tpu.memory_space<hbm>>
      %dma_wait3A_24 = arith.constant 0 : i32
      %dma_wait3A_25 = tpu.memref_slice %arg8[%add3A, %dma_wait3A_24] : memref<32x10112xf32, #tpu.memory_space<hbm>> -> memref<1x10112xf32, #tpu.memory_space<hbm>>
      %dma_wait3A_26 = tpu.memref_squeeze %dma_wait3A_25 : memref<1x10112xf32, #tpu.memory_space<hbm>> -> memref<10112xf32, #tpu.memory_space<hbm>>
      tpu.wait_dma2 semaphore(%run_scoped3A : memref<!tpu.dma_semaphore, #tpu.memory_space<semaphore_mem>>) src(%arg19 : memref<10112xf32, #tpu.memory_space<vmem>>) dst(%dma_wait3A_26 : memref<10112xf32, #tpu.memory_space<hbm>>)
      tpu.yield
    }) : () -> ()
    %barrier3A_11 = arith.constant 0 : index
    tpu.barrier barrier_id(%barrier3A_11)
    %mul3A_12 = arith.constant 632 : i32
    %mul3A_13 = arith.muli %arg1, %mul3A_12 : i32
    %mul3A_14 = arith.constant 10112 : i32
    %mul3A_15 = arith.muli %arg0, %mul3A_14 : i32
    %add3A_16 = arith.addi %mul3A_15, %mul3A_13 : i32
    "tpu.region"() ({
      %run_scoped3A = tpu.sem_alloc : memref<!tpu.dma_semaphore, #tpu.memory_space<semaphore_mem>>
      %dma_start3A = arith.constant 0 : i32
      %dma_start3A_17 = tpu.memref_slice %arg7[%add3A_16, %dma_start3A] : memref<20224x128xf32, #tpu.memory_space<hbm>> -> memref<632x128xf32, #tpu.memory_space<hbm>>
      %dma_start3A_18 = arith.constant 0 : i32
      %dma_start3A_19 = tpu.memref_slice %arg20[%mul3A_13, %dma_start3A_18] : memref<10112x128xf32, #tpu.memory_space<vmem_shared>> -> memref<632x128xf32, #tpu.memory_space<vmem_shared>>
      tpu.enqueue_dma source(%dma_start3A_19 : memref<632x128xf32, #tpu.memory_space<vmem_shared>>) target(%dma_start3A_17 : memref<632x128xf32, #tpu.memory_space<hbm>>) target_semaphore(%run_scoped3A : memref<!tpu.dma_semaphore, #tpu.memory_space<semaphore_mem>>)
      %dma_wait3A = arith.constant 0 : i32
      %dma_wait3A_20 = tpu.memref_slice %arg7[%add3A_16, %dma_wait3A] : memref<20224x128xf32, #tpu.memory_space<hbm>> -> memref<632x128xf32, #tpu.memory_space<hbm>>
      %dma_wait3A_21 = arith.constant 0 : i32
      %dma_wait3A_22 = tpu.memref_slice %arg20[%mul3A_13, %dma_wait3A_21] : memref<10112x128xf32, #tpu.memory_space<vmem_shared>> -> memref<632x128xf32, #tpu.memory_space<vmem_shared>>
      tpu.wait_dma2 semaphore(%run_scoped3A : memref<!tpu.dma_semaphore, #tpu.memory_space<semaphore_mem>>) src(%dma_wait3A_22 : memref<632x128xf32, #tpu.memory_space<vmem_shared>>) dst(%dma_wait3A_20 : memref<632x128xf32, #tpu.memory_space<hbm>>)
      tpu.yield
    }) : () -> ()
    return
  }
}

module attributes {stable_mosaic.version = 14 : i64} {
  func.func @_tc_body(%arg0: memref<10112x128xf32, #tpu.memory_space<vmem>>, %arg1: memref<20224x128xf32, #tpu.memory_space<vmem>>, %arg2: memref<10112x32xf32, #tpu.memory_space<vmem>>, %arg3: memref<128x128xf32, #tpu.memory_space<vmem>>, %arg4: memref<128x128xf32, #tpu.memory_space<vmem>>, %arg5: memref<1x128xf32, #tpu.memory_space<vmem>>, %arg6: memref<10112x128xf32, #tpu.memory_space<vmem>>) attributes {dimension_semantics = [], scalar_prefetch = 0 : i64, scratch_operands = 0 : i64, tpu.core_type = #tpu.core_type<tc>} {
    %get3A = arith.constant 0 : index
    %get3A_0 = arith.constant 0 : index
    %get3A_1 = vector.load %arg1[%get3A, %get3A_0] : memref<20224x128xf32, #tpu.memory_space<vmem>>, vector<10112x128xf32>
    %get3A_2 = arith.constant 10112 : index
    %get3A_3 = arith.constant 0 : index
    %get3A_4 = vector.load %arg1[%get3A_2, %get3A_3] : memref<20224x128xf32, #tpu.memory_space<vmem>>, vector<10112x128xf32>
    %add3A = arith.addf %get3A_1, %get3A_4 : vector<10112x128xf32>
    %get3A_5 = arith.constant 0 : index
    %get3A_6 = arith.constant 0 : index
    %get3A_7 = vector.load %arg2[%get3A_5, %get3A_6] : memref<10112x32xf32, #tpu.memory_space<vmem>>, vector<10112x32xf32>
    %reduce_sum3A = arith.constant dense<0.000000e+00> : vector<10112xf32>
    %reduce_sum3A_8 = vector.multi_reduction <add>, %get3A_7, %reduce_sum3A [1] : vector<10112x32xf32> to vector<10112xf32>
    %broadcast_in_dim3A = vector.shape_cast %reduce_sum3A_8 : vector<10112xf32> to vector<10112x1xf32>
    %max3A = arith.constant 1.000000e+00 : f32
    %max3A_9 = vector.broadcast %max3A : f32 to vector<10112x1xf32>
    %max3A_10 = arith.maximumf %broadcast_in_dim3A, %max3A_9 : vector<10112x1xf32>
    %div3A = arith.constant 1.000000e+00 : f32
    %div3A_11 = vector.broadcast %div3A : f32 to vector<10112x1xf32>
    %div3A_12 = arith.divf %div3A_11, %max3A_10 : vector<10112x1xf32>
    %mul3A = vector.broadcast %div3A_12 : vector<10112x1xf32> to vector<10112x128xf32>
    %mul3A_13 = arith.mulf %add3A, %mul3A : vector<10112x128xf32>
    %get3A_14 = arith.constant 0 : index
    %get3A_15 = arith.constant 0 : index
    %get3A_16 = vector.load %arg0[%get3A_14, %get3A_15] : memref<10112x128xf32, #tpu.memory_space<vmem>>, vector<10112x128xf32>
    %get3A_17 = arith.constant 0 : index
    %get3A_18 = arith.constant 0 : index
    %get3A_19 = vector.load %arg3[%get3A_17, %get3A_18] : memref<128x128xf32, #tpu.memory_space<vmem>>, vector<128x128xf32>
    %dot_general3A = arith.constant dense<0.000000e+00> : vector<10112x128xf32>
    %dot_general3A_20 = tpu.matmul %get3A_16, %get3A_19, %dot_general3A {dimension_numbers = #tpu.dot_dimension_numbers<[1], [0], [0], [1], [0, 0, 1, 1], [], []>, transpose_lhs_hint = false} : vector<10112x128xf32>, vector<128x128xf32>, vector<10112x128xf32> -> vector<10112x128xf32>
    %get3A_21 = arith.constant 0 : index
    %get3A_22 = arith.constant 0 : index
    %get3A_23 = vector.load %arg4[%get3A_21, %get3A_22] : memref<128x128xf32, #tpu.memory_space<vmem>>, vector<128x128xf32>
    %dot_general3A_24 = arith.constant dense<0.000000e+00> : vector<10112x128xf32>
    %dot_general3A_25 = tpu.matmul %mul3A_13, %get3A_23, %dot_general3A_24 {dimension_numbers = #tpu.dot_dimension_numbers<[1], [0], [0], [1], [0, 0, 1, 1], [], []>, transpose_lhs_hint = false} : vector<10112x128xf32>, vector<128x128xf32>, vector<10112x128xf32> -> vector<10112x128xf32>
    %add3A_26 = arith.addf %dot_general3A_20, %dot_general3A_25 : vector<10112x128xf32>
    %get3A_27 = arith.constant 0 : index
    %get3A_28 = arith.constant 0 : index
    %get3A_29 = vector.load %arg5[%get3A_27, %get3A_28] : memref<1x128xf32, #tpu.memory_space<vmem>>, vector<1x128xf32>
    %add3A_30 = vector.broadcast %get3A_29 : vector<1x128xf32> to vector<10112x128xf32>
    %add3A_31 = arith.addf %add3A_26, %add3A_30 : vector<10112x128xf32>
    %swap3A = arith.constant 0 : index
    %swap3A_32 = arith.constant 0 : index
    %swap3A_33 = vector.load %arg6[%swap3A, %swap3A_32] : memref<10112x128xf32, #tpu.memory_space<vmem>>, vector<10112x128xf32>
    tpu.vector_store %arg6[%swap3A, %swap3A_32], %add3A_31 {strides = array<i32>} : memref<10112x128xf32, #tpu.memory_space<vmem>>, vector<10112x128xf32>,
    return
  }
}

</mosaic_0001>

<sc_bundles>
// kernel: kernel.4.cloned.1.call-start
scs
__scs_entry_jumppad:
0x0: {  	(pc) =	sbr.rel $0x88, $3  }
0x1: {  	(tag) =	ssettag $0x0;
	lr =	simm.s32 $0x1  }
0x2: {  	[smem:$0x3F9C] =	sst lr;
	_ =	strace $0xD0000000  }
0x3: {  	_ = 	snop  }
0x4: {  	_ = 	snop  }
0x5: {  	_ = 	snop  }
0x6: {  	_ = 	snop  }
0x7: {  	_ = 	snop  }
__scs_overlays_trampoline_lowered:
0x8: {  	[smem:$0x3FAB] =	sst s0  }
0x9: {  	[smem:$0x3FAC] =	sst s1  }
0xa: {  	[smem:$0x3FAD] =	sst s2  }
0xb: {  	[smem:$0x3FAE] =	sst s3  }
0xc: {  	[smem:$0x3FAF] =	sst s4  }
0xd: {  	[smem:$0x3FB0] =	sst s5  }
0xe: {  	[smem:$0x3FB1] =	sst s6  }
0xf: {  	[smem:$0x3FB2] =	sst s7  }
0x10: {  	[smem:$0x3FB3] =	sst s8  }
0x11: {  	[smem:$0x3FB4] =	sst s9;
	s0 =	simm.s32 @!p0 $0x0  }
0x12: {  	s1 =	sld [smem:$0x3F9A];
	s0 =	simm.s32 @p0 $0x1  }
0x13: {  	[smem:$0x3FB5] =	sst s0;
	s0 =	simm.s32 @!p1 $0x0  }
0x14: {  	s2 =	sld [smem:$0x3F99];
	s0 =	simm.s32 @p1 $0x1  }
0x15: {  	[smem:$0x3FB6] =	sst s0;
	s0 =	simm.s32 @!p2 $0x0  }
0x16: {  	s3 =	sld [smem:$0x3FDB];
	s0 =	simm.s32 @p2 $0x1  }
0x17: {  	s4 =	simm.s32 $0x1BF5;
	[smem:$0x3FB8] =	sst s0  }
0x18: {  	s0 =	sld [smem:$0x3F9B];
	_ =	swait.ge [sflag:s4], $0x0  }
0x19: {  	s7 =	sld [smem:$0x3F9C]  }
0x1a: {  	s8 =	sadd.s32 $0xFFFFE003, lr  }
0x1b: {  	s9 =	sadd.s32 $0xFFFFFEF7, lr;
	s5 =	simm.s32 $0xFFFFFFFF;
	p2 =	slt.u32 s8, $0xFFFFF086  }
0x1c: {  	p1 =	slt.u32 s9, $0xF7A;
	s5 =	simm.s32 @!p2 $0x0  }
0x1d: {  	s5 =	simm.s32 @p1 $0x1;
	p0 =	seq.s32 s7, s2  }
0x1e: {  	s7 =	smul.u32 @!p0 $0xF7A, s2;
	p2 =	seq.s32 @!p0 s5, $0x0  }
0x1f: {  	s9 =	smul.u32 $0xF7A, s1;
	s8 =	simm.s32 @!p0 $0x1BF5;
	p2 =	por !p2, p0  }
0x20: {  	[sflag:s8] =	ssyncset.s32 @!p0 $0xFFFFF086;
	s6 =	sadd.s32 @!p0 s3, s7;
	s7 =	simm.s32 @!p0 $0x108  }
0x21: {  	s3 =	sadd.s32 s3, s9;
	s6 =	sadd.s32 @!p0 $0x88, s6;
	s7 =	simm.s32 @p2 $0x1082  }
0x22: {  	[simem:s7], [sflag:s8] =	dma.local @!p0 [hbm:s6], $0xF7A  }
0x23: {  	s9 =	sor.u32 $0xD0000000, s2;
	s6 =	simm.s32 $0x108;
	_ =	swait.ge @!p0 [sflag:s8], $0x0  }
0x24: {  	s3 =	sadd.s32 $0x88, s3;
	s6 =	simm.s32 @!p1 $0x1082;
	[sflag:s4] =	ssyncset.s32 $0xFFFFF086  }
0x25: {  	[simem:s6], [sflag:s4] =	dma.local [hbm:s3], $0xF7A  }
0x26: {  	[smem:$0x3F9C] =	sst s1;
	(tag) =	ssettag s2;
	_ =	strace s9  }
0x27: {  	s1 =	sld [smem:$0x3FAC]  }
0x28: {  	s2 =	sld [smem:$0x3FAD]  }
0x29: {  	s4 =	sld [smem:$0x3FAF]  }
0x2a: {  	p0 =	seq.s32 s5, $0x0;
	s5 =	sld [smem:$0x3FB0]  }
0x2b: {  	s6 =	sld [smem:$0x3FB1]  }
0x2c: {  	s7 =	sld [smem:$0x3FB2]  }
0x2d: {  	s3 =	simm.s32 $0x108;
	s8 =	sld [smem:$0x3FB3]  }
0x2e: {  	s3 =	simm.s32 @!p0 $0x1082;
	s9 =	sld [smem:$0x3FB4]  }
0x2f: {  	lr =	sadd.s32 s0, s3;
	s0 =	sld [smem:$0x3FAB]  }
0x30: {  	s3 =	sld [smem:$0x3FAE]  }
0x31: {  	[smem:$0x3FB7] =	sst s10  }
0x32: {  	s10 =	sld [smem:$0x3FB5];
	_ =	sdelay $0x3  }
0x33: {  	p0 =	seq.s32 s10, $0x1;
	s10 =	sld [smem:$0x3FB7];
	_ =	sdelay $0x3  }
0x34: {  	[smem:$0x3FB7] =	sst s10  }
0x35: {  	s10 =	sld [smem:$0x3FB6];
	_ =	sdelay $0x3  }
0x36: {  	p1 =	seq.s32 s10, $0x1;
	s10 =	sld [smem:$0x3FB7];
	_ =	sdelay $0x3  }
0x37: {  	[smem:$0x3FB7] =	sst s10  }
0x38: {  	s10 =	sld [smem:$0x3FB8]  }
0x39: {  	_ = 	snop;
	(pc) =	sbr.ind lr, $3  }
0x3a: {  	_ = 	snop  }
0x3b: {  	_ = 	snop  }
0x3c: {  	p2 =	seq.s32 s10, $0x1;
	s10 =	sld [smem:$0x3FB7]  }
0x3d: {  	_ =	shalt  }
0x3e: {  	_ =	shalt  }
0x3f: {  	_ =	shalt  }
0x40: {  	_ =	shalt  }
0x41: {  	_ =	shalt  }
0x42: {  	_ =	shalt  }
0x43: {  	_ =	shalt  }
0x44: {  	_ =	shalt  }
0x45: {  	_ =	shalt  }
0x46: {  	_ =	shalt  }
0x47: {  	_ =	shalt  }
0x48: {  	_ =	shalt  }
0x49: {  	_ =	shalt  }
0x4a: {  	_ =	shalt  }
0x4b: {  	_ =	shalt  }
0x4c: {  	_ =	shalt  }
0x4d: {  	_ =	shalt  }
0x4e: {  	_ =	shalt  }
0x4f: {  	_ =	shalt  }
0x50: {  	_ =	shalt  }
0x51: {  	_ =	shalt  }
0x52: {  	_ =	shalt  }
0x53: {  	_ =	shalt  }
0x54: {  	_ =	shalt  }
0x55: {  	_ =	shalt  }
0x56: {  	_ =	shalt  }
0x57: {  	_ =	shalt  }
0x58: {  	_ =	shalt  }
0x59: {  	_ =	shalt  }
0x5a: {  	_ =	shalt  }
0x5b: {  	_ =	shalt  }
0x5c: {  	_ =	shalt  }
0x5d: {  	_ =	shalt  }
0x5e: {  	_ =	shalt  }
0x5f: {  	_ =	shalt  }
0x60: {  	_ =	shalt  }
0x61: {  	_ =	shalt  }
0x62: {  	_ =	shalt  }
0x63: {  	_ =	shalt  }
0x64: {  	_ =	shalt  }
0x65: {  	_ =	shalt  }
0x66: {  	_ =	shalt  }
0x67: {  	_ =	shalt  }
0x68: {  	_ =	shalt  }
0x69: {  	_ =	shalt  }
0x6a: {  	_ =	shalt  }
0x6b: {  	_ =	shalt  }
0x6c: {  	_ =	shalt  }
0x6d: {  	_ =	shalt  }
0x6e: {  	_ =	shalt  }
0x6f: {  	_ =	shalt  }
0x70: {  	_ =	shalt  }
0x71: {  	_ =	shalt  }
0x72: {  	_ =	shalt  }
0x73: {  	_ =	shalt  }
0x74: {  	_ =	shalt  }
0x75: {  	_ =	shalt  }
0x76: {  	_ =	shalt  }
0x77: {  	_ =	shalt  }
0x78: {  	_ =	shalt  }
0x79: {  	_ =	shalt  }
0x7a: {  	_ =	shalt  }
0x7b: {  	_ =	shalt  }
0x7c: {  	_ =	shalt  }
0x7d: {  	_ =	shalt  }
0x7e: {  	_ =	shalt  }
0x7f: {  	_ =	shalt  }
0x80: {  	_ =	shalt  }
0x81: {  	_ =	shalt  }
0x82: {  	_ =	shalt  }
0x83: {  	_ =	shalt  }
0x84: {  	_ =	shalt  }
0x85: {  	_ =	shalt  }
0x86: {  	_ =	shalt  }
0x87: {  	_ =	shalt  }
.Lfunc_end0:
.L_simem_size_0:
called_computation_lowered:
.L_overlay_start_0:
0x88: {  	s2 =	sld [smem:$0x3FD9]  }
0x89: {  	s3 =	sld [smem:$0x3FFE];
	_ =	sdelay $0x1  }
0x8a: {  	s1 =	srdreg.scid  }
0x8b: {  	s0 =	sand.u32 $0x1, s1  }
0x8c: {  	s17 =	sshll.u32 s0, $0xA;
	s2 =	sadd.s32 s3, s2  }
0x8d: {  	s2 =	sadd.s32 s2, s17  }
0x8e: {  	[smem:$0x3FC3] =	sst s2  }
0x8f: {  	_ = 	snop  }
0x90: {  	s2 =	sld [smem:$0x3FD0];
	(tm) =	ssettm $0x1  }
0x91: {  	s18 =	sld [smem:$0x3FFB];
	_ =	sdelay $0x3  }
0x92: {  	_ =	strace s18  }
0x93: {  	s3 =	sld [smem:$0x3FFC];
	_ =	sdelay $0x3  }
0x94: {  	_ =	strace s3  }
0x95: {  	s3 =	sld [smem:$0x3FFD];
	_ =	sdelay $0x3  }
0x96: {  	_ =	strace s3  }
0x97: {  	_ =	strace $0x8FFFFFFF  }
0x98: {  	s19 =	sld [smem:$0x3FDB];
	_ =	sdelay $0x1  }
0x99: {  	s4 =	simm.s32 $_scs_section_size  }
0x9a: {  	s5 =	simm.s32 $_size__tile_overlayer_lowered;
	s6 =	simm.s32 $_tile_overlayer_lowered  }
0x9b: {  	s22 =	simm.s32 $0x1BFF;
	s21 =	sshll.u32 s6, $0x1;
	s3 =	sadd.s32 s4, s19  }
0x9c: {  	s7 =	simm.s32 $0x0;
	s20 =	sshll.u32 s5, $0x1;
	s5 =	sadd.s32 s21, s3  }
0x9d: {  	[timem:s7], [sflag:s22] =	dma.local [hbm:s5], s20  }
0x9e: {  	_ =	swait.ge [sflag:s22], s20  }
0x9f: {  	s4 =	ssub.s32 $0x0, s20;
	[sflag:s22] =	ssyncset.done $0x0  }
0xa0: {  	[sflag:s22] =	ssyncadd.s32 s4;
	_ =	sdelay $0x1  }
0xa1: {  	s23 =	simm.s32 $0x1B8B  }
0xa2: {  	_ =	swait.ge [sflag:s23], $0x1  }
0xa3: {  	[sflag:s23] =	ssyncset.done $0x0  }
0xa4: {  	s25 =	simm.s32 $0x1B8E;
	s24 =	sld [smem:$0x3FFE];
	[sflag:s23] =	ssyncadd.s32 $0xFFFFFFFF  }
0xa5: {  	s26 =	simm.s32 $execute0_lowered;
	[smem:$0x3FD2] =	sst s25  }
0xa6: {  	s5 =	sshll.u32 s26, $0x1;
	_ =	strace $0x80000046;
	[dreg:$0x1] =	wrdreg $0xFFFFFFFF  }
0xa7: {  	s28 =	simm.s32 $_size_execute0_lowered;
	s3 =	sadd.s32 s3, s5;
	[dreg:$0x0] =	wrdreg $0x0  }
0xa8: {  	s5 =	sshll.u32 s28, $0x1;
	[dreg:$0x2] =	wrdreg s3  }
0xa9: {  	[dreg:$0x3] =	wrdreg s5  }
0xaa: {  	[dreg:$0x4] =	wrdreg $0xC0  }
0xab: {  	_ =	task [dreg:s7], $0x5FFFF  }
0xac: {  	[dreg:$0x1] =	wrdreg $0xFFFFFFFF  }
0xad: {  	[dreg:$0x0] =	wrdreg $0x60  }
0xae: {  	[dreg:$0x2] =	wrdreg s2  }
0xaf: {  	[dreg:$0x3] =	wrdreg s24  }
0xb0: {  	[dreg:$0x4] =	wrdreg $0xAB800  }
0xb1: {  	[dreg:$0x5] =	wrdreg $0x9  }
0xb2: {  	_ =	task.clear_ibuf [dreg:s7], $0x6FFFF;
	_ =	strace $0x90000046  }
0xb3: {  	s29 =	simm.s32 $0x9;
	_ =	strace $0x80000048  }
0xb4: {  	_ =	swait.ge [sflag:s29], $0x1  }
0xb5: {  	[sflag:s29] =	ssyncadd.s32 $0xFFFFFFFF  }
0xb6: {  	_ =	strace $0x90000048  }
0xb7: {  	_ =	sfence  }
0xb8: {  	s30 =	sld [smem:$0x0];
	_ =	sdelay $0x2  }
0xb9: {  	s31 =	sshll.u32 s1, $0xD;
	s1 =	sshrl.u32 s1, $0x2  }
0xba: {  	s3 =	sand.u32 $0x4000, s31;
	s1 =	sadd.s32 s1, s30  }
0xbb: {  	s0 =	sor.u32 s3, s0;
	s1 =	sshll.u32 s1, $0x11  }
0xbc: {  	s0 =	sor.u32 s1, s0  }
0xbd: {  	s0 =	sadd.s32 $0x8F2B, s0  }
0xbe: {  	[sflag:s0] =	ssyncadd.remote.s32 $0x1  }
0xbf: {  	_ =	sfence.sel $0xFFFF  }
0xc0: {  	[dreg:$0x0] =	wrdreg $0xFFFFFFFF;
	(pc) =	sbr.abs _section_cstart, $3  }
0xc1: {  	[dreg:$0x1] =	wrdreg $0xFFFFFFFF  }
0xc2: {  	_ =	task.clear_ibuf [dreg:s7], $0x2FFFF;
	_ =	strace $0x9FFFFFFF  }
0xc3: {  	(tm) =	ssettm $0x7FFFFFFF  }
tec
execute0_lowered:
.L_overlay_start_1:
0x0: {  	(tag) =	ssettag $0x1  }
0x1: {  	s1 =	rddreg [dreg:$0x0]  }
0x2: {  	s0 =	rddreg [dreg:$0x1]  }
0x3: {  	s2 =	rddreg [dreg:$0x2]  }
0x4: {  	s4 =	srdreg.scid;
	s15 =	stileid.u32  }
0x5: {  	s3 =	simm.s32 $0x0;
	s28 =	simm.s32 $0x400;
	s29 =	simm.s32 $0x2  }
0x6: {  	s30 =	simm.s32 $0x4400;
	s31 =	simm.s32 $0x5;
	s5 =	smul.u32 $0x2780, s15  }
0x7: {  	s4 =	sand.u32 $0x1, s4;
	[smem:$0x7FF] =	sst s3;
	s11 =	smul.u32 $0x780, s15  }
0x8: {  	s8 =	sadd.s32 $0x1000, s0;
	s7 =	sshrl.u32 s15, $0x2;
	s13 =	smul.u32 $0x280, s15  }
0x9: {  	s18 =	sshll.u32 s15, $0x8;
	s6 =	smul.u32 $0x27800, s4;
	_ =	strace $0x80000047  }
0xa: {  	s17 =	smul.u32 $0x13C00, s7;
	s9 =	sshll.u32 s4, $0x7;
	s7 =	sand.u32 $0x300, s18  }
0xb: {  	s10 =	ssub.s32 $0x2, s4;
	p0 =	seq.s32 s4, $0x1;
	s7 =	sor.u32 s9, s7  }
0xc: {  	s19 =	sshrl.u32 s10, $0x1;
	s20 =	sor.u32 $0x10, s11;
	s18 =	sadd.s32 s13, s8  }
0xd: {  	s22 =	sor.u32 $0x20, s11;
	s21 =	sadd.s32 s1, s20;
	[dreg:$0x4] =	wrdreg s18  }
0xe: {  	s24 =	sor.u32 $0x30, s11;
	s9 =	sadd.s32 s8, s20;
	[dreg:$0x6] =	wrdreg s21  }
0xf: {  	s26 =	sor.u32 $0x40, s11;
	s23 =	sadd.s32 s1, s22;
	[dreg:$0x7] =	wrdreg s9  }
0x10: {  	s16 =	sor.u32 $0x50, s11;
	s25 =	sadd.s32 s1, s24;
	[dreg:$0x8] =	wrdreg s23  }
0x11: {  	s12 =	sor.u32 s17, s7;
	s14 =	sadd.s32 s1, s26;
	[dreg:$0xa] =	wrdreg s25  }
0x12: {  	s7 =	ssub.s32 s10, s19;
	s10 =	sadd.s32 s8, s26;
	[dreg:$0xc] =	wrdreg s14  }
0x13: {  	s4 =	sadd.s32 s1, s11;
	s17 =	sadd.s32 s1, s16;
	[dreg:$0xd] =	wrdreg s10  }
0x14: {  	s20 =	sor.u32 $0x70, s11;
	s9 =	sadd.s32 s8, s22;
	[dreg:$0xe] =	wrdreg s17  }
0x15: {  	s6 =	sadd.s32 s5, s6;
	s23 =	sadd.s32 s1, s20;
	[dreg:$0x9] =	wrdreg s9  }
0x16: {  	s14 =	sor.u32 $0x60, s11;
	s9 =	sadd.s32 s8, s24;
	[dreg:$0x12] =	wrdreg s23  }
0x17: {  	s5 =	sadd.s32 s8, s11;
	s21 =	sadd.s32 s1, s14;
	[dreg:$0xb] =	wrdreg s9  }
0x18: {  	s19 =	smul.u32 $0x1400, s15;
	s22 =	sadd.s32 s8, s14;
	[dreg:$0x10] =	wrdreg s21  }
0x19: {  	s24 =	sadd.s32 $0x7800, s13;
	s9 =	sadd.s32 s8, s16;
	[dreg:$0x11] =	wrdreg s22  }
0x1a: {  	s10 =	sshrl.u32 s19, $0x3;
	s26 =	sadd.s32 s1, s24;
	[dreg:$0xf] =	wrdreg s9  }
0x1b: {  	s25 =	sadd.s32 $0x7810, s10;
	s9 =	sadd.s32 s8, s20;
	[dreg:$0x14] =	wrdreg s26  }
0x1c: {  	s11 =	simm.s32 $0x4;
	s16 =	sadd.s32 s1, s25;
	[dreg:$0x13] =	wrdreg s9  }
0x1d: {  	s18 =	sadd.s32 $0x7820, s10;
	s17 =	sadd.s32 s8, s25;
	[dreg:$0x16] =	wrdreg s16  }
0x1e: {  	s19 =	sadd.s32 $0x7830, s10;
	s20 =	sadd.s32 s1, s18;
	[dreg:$0x17] =	wrdreg s17  }
0x1f: {  	s23 =	sadd.s32 $0x7840, s10;
	s21 =	sadd.s32 s1, s19;
	[dreg:$0x18] =	wrdreg s20  }
0x20: {  	s22 =	sadd.s32 s8, s19;
	s25 =	sadd.s32 s1, s23;
	[dreg:$0x1a] =	wrdreg s21  }
0x21: {  	s19 =	smul.u32 $0x4F000, s15;
	s15 =	simm.s32 $0x0;
	[dreg:$0x1b] =	wrdreg s22  }
0x22: {  	s9 =	sadd.s32 s8, s24;
	s24 =	sadd.s32 $0x7850, s10;
	[dreg:$0x1c] =	wrdreg s25  }
0x23: {  	s16 =	sadd.s32 $0x7860, s10;
	s10 =	sadd.s32 $0x7870, s10;
	s20 =	sadd.s32 s6, s0  }
0x24: {  	s21 =	sshrl.u32 s12, $0x3;
	s22 =	sadd.s32 $0x32800, s0;
	[dreg:$0x15] =	wrdreg s9  }
0x25: {  	s12 =	simm.s32 $0x7;
	s9 =	sadd.s32 s8, s18;
	[smem:$0x7F8] =	sst s22  }
0x26: {  	s26 =	sadd.s32 s1, s24;
	s14 =	sadd.s32 s8, s24;
	[dreg:$0x19] =	wrdreg s9  }
0x27: {  	s17 =	sadd.s32 s1, s16;
	s18 =	sadd.s32 s1, s10;
	[dreg:$0x1e] =	wrdreg s26  }
0x28: {  	s1 =	sadd.s32 s13, s1;
	s6 =	sadd.s32 s21, s0;
	[dreg:$0x1f] =	wrdreg s14  }
0x29: {  	s25 =	sadd.s32 $0x3F400, s20;
	s20 =	simm.s32 $0x80;
	[smem:$0x7F4] =	sst s17  }
0x2a: {  	s21 =	simm.s32 $0x280;
	s22 =	simm.s32 $0x100;
	[smem:$0x7F7] =	sst s18  }
0x2b: {  	s13 =	simm.s32 $0x8;
	s9 =	sadd.s32 s8, s23;
	[dreg:$0x5] =	wrdreg s1  }
0x2c: {  	s24 =	sadd.s32 $0x35600, s6;
	[smem:$0x7FC] =	sst s25;
	s26 =	smax.u32 s7, $0x1  }
0x2d: {  	s17 =	simm.s32 $0x8400;
	s25 =	simm.s32 $0x380;
	s6 =	simm.s32 $0xB  }
0x2e: {  	s7 =	simm.s32 $0x3;
	s1 =	simm.s32 $0xC;
	[dreg:$0x1d] =	wrdreg s9  }
0x2f: {  	s9 =	sadd.s32 s8, s16;
	s8 =	sadd.s32 s8, s10;
	[smem:$0x7FB] =	sst s24  }
0x30: {  	s10 =	sadd.s32 $0xB000, s0;
	s0 =	sadd.s32 $0x32E00, s0;
	[smem:$0x7FD] =	sst s26  }
.Ltmp0:
0x31: {  	s16 =	simm.s32 $0xD;
	[smem:$0x7F5] =	sst s9;
	(pc) =	sbr.rel .LBB2_1-.Ltmp0, $4  }
0x32: {  	s24 =	simm.s32 $0x180;
	s26 =	simm.s32 $0x1;
	[smem:$0x7F6] =	sst s8  }
0x33: {  	s8 =	sshrl.u32 s19, $0x2;
	[smem:$0x7F9] =	sst s0;
	s19 =	simm.s32 $0x200  }
0x34: {  	s0 =	simm.s32 $0x9;
	s9 =	simm.s32 $0xA;
	s23 =	sadd.s32 s8, s2  }
0x35: {  	v0 =	vimm.f32 $1.000000000e+00;
	s8 =	simm.s32 $0x6;
	[smem:$0x7FA] =	sst s23;
	s23 =	simm.s32 $0x300  }
.LBB2_6:
0x36: {  	_ =	swait.ge [sflag:s31], $0x80  }
0x37: {  	[sflag:s31] =	ssyncset.done $0x0  }
0x38: {  	[sflag:s31] =	ssyncadd.s32 $0xFFFFFF80  }
0x39: {  	_ =	swait.ge [sflag:s0], $0x4000  }
0x3a: {  	[sflag:s0] =	ssyncset.done $0x0  }
0x3b: {  	[sflag:s0] =	ssyncadd.s32 $0xFFFFC000  }
0x3c: {  	[spmem:s2] =	stream.indirect.scatter.add.f32 [tilespmem:s28], [sflag:$0xB], $0x80, s19, s20, $0xb8;
	[tilespmem:$0x1E780] =	vst v63  }
0x3d: {  	v1 =	vld [tilespmem:$0x200];
	_ =	sdelay $0x7  }
0x3e: {  	[tilespmem:v1+s17+$0x0] =	vst.idx.add.f32.msk $0xffff, v0  }
0x3f: {  	v1 =	vld [tilespmem:$0x210];
	_ =	sdelay $0x7  }
0x40: {  	[tilespmem:v1+s17+$0x0] =	vst.idx.add.f32.msk $0xffff, v0  }
0x41: {  	v1 =	vld [tilespmem:$0x220];
	_ =	sdelay $0x7  }
0x42: {  	[tilespmem:v1+s17+$0x0] =	vst.idx.add.f32.msk $0xffff, v0  }
0x43: {  	v1 =	vld [tilespmem:$0x230];
	_ =	sdelay $0x7  }
0x44: {  	[tilespmem:v1+s17+$0x0] =	vst.idx.add.f32.msk $0xffff, v0  }
0x45: {  	v1 =	vld [tilespmem:$0x240];
	_ =	sdelay $0x7  }
0x46: {  	[tilespmem:v1+s17+$0x0] =	vst.idx.add.f32.msk $0xffff, v0  }
0x47: {  	v1 =	vld [tilespmem:$0x250];
	_ =	sdelay $0x7  }
0x48: {  	[tilespmem:v1+s17+$0x0] =	vst.idx.add.f32.msk $0xffff, v0  }
0x49: {  	v1 =	vld [tilespmem:$0x260];
	_ =	sdelay $0x7  }
0x4a: {  	[tilespmem:v1+s17+$0x0] =	vst.idx.add.f32.msk $0xffff, v0  }
0x4b: {  	v1 =	vld [tilespmem:$0x270];
	_ =	sdelay $0x7  }
0x4c: {  	[tilespmem:v1+s17+$0x0] =	vst.idx.add.f32.msk $0xffff, v0  }
0x4d: {  	_ =	swait.ge [sflag:s6], $0x4000  }
0x4e: {  	[sflag:s6] =	ssyncset.done $0x0  }
0x4f: {  	[sflag:s6] =	ssyncadd.s32 $0xFFFFC000  }
0x50: {  	_ =	swait.ge [sflag:s7], $0x80  }
0x51: {  	[sflag:s7] =	ssyncset.done $0x0  }
0x52: {  	[sflag:s7] =	ssyncadd.s32 $0xFFFFFF80  }
0x53: {  	[tilespmem:s28], [sflag:$0x9] =	stream.indirect.gather [hbm4b:s10+s20], $0x80, s22, s20, $0xb8;
	[tilespmem:$0x1E780] =	vst v63  }
0x54: {  	_ =	swait.ge [sflag:s8], $0x80  }
0x55: {  	[sflag:s8] =	ssyncset.done $0x0  }
0x56: {  	[sflag:s8] =	ssyncadd.s32 $0xFFFFFF80  }
0x57: {  	_ =	swait.ge [sflag:s9], $0x4000  }
0x58: {  	[sflag:s9] =	ssyncset.done $0x0  }
0x59: {  	[sflag:s9] =	ssyncadd.s32 $0xFFFFC000  }
0x5a: {  	[spmem:s2] =	stream.indirect.scatter.add.f32 [tilespmem:s30], [sflag:$0xC], $0x80, s21, s20, $0xb8;
	[tilespmem:$0x1E780] =	vst v63  }
0x5b: {  	v1 =	vld [tilespmem:$0x280];
	_ =	sdelay $0x7  }
0x5c: {  	[tilespmem:v1+s17+$0x0] =	vst.idx.add.f32.msk $0xffff, v0  }
0x5d: {  	v1 =	vld [tilespmem:$0x290];
	_ =	sdelay $0x7  }
0x5e: {  	[tilespmem:v1+s17+$0x0] =	vst.idx.add.f32.msk $0xffff, v0  }
0x5f: {  	v1 =	vld [tilespmem:$0x2A0];
	_ =	sdelay $0x7  }
0x60: {  	[tilespmem:v1+s17+$0x0] =	vst.idx.add.f32.msk $0xffff, v0  }
0x61: {  	v1 =	vld [tilespmem:$0x2B0];
	_ =	sdelay $0x7  }
0x62: {  	[tilespmem:v1+s17+$0x0] =	vst.idx.add.f32.msk $0xffff, v0  }
0x63: {  	v1 =	vld [tilespmem:$0x2C0];
	_ =	sdelay $0x7  }
0x64: {  	[tilespmem:v1+s17+$0x0] =	vst.idx.add.f32.msk $0xffff, v0  }
0x65: {  	v1 =	vld [tilespmem:$0x2D0];
	_ =	sdelay $0x7  }
0x66: {  	[tilespmem:v1+s17+$0x0] =	vst.idx.add.f32.msk $0xffff, v0  }
0x67: {  	v1 =	vld [tilespmem:$0x2E0];
	_ =	sdelay $0x7  }
0x68: {  	[tilespmem:v1+s17+$0x0] =	vst.idx.add.f32.msk $0xffff, v0  }
0x69: {  	v1 =	vld [tilespmem:$0x2F0];
	_ =	sdelay $0x7  }
0x6a: {  	[tilespmem:v1+s17+$0x0] =	vst.idx.add.f32.msk $0xffff, v0  }
0x6b: {  	_ =	swait.ge [sflag:s1], $0x4000  }
0x6c: {  	[sflag:s1] =	ssyncset.done $0x0  }
0x6d: {  	[sflag:s1] =	ssyncadd.s32 $0xFFFFC000  }
0x6e: {  	_ =	swait.ge [sflag:s11], $0x80  }
0x6f: {  	[sflag:s11] =	ssyncset.done $0x0  }
0x70: {  	[sflag:s11] =	ssyncadd.s32 $0xFFFFFF80  }
0x71: {  	[tilespmem:s30], [sflag:$0xA] =	stream.indirect.gather [hbm4b:s10+s20], $0x80, s24, s20, $0xb8;
	[tilespmem:$0x1E780] =	vst v63  }
0x72: {  	_ =	swait.ge [sflag:s12], $0x80  }
0x73: {  	[sflag:s12] =	ssyncset.done $0x0  }
0x74: {  	[sflag:s12] =	ssyncadd.s32 $0xFFFFFF80  }
0x75: {  	_ =	swait.ge [sflag:s0], $0x4000  }
0x76: {  	[sflag:s0] =	ssyncset.done $0x0  }
0x77: {  	[sflag:s0] =	ssyncadd.s32 $0xFFFFC000  }
0x78: {  	[spmem:s2] =	stream.indirect.scatter.add.f32 [tilespmem:s28], [sflag:$0xB], $0x80, s23, s20, $0xb8;
	[tilespmem:$0x1E780] =	vst v63  }
0x79: {  	v1 =	vld [tilespmem:$0x300];
	_ =	sdelay $0x7  }
0x7a: {  	[tilespmem:v1+s17+$0x0] =	vst.idx.add.f32.msk $0xffff, v0  }
0x7b: {  	v1 =	vld [tilespmem:$0x310];
	_ =	sdelay $0x7  }
0x7c: {  	[tilespmem:v1+s17+$0x0] =	vst.idx.add.f32.msk $0xffff, v0  }
0x7d: {  	v1 =	vld [tilespmem:$0x320];
	_ =	sdelay $0x7  }
0x7e: {  	[tilespmem:v1+s17+$0x0] =	vst.idx.add.f32.msk $0xffff, v0  }
0x7f: {  	v1 =	vld [tilespmem:$0x330];
	_ =	sdelay $0x7  }
0x80: {  	[tilespmem:v1+s17+$0x0] =	vst.idx.add.f32.msk $0xffff, v0  }
0x81: {  	v1 =	vld [tilespmem:$0x340];
	_ =	sdelay $0x7  }
0x82: {  	[tilespmem:v1+s17+$0x0] =	vst.idx.add.f32.msk $0xffff, v0  }
0x83: {  	v1 =	vld [tilespmem:$0x350];
	_ =	sdelay $0x7  }
0x84: {  	[tilespmem:v1+s17+$0x0] =	vst.idx.add.f32.msk $0xffff, v0  }
0x85: {  	v1 =	vld [tilespmem:$0x360];
	_ =	sdelay $0x7  }
0x86: {  	[tilespmem:v1+s17+$0x0] =	vst.idx.add.f32.msk $0xffff, v0  }
0x87: {  	v1 =	vld [tilespmem:$0x370];
	_ =	sdelay $0x7  }
0x88: {  	[tilespmem:v1+s17+$0x0] =	vst.idx.add.f32.msk $0xffff, v0  }
0x89: {  	_ =	swait.ge [sflag:s6], $0x4000  }
0x8a: {  	[sflag:s6] =	ssyncset.done $0x0  }
0x8b: {  	[sflag:s6] =	ssyncadd.s32 $0xFFFFC000  }
0x8c: {  	_ =	swait.ge [sflag:s13], $0x80  }
0x8d: {  	[sflag:s13] =	ssyncset.done $0x0  }
0x8e: {  	[sflag:s13] =	ssyncadd.s32 $0xFFFFFF80  }
0x8f: {  	_ =	swait.ge [sflag:s9], $0x4000  }
0x90: {  	[sflag:s9] =	ssyncset.done $0x0  }
0x91: {  	[sflag:s9] =	ssyncadd.s32 $0xFFFFC000  }
0x92: {  	[spmem:s2] =	stream.indirect.scatter.add.f32 [tilespmem:s30], [sflag:$0xC], $0x80, s25, s20, $0xb8;
	[tilespmem:$0x1E780] =	vst v63  }
0x93: {  	v1 =	vld [tilespmem:$0x380];
	_ =	sdelay $0x7  }
0x94: {  	[tilespmem:v1+s17+$0x0] =	vst.idx.add.f32.msk $0xffff, v0  }
0x95: {  	v1 =	vld [tilespmem:$0x390];
	_ =	sdelay $0x7  }
0x96: {  	[tilespmem:v1+s17+$0x0] =	vst.idx.add.f32.msk $0xffff, v0  }
0x97: {  	v1 =	vld [tilespmem:$0x3A0];
	_ =	sdelay $0x7  }
0x98: {  	[tilespmem:v1+s17+$0x0] =	vst.idx.add.f32.msk $0xffff, v0  }
0x99: {  	v1 =	vld [tilespmem:$0x3B0];
	_ =	sdelay $0x7  }
0x9a: {  	[tilespmem:v1+s17+$0x0] =	vst.idx.add.f32.msk $0xffff, v0  }
0x9b: {  	v1 =	vld [tilespmem:$0x3C0];
	_ =	sdelay $0x7  }
0x9c: {  	[tilespmem:v1+s17+$0x0] =	vst.idx.add.f32.msk $0xffff, v0  }
0x9d: {  	v1 =	vld [tilespmem:$0x3D0];
	_ =	sdelay $0x7  }
0x9e: {  	[tilespmem:v1+s17+$0x0] =	vst.idx.add.f32.msk $0xffff, v0  }
0x9f: {  	v1 =	vld [tilespmem:$0x3E0];
	_ =	sdelay $0x7  }
0xa0: {  	[tilespmem:v1+s17+$0x0] =	vst.idx.add.f32.msk $0xffff, v0  }
0xa1: {  	v1 =	vld [tilespmem:$0x3F0];
	_ =	sdelay $0x7  }
0xa2: {  	[tilespmem:v1+s17+$0x0] =	vst.idx.add.f32.msk $0xffff, v0  }
0xa3: {  	_ =	swait.ge [sflag:s1], $0x4000  }
0xa4: {  	s14 =	sld [smem:$0x7FB]  }
0xa5: {  	[sflag:s1] =	ssyncset.done $0x0  }
0xa6: {  	s16 =	simm.s32 $0xD;
	[sflag:s1] =	ssyncadd.s32 $0xFFFFC000  }
0xa7: {  	[hbm4b:s14+s20] =	stream.strided.scatter [tilespmem:s17], [sflag:$0xD], $0x2780, s28, s20, $0x38;
	[tilespmem:$0x1E780] =	vst v63  }
0xa8: {  	_ =	swait.ge [sflag:s16], $0x2780  }
0xa9: {  	[sflag:s16] =	ssyncset.done $0x0  }
0xaa: {  	[sflag:s16] =	ssyncadd.s32 $0xFFFFD880  }
0xab: {  	[bflag:$0x0] =	sbarrier.arrive $0xFFFF  }
0xac: {  	s14 =	sld [smem:$0x7FC]  }
0xad: {  	s15 =	sld [smem:$0x7F2]  }
0xae: {  	s18 =	sld [smem:$0x7F3];
	_ =	sdelay $0x2  }
0xaf: {  	[hbm:s14], [sflag:s15] =	dma.local [spmem:s18], $0x2780  }
0xb0: {  	_ =	swait.ge [sflag:s16], $0x2780  }
0xb1: {  	s14 =	sld [smem:$0x7F1]  }
0xb2: {  	s18 =	sld [smem:$0x7FD];
	_ =	sdelay $0x1  }
0xb3: {  	s15 =	sadd.s32 $0x1, s14  }
0xb4: {  	p1 =	sne.s32 s15, s18  }
.Ltmp1:
0xb5: {  	_ = 	snop;
	(pc) =	sbr.rel @!p1 .LBB2_7-.Ltmp1, $3  }
0xb6: {  	_ =	sdelay $0x1  }
0xb7: {  	[sflag:s16] =	ssyncset.done $0x0  }
0xb8: {  	[sflag:s16] =	ssyncadd.s32 $0xFFFFD880  }
.LBB2_1:
0xb9: {  	s14 =	sld [smem:$0x7F8];
	_ =	sdelay $0x1  }
0xba: {  	[smem:$0x7F1] =	sst s15  }
0xbb: {  	[tilespmem:s17], [sflag:$0xD] =	stream.linear.gather [hbm4b:s14+s3], $0x2780, $0x38;
	[tilespmem:$0x1E780] =	vst v63  }
0xbc: {  	s18 =	stileid.u32;
	_ =	swait.ge [sflag:s16], $0x2780  }
0xbd: {  	s14 =	sshll.u32 s18, $0x6;
	s18 =	sld [smem:$0x7FA];
	_ =	sdelay $0x1  }
0xbe: {  	s15 =	sor.u32 $0x1C0D, s14;
	s14 =	sld [smem:$0x7F9]  }
0xbf: {  	[sflag:s16] =	ssyncset.done $0x0;
	[smem:$0x7F2] =	sst s15;
	s18 =	sshrl.u32 s18, $0x3  }
0xc0: {  	[sflag:s16] =	ssyncadd.s32 $0xFFFFD880;
	[smem:$0x7F3] =	sst s18  }
0xc1: {  	[spmem:s18], [sflag:s15] =	dma.local [hbm:s14], $0x2780  }
.Ltmp2:
0xc2: {  	_ =	swait.ge [sflag:s16], $0x2780;
	(pc) =	sbr.rel @!p0 .LBB2_2-.Ltmp2, $4  }
0xc3: {  	[sflag:s16] =	ssyncset.done $0x0  }
0xc4: {  	[sflag:s16] =	ssyncadd.s32 $0xFFFFD880  }
0xc5: {  	[bflag:$0x0] =	sbarrier.arrive $0xFFFF  }
0xc6: {  	s15 =	simm.s32 $0x0  }
0xc7: {  	s14 =	rddreg [dreg:$0x14]  }
0xc8: {  	[tilespmem:s15], [sflag:$0x1] =	stream.linear.gather [hbm4b:s14+s15], $0x80, $0x38;
	[tilespmem:$0x1E780] =	vst v63  }
0xc9: {  	s18 =	rddreg [dreg:$0x15]  }
0xca: {  	[tilespmem:s19], [sflag:$0x5] =	stream.linear.gather [hbm4b:s18+s15], $0x80, $0x38;
	[tilespmem:$0x1E780] =	vst v63  }
0xcb: {  	s16 =	rddreg [dreg:$0x16]  }
0xcc: {  	[tilespmem:s20], [sflag:$0x2] =	stream.linear.gather [hbm4b:s16+s15], $0x80, $0x38;
	[tilespmem:$0x1E780] =	vst v63  }
0xcd: {  	s18 =	rddreg [dreg:$0x17]  }
0xce: {  	[tilespmem:s21], [sflag:$0x6] =	stream.linear.gather [hbm4b:s18+s15], $0x80, $0x38;
	[tilespmem:$0x1E780] =	vst v63  }
0xcf: {  	s16 =	rddreg [dreg:$0x18]  }
0xd0: {  	[tilespmem:s22], [sflag:$0x3] =	stream.linear.gather [hbm4b:s16+s15], $0x80, $0x38;
	[tilespmem:$0x1E780] =	vst v63  }
0xd1: {  	s18 =	rddreg [dreg:$0x19]  }
0xd2: {  	[tilespmem:s23], [sflag:$0x7] =	stream.linear.gather [hbm4b:s18+s15], $0x80, $0x38;
	[tilespmem:$0x1E780] =	vst v63  }
0xd3: {  	s16 =	rddreg [dreg:$0x1a]  }
0xd4: {  	[tilespmem:s24], [sflag:$0x4] =	stream.linear.gather [hbm4b:s16+s15], $0x80, $0x38;
	[tilespmem:$0x1E780] =	vst v63  }
0xd5: {  	s18 =	rddreg [dreg:$0x1b]  }
0xd6: {  	[tilespmem:s25], [sflag:$0x8] =	stream.linear.gather [hbm4b:s18+s15], $0x80, $0x38;
	[tilespmem:$0x1E780] =	vst v63  }
0xd7: {  	_ =	swait.ge [sflag:s26], $0x80  }
0xd8: {  	[sflag:s26] =	ssyncset.done $0x0  }
0xd9: {  	[sflag:s26] =	ssyncadd.s32 $0xFFFFFF80  }
0xda: {  	[tilespmem:s28], [sflag:$0x9] =	stream.indirect.gather [hbm4b:s10+s20], $0x80, s15, s20, $0xb8;
	[tilespmem:$0x1E780] =	vst v63  }
0xdb: {  	_ =	swait.ge [sflag:s29], $0x80  }
0xdc: {  	[sflag:s29] =	ssyncset.done $0x0  }
0xdd: {  	[sflag:s29] =	ssyncadd.s32 $0xFFFFFF80  }
0xde: {  	[tilespmem:s30], [sflag:$0xA] =	stream.indirect.gather [hbm4b:s10+s20], $0x80, s20, s20, $0xb8;
	[tilespmem:$0x1E780] =	vst v63  }
0xdf: {  	_ =	swait.ge [sflag:s31], $0x80  }
0xe0: {  	[sflag:s31] =	ssyncset.done $0x0  }
0xe1: {  	[sflag:s31] =	ssyncadd.s32 $0xFFFFFF80  }
0xe2: {  	_ =	swait.ge [sflag:s0], $0x4000  }
0xe3: {  	[sflag:s0] =	ssyncset.done $0x0  }
0xe4: {  	[sflag:s0] =	ssyncadd.s32 $0xFFFFC000  }
0xe5: {  	[spmem:s2] =	stream.indirect.scatter.add.f32 [tilespmem:s28], [sflag:$0xB], $0x80, s19, s20, $0xb8;
	[tilespmem:$0x1E780] =	vst v63  }
0xe6: {  	v1 =	vld [tilespmem:$0x200];
	_ =	sdelay $0x7  }
0xe7: {  	[tilespmem:v1+s17+$0x0] =	vst.idx.add.f32.msk $0xffff, v0  }
0xe8: {  	v1 =	vld [tilespmem:$0x210];
	_ =	sdelay $0x7  }
0xe9: {  	[tilespmem:v1+s17+$0x0] =	vst.idx.add.f32.msk $0xffff, v0  }
0xea: {  	v1 =	vld [tilespmem:$0x220];
	_ =	sdelay $0x7  }
0xeb: {  	[tilespmem:v1+s17+$0x0] =	vst.idx.add.f32.msk $0xffff, v0  }
0xec: {  	v1 =	vld [tilespmem:$0x230];
	_ =	sdelay $0x7  }
0xed: {  	[tilespmem:v1+s17+$0x0] =	vst.idx.add.f32.msk $0xffff, v0  }
0xee: {  	v1 =	vld [tilespmem:$0x240];
	_ =	sdelay $0x7  }
0xef: {  	[tilespmem:v1+s17+$0x0] =	vst.idx.add.f32.msk $0xffff, v0  }
0xf0: {  	v1 =	vld [tilespmem:$0x250];
	_ =	sdelay $0x7  }
0xf1: {  	[tilespmem:v1+s17+$0x0] =	vst.idx.add.f32.msk $0xffff, v0  }
0xf2: {  	v1 =	vld [tilespmem:$0x260];
	_ =	sdelay $0x7  }
0xf3: {  	[tilespmem:v1+s17+$0x0] =	vst.idx.add.f32.msk $0xffff, v0  }
0xf4: {  	v1 =	vld [tilespmem:$0x270];
	_ =	sdelay $0x7  }
0xf5: {  	[tilespmem:v1+s17+$0x0] =	vst.idx.add.f32.msk $0xffff, v0  }
0xf6: {  	_ =	swait.ge [sflag:s6], $0x4000  }
0xf7: {  	[sflag:s6] =	ssyncset.done $0x0  }
0xf8: {  	s16 =	rddreg [dreg:$0x1c];
	[sflag:s6] =	ssyncadd.s32 $0xFFFFC000  }
0xf9: {  	[tilespmem:s15], [sflag:$0x1] =	stream.linear.gather [hbm4b:s16+s15], $0x80, $0x38;
	[tilespmem:$0x1E780] =	vst v63  }
0xfa: {  	s18 =	rddreg [dreg:$0x1d]  }
0xfb: {  	[tilespmem:s19], [sflag:$0x5] =	stream.linear.gather [hbm4b:s18+s15], $0x80, $0x38;
	[tilespmem:$0x1E780] =	vst v63  }
0xfc: {  	_ =	swait.ge [sflag:s7], $0x80  }
0xfd: {  	[sflag:s7] =	ssyncset.done $0x0  }
0xfe: {  	[sflag:s7] =	ssyncadd.s32 $0xFFFFFF80  }
0xff: {  	[tilespmem:s28], [sflag:$0x9] =	stream.indirect.gather [hbm4b:s10+s20], $0x80, s22, s20, $0xb8;
	[tilespmem:$0x1E780] =	vst v63  }
0x100: {  	_ =	swait.ge [sflag:s8], $0x80  }
0x101: {  	[sflag:s8] =	ssyncset.done $0x0  }
0x102: {  	[sflag:s8] =	ssyncadd.s32 $0xFFFFFF80  }
0x103: {  	_ =	swait.ge [sflag:s9], $0x4000  }
0x104: {  	[sflag:s9] =	ssyncset.done $0x0  }
0x105: {  	[sflag:s9] =	ssyncadd.s32 $0xFFFFC000  }
0x106: {  	[spmem:s2] =	stream.indirect.scatter.add.f32 [tilespmem:s30], [sflag:$0xC], $0x80, s21, s20, $0xb8;
	[tilespmem:$0x1E780] =	vst v63  }
0x107: {  	v1 =	vld [tilespmem:$0x280];
	_ =	sdelay $0x7  }
0x108: {  	[tilespmem:v1+s17+$0x0] =	vst.idx.add.f32.msk $0xffff, v0  }
0x109: {  	v1 =	vld [tilespmem:$0x290];
	_ =	sdelay $0x7  }
0x10a: {  	[tilespmem:v1+s17+$0x0] =	vst.idx.add.f32.msk $0xffff, v0  }
0x10b: {  	v1 =	vld [tilespmem:$0x2A0];
	_ =	sdelay $0x7  }
0x10c: {  	[tilespmem:v1+s17+$0x0] =	vst.idx.add.f32.msk $0xffff, v0  }
0x10d: {  	v1 =	vld [tilespmem:$0x2B0];
	_ =	sdelay $0x7  }
0x10e: {  	[tilespmem:v1+s17+$0x0] =	vst.idx.add.f32.msk $0xffff, v0  }
0x10f: {  	v1 =	vld [tilespmem:$0x2C0];
	_ =	sdelay $0x7  }
0x110: {  	[tilespmem:v1+s17+$0x0] =	vst.idx.add.f32.msk $0xffff, v0  }
0x111: {  	v1 =	vld [tilespmem:$0x2D0];
	_ =	sdelay $0x7  }
0x112: {  	[tilespmem:v1+s17+$0x0] =	vst.idx.add.f32.msk $0xffff, v0  }
0x113: {  	v1 =	vld [tilespmem:$0x2E0];
	_ =	sdelay $0x7  }
0x114: {  	[tilespmem:v1+s17+$0x0] =	vst.idx.add.f32.msk $0xffff, v0  }
0x115: {  	v1 =	vld [tilespmem:$0x2F0];
	_ =	sdelay $0x7  }
0x116: {  	[tilespmem:v1+s17+$0x0] =	vst.idx.add.f32.msk $0xffff, v0  }
0x117: {  	_ =	swait.ge [sflag:s1], $0x4000  }
0x118: {  	[sflag:s1] =	ssyncset.done $0x0  }
0x119: {  	s16 =	rddreg [dreg:$0x1e];
	[sflag:s1] =	ssyncadd.s32 $0xFFFFC000  }
0x11a: {  	[tilespmem:s20], [sflag:$0x2] =	stream.linear.gather [hbm4b:s16+s15], $0x80, $0x38;
	[tilespmem:$0x1E780] =	vst v63  }
0x11b: {  	s18 =	rddreg [dreg:$0x1f]  }
0x11c: {  	[tilespmem:s21], [sflag:$0x6] =	stream.linear.gather [hbm4b:s18+s15], $0x80, $0x38;
	[tilespmem:$0x1E780] =	vst v63  }
0x11d: {  	_ =	swait.ge [sflag:s11], $0x80  }
0x11e: {  	[sflag:s11] =	ssyncset.done $0x0  }
0x11f: {  	[sflag:s11] =	ssyncadd.s32 $0xFFFFFF80  }
0x120: {  	[tilespmem:s30], [sflag:$0xA] =	stream.indirect.gather [hbm4b:s10+s20], $0x80, s24, s20, $0xb8;
	[tilespmem:$0x1E780] =	vst v63  }
0x121: {  	_ =	swait.ge [sflag:s12], $0x80  }
0x122: {  	[sflag:s12] =	ssyncset.done $0x0  }
0x123: {  	[sflag:s12] =	ssyncadd.s32 $0xFFFFFF80  }
0x124: {  	_ =	swait.ge [sflag:s0], $0x4000  }
0x125: {  	[sflag:s0] =	ssyncset.done $0x0  }
0x126: {  	[sflag:s0] =	ssyncadd.s32 $0xFFFFC000  }
0x127: {  	[spmem:s2] =	stream.indirect.scatter.add.f32 [tilespmem:s28], [sflag:$0xB], $0x80, s23, s20, $0xb8;
	[tilespmem:$0x1E780] =	vst v63  }
0x128: {  	v1 =	vld [tilespmem:$0x300];
	_ =	sdelay $0x7  }
0x129: {  	[tilespmem:v1+s17+$0x0] =	vst.idx.add.f32.msk $0xffff, v0  }
0x12a: {  	v1 =	vld [tilespmem:$0x310];
	_ =	sdelay $0x7  }
0x12b: {  	[tilespmem:v1+s17+$0x0] =	vst.idx.add.f32.msk $0xffff, v0  }
0x12c: {  	v1 =	vld [tilespmem:$0x320];
	_ =	sdelay $0x7  }
0x12d: {  	[tilespmem:v1+s17+$0x0] =	vst.idx.add.f32.msk $0xffff, v0  }
0x12e: {  	v1 =	vld [tilespmem:$0x330];
	_ =	sdelay $0x7  }
0x12f: {  	[tilespmem:v1+s17+$0x0] =	vst.idx.add.f32.msk $0xffff, v0  }
0x130: {  	v1 =	vld [tilespmem:$0x340];
	_ =	sdelay $0x7  }
0x131: {  	[tilespmem:v1+s17+$0x0] =	vst.idx.add.f32.msk $0xffff, v0  }
0x132: {  	v1 =	vld [tilespmem:$0x350];
	_ =	sdelay $0x7  }
0x133: {  	[tilespmem:v1+s17+$0x0] =	vst.idx.add.f32.msk $0xffff, v0  }
0x134: {  	v1 =	vld [tilespmem:$0x360];
	_ =	sdelay $0x7  }
0x135: {  	[tilespmem:v1+s17+$0x0] =	vst.idx.add.f32.msk $0xffff, v0  }
0x136: {  	v1 =	vld [tilespmem:$0x370];
	_ =	sdelay $0x7  }
0x137: {  	[tilespmem:v1+s17+$0x0] =	vst.idx.add.f32.msk $0xffff, v0  }
0x138: {  	_ =	swait.ge [sflag:s6], $0x4000  }
0x139: {  	s16 =	sld [smem:$0x7F4]  }
0x13a: {  	[sflag:s6] =	ssyncset.done $0x0  }
0x13b: {  	s18 =	sld [smem:$0x7F5];
	[sflag:s6] =	ssyncadd.s32 $0xFFFFC000  }
0x13c: {  	[tilespmem:s22], [sflag:$0x3] =	stream.linear.gather [hbm4b:s16+s15], $0x80, $0x38;
	[tilespmem:$0x1E780] =	vst v63  }
0x13d: {  	_ = 	snop  }
0x13e: {  	[tilespmem:s23], [sflag:$0x7] =	stream.linear.gather [hbm4b:s18+s15], $0x80, $0x38;
	[tilespmem:$0x1E780] =	vst v63  }
0x13f: {  	_ =	swait.ge [sflag:s26], $0x80  }
0x140: {  	[sflag:s26] =	ssyncset.done $0x0  }
0x141: {  	[sflag:s26] =	ssyncadd.s32 $0xFFFFFF80  }
0x142: {  	[tilespmem:s28], [sflag:$0x9] =	stream.indirect.gather [hbm4b:s10+s20], $0x80, s15, s20, $0xb8;
	[tilespmem:$0x1E780] =	vst v63  }
0x143: {  	_ =	swait.ge [sflag:s13], $0x80  }
0x144: {  	[sflag:s13] =	ssyncset.done $0x0  }
0x145: {  	[sflag:s13] =	ssyncadd.s32 $0xFFFFFF80  }
0x146: {  	_ =	swait.ge [sflag:s9], $0x4000  }
0x147: {  	[sflag:s9] =	ssyncset.done $0x0  }
0x148: {  	[sflag:s9] =	ssyncadd.s32 $0xFFFFC000  }
0x149: {  	[spmem:s2] =	stream.indirect.scatter.add.f32 [tilespmem:s30], [sflag:$0xC], $0x80, s25, s20, $0xb8;
	[tilespmem:$0x1E780] =	vst v63  }
0x14a: {  	v1 =	vld [tilespmem:$0x380];
	_ =	sdelay $0x7  }
0x14b: {  	[tilespmem:v1+s17+$0x0] =	vst.idx.add.f32.msk $0xffff, v0  }
0x14c: {  	v1 =	vld [tilespmem:$0x390];
	_ =	sdelay $0x7  }
0x14d: {  	[tilespmem:v1+s17+$0x0] =	vst.idx.add.f32.msk $0xffff, v0  }
0x14e: {  	v1 =	vld [tilespmem:$0x3A0];
	_ =	sdelay $0x7  }
0x14f: {  	[tilespmem:v1+s17+$0x0] =	vst.idx.add.f32.msk $0xffff, v0  }
0x150: {  	v1 =	vld [tilespmem:$0x3B0];
	_ =	sdelay $0x7  }
0x151: {  	[tilespmem:v1+s17+$0x0] =	vst.idx.add.f32.msk $0xffff, v0  }
0x152: {  	v1 =	vld [tilespmem:$0x3C0];
	_ =	sdelay $0x7  }
0x153: {  	[tilespmem:v1+s17+$0x0] =	vst.idx.add.f32.msk $0xffff, v0  }
0x154: {  	v1 =	vld [tilespmem:$0x3D0];
	_ =	sdelay $0x7  }
0x155: {  	[tilespmem:v1+s17+$0x0] =	vst.idx.add.f32.msk $0xffff, v0  }
0x156: {  	v1 =	vld [tilespmem:$0x3E0];
	_ =	sdelay $0x7  }
0x157: {  	[tilespmem:v1+s17+$0x0] =	vst.idx.add.f32.msk $0xffff, v0  }
0x158: {  	v1 =	vld [tilespmem:$0x3F0];
	_ =	sdelay $0x7  }
0x159: {  	[tilespmem:v1+s17+$0x0] =	vst.idx.add.f32.msk $0xffff, v0  }
0x15a: {  	_ =	swait.ge [sflag:s1], $0x4000  }
0x15b: {  	s16 =	sld [smem:$0x7F7]  }
0x15c: {  	[sflag:s1] =	ssyncset.done $0x0  }
0x15d: {  	s18 =	sld [smem:$0x7F6];
	[sflag:s1] =	ssyncadd.s32 $0xFFFFC000  }
0x15e: {  	[tilespmem:s24], [sflag:$0x4] =	stream.linear.gather [hbm4b:s16+s15], $0x80, $0x38;
	[tilespmem:$0x1E780] =	vst v63  }
0x15f: {  	_ = 	snop  }
0x160: {  	[tilespmem:s25], [sflag:$0x8] =	stream.linear.gather [hbm4b:s18+s15], $0x80, $0x38;
	[tilespmem:$0x1E780] =	vst v63  }
0x161: {  	_ =	swait.ge [sflag:s29], $0x80  }
0x162: {  	[sflag:s29] =	ssyncset.done $0x0  }
0x163: {  	[sflag:s29] =	ssyncadd.s32 $0xFFFFFF80  }
0x164: {  	[tilespmem:s30], [sflag:$0xA] =	stream.indirect.gather [hbm4b:s10+s20], $0x80, s20, s20, $0xb8;
	[tilespmem:$0x1E780] =	vst v63  }
.LBB2_5:
0x165: {  	_ =	swait.ge [sflag:s31], $0x80  }
0x166: {  	[sflag:s31] =	ssyncset.done $0x0  }
0x167: {  	[sflag:s31] =	ssyncadd.s32 $0xFFFFFF80  }
0x168: {  	_ =	swait.ge [sflag:s0], $0x4000  }
0x169: {  	[sflag:s0] =	ssyncset.done $0x0  }
0x16a: {  	[sflag:s0] =	ssyncadd.s32 $0xFFFFC000  }
0x16b: {  	[spmem:s2] =	stream.indirect.scatter.add.f32 [tilespmem:s28], [sflag:$0xB], $0x80, s19, s20, $0xb8;
	[tilespmem:$0x1E780] =	vst v63  }
0x16c: {  	v1 =	vld [tilespmem:$0x200];
	_ =	sdelay $0x7  }
0x16d: {  	[tilespmem:v1+s17+$0x0] =	vst.idx.add.f32.msk $0xffff, v0  }
0x16e: {  	v1 =	vld [tilespmem:$0x210];
	_ =	sdelay $0x7  }
0x16f: {  	[tilespmem:v1+s17+$0x0] =	vst.idx.add.f32.msk $0xffff, v0  }
0x170: {  	v1 =	vld [tilespmem:$0x220];
	_ =	sdelay $0x7  }
0x171: {  	[tilespmem:v1+s17+$0x0] =	vst.idx.add.f32.msk $0xffff, v0  }
0x172: {  	v1 =	vld [tilespmem:$0x230];
	_ =	sdelay $0x7  }
0x173: {  	[tilespmem:v1+s17+$0x0] =	vst.idx.add.f32.msk $0xffff, v0  }
0x174: {  	v1 =	vld [tilespmem:$0x240];
	_ =	sdelay $0x7  }
0x175: {  	[tilespmem:v1+s17+$0x0] =	vst.idx.add.f32.msk $0xffff, v0  }
0x176: {  	v1 =	vld [tilespmem:$0x250];
	_ =	sdelay $0x7  }
0x177: {  	[tilespmem:v1+s17+$0x0] =	vst.idx.add.f32.msk $0xffff, v0  }
0x178: {  	v1 =	vld [tilespmem:$0x260];
	_ =	sdelay $0x7  }
0x179: {  	[tilespmem:v1+s17+$0x0] =	vst.idx.add.f32.msk $0xffff, v0  }
0x17a: {  	v1 =	vld [tilespmem:$0x270];
	_ =	sdelay $0x7  }
0x17b: {  	[tilespmem:v1+s17+$0x0] =	vst.idx.add.f32.msk $0xffff, v0  }
0x17c: {  	_ =	swait.ge [sflag:s6], $0x4000  }
0x17d: {  	s14 =	rddreg [dreg:$0x5]  }
0x17e: {  	[sflag:s6] =	ssyncset.done $0x0;
	s16 =	sadd.s32 s15, s14  }
0x17f: {  	s14 =	rddreg [dreg:$0x4];
	[sflag:s6] =	ssyncadd.s32 $0xFFFFC000;
	s18 =	sadd.s32 $0x7880, s16  }
0x180: {  	[tilespmem:s3], [sflag:$0x1] =	stream.linear.gather [hbm4b:s18+s3], $0x80, $0x38;
	[tilespmem:$0x1E780] =	vst v63  }
0x181: {  	s18 =	sadd.s32 s15, s14  }
0x182: {  	s14 =	sadd.s32 $0x7880, s18  }
0x183: {  	[tilespmem:s19], [sflag:$0x5] =	stream.linear.gather [hbm4b:s14+s3], $0x80, $0x38;
	[tilespmem:$0x1E780] =	vst v63  }
0x184: {  	_ =	swait.ge [sflag:s7], $0x80  }
0x185: {  	[sflag:s7] =	ssyncset.done $0x0  }
0x186: {  	[sflag:s7] =	ssyncadd.s32 $0xFFFFFF80  }
0x187: {  	[tilespmem:s28], [sflag:$0x9] =	stream.indirect.gather [hbm4b:s10+s20], $0x80, s22, s20, $0xb8;
	[tilespmem:$0x1E780] =	vst v63  }
0x188: {  	_ =	swait.ge [sflag:s8], $0x80  }
0x189: {  	[sflag:s8] =	ssyncset.done $0x0  }
0x18a: {  	[sflag:s8] =	ssyncadd.s32 $0xFFFFFF80  }
0x18b: {  	_ =	swait.ge [sflag:s9], $0x4000  }
0x18c: {  	[sflag:s9] =	ssyncset.done $0x0  }
0x18d: {  	[sflag:s9] =	ssyncadd.s32 $0xFFFFC000  }
0x18e: {  	[spmem:s2] =	stream.indirect.scatter.add.f32 [tilespmem:s30], [sflag:$0xC], $0x80, s21, s20, $0xb8;
	[tilespmem:$0x1E780] =	vst v63  }
0x18f: {  	v1 =	vld [tilespmem:$0x280];
	_ =	sdelay $0x7  }
0x190: {  	[tilespmem:v1+s17+$0x0] =	vst.idx.add.f32.msk $0xffff, v0  }
0x191: {  	v1 =	vld [tilespmem:$0x290];
	_ =	sdelay $0x7  }
0x192: {  	[tilespmem:v1+s17+$0x0] =	vst.idx.add.f32.msk $0xffff, v0  }
0x193: {  	v1 =	vld [tilespmem:$0x2A0];
	_ =	sdelay $0x7  }
0x194: {  	[tilespmem:v1+s17+$0x0] =	vst.idx.add.f32.msk $0xffff, v0  }
0x195: {  	v1 =	vld [tilespmem:$0x2B0];
	_ =	sdelay $0x7  }
0x196: {  	[tilespmem:v1+s17+$0x0] =	vst.idx.add.f32.msk $0xffff, v0  }
0x197: {  	v1 =	vld [tilespmem:$0x2C0];
	_ =	sdelay $0x7  }
0x198: {  	[tilespmem:v1+s17+$0x0] =	vst.idx.add.f32.msk $0xffff, v0  }
0x199: {  	v1 =	vld [tilespmem:$0x2D0];
	_ =	sdelay $0x7  }
0x19a: {  	[tilespmem:v1+s17+$0x0] =	vst.idx.add.f32.msk $0xffff, v0  }
0x19b: {  	v1 =	vld [tilespmem:$0x2E0];
	_ =	sdelay $0x7  }
0x19c: {  	[tilespmem:v1+s17+$0x0] =	vst.idx.add.f32.msk $0xffff, v0  }
0x19d: {  	v1 =	vld [tilespmem:$0x2F0];
	_ =	sdelay $0x7  }
0x19e: {  	[tilespmem:v1+s17+$0x0] =	vst.idx.add.f32.msk $0xffff, v0  }
0x19f: {  	_ =	swait.ge [sflag:s1], $0x4000  }
0x1a0: {  	[sflag:s1] =	ssyncset.done $0x0  }
0x1a1: {  	s14 =	sadd.s32 $0x7890, s16;
	[sflag:s1] =	ssyncadd.s32 $0xFFFFC000  }
0x1a2: {  	[tilespmem:s20], [sflag:$0x2] =	stream.linear.gather [hbm4b:s14+s3], $0x80, $0x38;
	[tilespmem:$0x1E780] =	vst v63  }
0x1a3: {  	s14 =	sadd.s32 $0x7890, s18  }
0x1a4: {  	[tilespmem:s21], [sflag:$0x6] =	stream.linear.gather [hbm4b:s14+s3], $0x80, $0x38;
	[tilespmem:$0x1E780] =	vst v63  }
0x1a5: {  	_ =	swait.ge [sflag:s11], $0x80  }
0x1a6: {  	[sflag:s11] =	ssyncset.done $0x0  }
0x1a7: {  	[sflag:s11] =	ssyncadd.s32 $0xFFFFFF80  }
0x1a8: {  	[tilespmem:s30], [sflag:$0xA] =	stream.indirect.gather [hbm4b:s10+s20], $0x80, s24, s20, $0xb8;
	[tilespmem:$0x1E780] =	vst v63  }
0x1a9: {  	_ =	swait.ge [sflag:s12], $0x80  }
0x1aa: {  	[sflag:s12] =	ssyncset.done $0x0  }
0x1ab: {  	[sflag:s12] =	ssyncadd.s32 $0xFFFFFF80  }
0x1ac: {  	_ =	swait.ge [sflag:s0], $0x4000  }
0x1ad: {  	[sflag:s0] =	ssyncset.done $0x0  }
0x1ae: {  	[sflag:s0] =	ssyncadd.s32 $0xFFFFC000  }
0x1af: {  	[spmem:s2] =	stream.indirect.scatter.add.f32 [tilespmem:s28], [sflag:$0xB], $0x80, s23, s20, $0xb8;
	[tilespmem:$0x1E780] =	vst v63  }
0x1b0: {  	v1 =	vld [tilespmem:$0x300];
	_ =	sdelay $0x7  }
0x1b1: {  	[tilespmem:v1+s17+$0x0] =	vst.idx.add.f32.msk $0xffff, v0  }
0x1b2: {  	v1 =	vld [tilespmem:$0x310];
	_ =	sdelay $0x7  }
0x1b3: {  	[tilespmem:v1+s17+$0x0] =	vst.idx.add.f32.msk $0xffff, v0  }
0x1b4: {  	v1 =	vld [tilespmem:$0x320];
	_ =	sdelay $0x7  }
0x1b5: {  	[tilespmem:v1+s17+$0x0] =	vst.idx.add.f32.msk $0xffff, v0  }
0x1b6: {  	v1 =	vld [tilespmem:$0x330];
	_ =	sdelay $0x7  }
0x1b7: {  	[tilespmem:v1+s17+$0x0] =	vst.idx.add.f32.msk $0xffff, v0  }
0x1b8: {  	v1 =	vld [tilespmem:$0x340];
	_ =	sdelay $0x7  }
0x1b9: {  	[tilespmem:v1+s17+$0x0] =	vst.idx.add.f32.msk $0xffff, v0  }
0x1ba: {  	v1 =	vld [tilespmem:$0x350];
	_ =	sdelay $0x7  }
0x1bb: {  	[tilespmem:v1+s17+$0x0] =	vst.idx.add.f32.msk $0xffff, v0  }
0x1bc: {  	v1 =	vld [tilespmem:$0x360];
	_ =	sdelay $0x7  }
0x1bd: {  	[tilespmem:v1+s17+$0x0] =	vst.idx.add.f32.msk $0xffff, v0  }
0x1be: {  	v1 =	vld [tilespmem:$0x370];
	_ =	sdelay $0x7  }
0x1bf: {  	[tilespmem:v1+s17+$0x0] =	vst.idx.add.f32.msk $0xffff, v0  }
0x1c0: {  	_ =	swait.ge [sflag:s6], $0x4000  }
0x1c1: {  	[sflag:s6] =	ssyncset.done $0x0  }
0x1c2: {  	s14 =	sadd.s32 $0x78A0, s16;
	[sflag:s6] =	ssyncadd.s32 $0xFFFFC000  }
0x1c3: {  	[tilespmem:s22], [sflag:$0x3] =	stream.linear.gather [hbm4b:s14+s3], $0x80, $0x38;
	[tilespmem:$0x1E780] =	vst v63  }
0x1c4: {  	s14 =	sadd.s32 $0x78A0, s18  }
0x1c5: {  	[tilespmem:s23], [sflag:$0x7] =	stream.linear.gather [hbm4b:s14+s3], $0x80, $0x38;
	[tilespmem:$0x1E780] =	vst v63  }
0x1c6: {  	_ =	swait.ge [sflag:s26], $0x80  }
0x1c7: {  	[sflag:s26] =	ssyncset.done $0x0  }
0x1c8: {  	[sflag:s26] =	ssyncadd.s32 $0xFFFFFF80  }
0x1c9: {  	[tilespmem:s28], [sflag:$0x9] =	stream.indirect.gather [hbm4b:s10+s20], $0x80, s3, s20, $0xb8;
	[tilespmem:$0x1E780] =	vst v63  }
0x1ca: {  	_ =	swait.ge [sflag:s13], $0x80  }
0x1cb: {  	[sflag:s13] =	ssyncset.done $0x0  }
0x1cc: {  	[sflag:s13] =	ssyncadd.s32 $0xFFFFFF80  }
0x1cd: {  	_ =	swait.ge [sflag:s9], $0x4000  }
0x1ce: {  	[sflag:s9] =	ssyncset.done $0x0  }
0x1cf: {  	[sflag:s9] =	ssyncadd.s32 $0xFFFFC000  }
0x1d0: {  	[spmem:s2] =	stream.indirect.scatter.add.f32 [tilespmem:s30], [sflag:$0xC], $0x80, s25, s20, $0xb8;
	[tilespmem:$0x1E780] =	vst v63  }
0x1d1: {  	v1 =	vld [tilespmem:$0x380];
	_ =	sdelay $0x7  }
0x1d2: {  	[tilespmem:v1+s17+$0x0] =	vst.idx.add.f32.msk $0xffff, v0  }
0x1d3: {  	v1 =	vld [tilespmem:$0x390];
	_ =	sdelay $0x7  }
0x1d4: {  	[tilespmem:v1+s17+$0x0] =	vst.idx.add.f32.msk $0xffff, v0  }
0x1d5: {  	v1 =	vld [tilespmem:$0x3A0];
	_ =	sdelay $0x7  }
0x1d6: {  	[tilespmem:v1+s17+$0x0] =	vst.idx.add.f32.msk $0xffff, v0  }
0x1d7: {  	v1 =	vld [tilespmem:$0x3B0];
	_ =	sdelay $0x7  }
0x1d8: {  	[tilespmem:v1+s17+$0x0] =	vst.idx.add.f32.msk $0xffff, v0  }
0x1d9: {  	v1 =	vld [tilespmem:$0x3C0];
	_ =	sdelay $0x7  }
0x1da: {  	[tilespmem:v1+s17+$0x0] =	vst.idx.add.f32.msk $0xffff, v0  }
0x1db: {  	v1 =	vld [tilespmem:$0x3D0];
	_ =	sdelay $0x7  }
0x1dc: {  	[tilespmem:v1+s17+$0x0] =	vst.idx.add.f32.msk $0xffff, v0  }
0x1dd: {  	v1 =	vld [tilespmem:$0x3E0];
	_ =	sdelay $0x7  }
0x1de: {  	[tilespmem:v1+s17+$0x0] =	vst.idx.add.f32.msk $0xffff, v0  }
0x1df: {  	v1 =	vld [tilespmem:$0x3F0];
	_ =	sdelay $0x7  }
0x1e0: {  	[tilespmem:v1+s17+$0x0] =	vst.idx.add.f32.msk $0xffff, v0  }
0x1e1: {  	_ =	swait.ge [sflag:s1], $0x4000  }
0x1e2: {  	[sflag:s1] =	ssyncset.done $0x0  }
0x1e3: {  	s16 =	sadd.s32 $0x78B0, s16;
	[sflag:s1] =	ssyncadd.s32 $0xFFFFC000  }
0x1e4: {  	[tilespmem:s24], [sflag:$0x4] =	stream.linear.gather [hbm4b:s16+s3], $0x80, $0x38;
	[tilespmem:$0x1E780] =	vst v63  }
0x1e5: {  	p1 =	sne.s32 s15, $0x1C0;
	s18 =	sadd.s32 $0x78B0, s18  }
0x1e6: {  	[tilespmem:s25], [sflag:$0x8] =	stream.linear.gather [hbm4b:s18+s3], $0x80, $0x38;
	[tilespmem:$0x1E780] =	vst v63  }
.Ltmp3:
0x1e7: {  	_ = 	snop;
	(pc) =	sbr.rel @p1 .LBB2_5-.Ltmp3, $4  }
0x1e8: {  	_ =	swait.ge [sflag:s29], $0x80  }
0x1e9: {  	[sflag:s29] =	ssyncset.done $0x0  }
0x1ea: {  	s15 =	sadd.s32 $0x40, s15;
	[sflag:s29] =	ssyncadd.s32 $0xFFFFFF80  }
0x1eb: {  	[tilespmem:s30], [sflag:$0xA] =	stream.indirect.gather [hbm4b:s10+s20], $0x80, s20, s20, $0xb8;
	[tilespmem:$0x1E780] =	vst v63  }
.Ltmp4:
0x1ec: {  	_ = 	snop;
	(pc) =	sbr.rel .LBB2_6-.Ltmp4, $1  }
0x1ed: {  	_ =	sdelay $0x3  }
.LBB2_2:
0x1ee: {  	[tilespmem:s15], [sflag:$0x1] =	stream.linear.gather [hbm4b:s4+s15], $0x80, $0x38;
	[tilespmem:$0x1E780] =	vst v63  }
0x1ef: {  	_ = 	snop  }
0x1f0: {  	[tilespmem:s19], [sflag:$0x5] =	stream.linear.gather [hbm4b:s5+s15], $0x80, $0x38;
	[tilespmem:$0x1E780] =	vst v63  }
0x1f1: {  	s14 =	rddreg [dreg:$0x6]  }
0x1f2: {  	[tilespmem:s20], [sflag:$0x2] =	stream.linear.gather [hbm4b:s14+s15], $0x80, $0x38;
	[tilespmem:$0x1E780] =	vst v63  }
0x1f3: {  	s18 =	rddreg [dreg:$0x7]  }
0x1f4: {  	[tilespmem:s21], [sflag:$0x6] =	stream.linear.gather [hbm4b:s18+s15], $0x80, $0x38;
	[tilespmem:$0x1E780] =	vst v63  }
0x1f5: {  	s16 =	rddreg [dreg:$0x8]  }
0x1f6: {  	[tilespmem:s22], [sflag:$0x3] =	stream.linear.gather [hbm4b:s16+s15], $0x80, $0x38;
	[tilespmem:$0x1E780] =	vst v63  }
0x1f7: {  	s18 =	rddreg [dreg:$0x9]  }
0x1f8: {  	[tilespmem:s23], [sflag:$0x7] =	stream.linear.gather [hbm4b:s18+s15], $0x80, $0x38;
	[tilespmem:$0x1E780] =	vst v63  }
0x1f9: {  	s16 =	rddreg [dreg:$0xa]  }
0x1fa: {  	[tilespmem:s24], [sflag:$0x4] =	stream.linear.gather [hbm4b:s16+s15], $0x80, $0x38;
	[tilespmem:$0x1E780] =	vst v63  }
0x1fb: {  	s18 =	rddreg [dreg:$0xb]  }
0x1fc: {  	[tilespmem:s25], [sflag:$0x8] =	stream.linear.gather [hbm4b:s18+s15], $0x80, $0x38;
	[tilespmem:$0x1E780] =	vst v63  }
0x1fd: {  	_ =	swait.ge [sflag:s26], $0x80  }
0x1fe: {  	[sflag:s26] =	ssyncset.done $0x0  }
0x1ff: {  	[sflag:s26] =	ssyncadd.s32 $0xFFFFFF80  }
0x200: {  	[tilespmem:s28], [sflag:$0x9] =	stream.indirect.gather [hbm4b:s10+s20], $0x80, s15, s20, $0xb8;
	[tilespmem:$0x1E780] =	vst v63  }
0x201: {  	_ =	swait.ge [sflag:s29], $0x80  }
0x202: {  	[sflag:s29] =	ssyncset.done $0x0  }
0x203: {  	[sflag:s29] =	ssyncadd.s32 $0xFFFFFF80  }
0x204: {  	[tilespmem:s30], [sflag:$0xA] =	stream.indirect.gather [hbm4b:s10+s20], $0x80, s20, s20, $0xb8;
	[tilespmem:$0x1E780] =	vst v63  }
0x205: {  	_ =	swait.ge [sflag:s31], $0x80  }
0x206: {  	[sflag:s31] =	ssyncset.done $0x0  }
0x207: {  	[sflag:s31] =	ssyncadd.s32 $0xFFFFFF80  }
0x208: {  	_ =	swait.ge [sflag:s0], $0x4000  }
0x209: {  	[sflag:s0] =	ssyncset.done $0x0  }
0x20a: {  	[sflag:s0] =	ssyncadd.s32 $0xFFFFC000  }
0x20b: {  	[spmem:s2] =	stream.indirect.scatter.add.f32 [tilespmem:s28], [sflag:$0xB], $0x80, s19, s20, $0xb8;
	[tilespmem:$0x1E780] =	vst v63  }
0x20c: {  	v1 =	vld [tilespmem:$0x200];
	_ =	sdelay $0x7  }
0x20d: {  	[tilespmem:v1+s17+$0x0] =	vst.idx.add.f32.msk $0xffff, v0  }
0x20e: {  	v1 =	vld [tilespmem:$0x210];
	_ =	sdelay $0x7  }
0x20f: {  	[tilespmem:v1+s17+$0x0] =	vst.idx.add.f32.msk $0xffff, v0  }
0x210: {  	v1 =	vld [tilespmem:$0x220];
	_ =	sdelay $0x7  }
0x211: {  	[tilespmem:v1+s17+$0x0] =	vst.idx.add.f32.msk $0xffff, v0  }
0x212: {  	v1 =	vld [tilespmem:$0x230];
	_ =	sdelay $0x7  }
0x213: {  	[tilespmem:v1+s17+$0x0] =	vst.idx.add.f32.msk $0xffff, v0  }
0x214: {  	v1 =	vld [tilespmem:$0x240];
	_ =	sdelay $0x7  }
0x215: {  	[tilespmem:v1+s17+$0x0] =	vst.idx.add.f32.msk $0xffff, v0  }
0x216: {  	v1 =	vld [tilespmem:$0x250];
	_ =	sdelay $0x7  }
0x217: {  	[tilespmem:v1+s17+$0x0] =	vst.idx.add.f32.msk $0xffff, v0  }
0x218: {  	v1 =	vld [tilespmem:$0x260];
	_ =	sdelay $0x7  }
0x219: {  	[tilespmem:v1+s17+$0x0] =	vst.idx.add.f32.msk $0xffff, v0  }
0x21a: {  	v1 =	vld [tilespmem:$0x270];
	_ =	sdelay $0x7  }
0x21b: {  	[tilespmem:v1+s17+$0x0] =	vst.idx.add.f32.msk $0xffff, v0  }
0x21c: {  	_ =	swait.ge [sflag:s6], $0x4000  }
0x21d: {  	[sflag:s6] =	ssyncset.done $0x0  }
0x21e: {  	s16 =	rddreg [dreg:$0xc];
	[sflag:s6] =	ssyncadd.s32 $0xFFFFC000  }
0x21f: {  	[tilespmem:s15], [sflag:$0x1] =	stream.linear.gather [hbm4b:s16+s15], $0x80, $0x38;
	[tilespmem:$0x1E780] =	vst v63  }
0x220: {  	s18 =	rddreg [dreg:$0xd]  }
0x221: {  	[tilespmem:s19], [sflag:$0x5] =	stream.linear.gather [hbm4b:s18+s15], $0x80, $0x38;
	[tilespmem:$0x1E780] =	vst v63  }
0x222: {  	_ =	swait.ge [sflag:s7], $0x80  }
0x223: {  	[sflag:s7] =	ssyncset.done $0x0  }
0x224: {  	[sflag:s7] =	ssyncadd.s32 $0xFFFFFF80  }
0x225: {  	[tilespmem:s28], [sflag:$0x9] =	stream.indirect.gather [hbm4b:s10+s20], $0x80, s22, s20, $0xb8;
	[tilespmem:$0x1E780] =	vst v63  }
0x226: {  	_ =	swait.ge [sflag:s8], $0x80  }
0x227: {  	[sflag:s8] =	ssyncset.done $0x0  }
0x228: {  	[sflag:s8] =	ssyncadd.s32 $0xFFFFFF80  }
0x229: {  	_ =	swait.ge [sflag:s9], $0x4000  }
0x22a: {  	[sflag:s9] =	ssyncset.done $0x0  }
0x22b: {  	[sflag:s9] =	ssyncadd.s32 $0xFFFFC000  }
0x22c: {  	[spmem:s2] =	stream.indirect.scatter.add.f32 [tilespmem:s30], [sflag:$0xC], $0x80, s21, s20, $0xb8;
	[tilespmem:$0x1E780] =	vst v63  }
0x22d: {  	v1 =	vld [tilespmem:$0x280];
	_ =	sdelay $0x7  }
0x22e: {  	[tilespmem:v1+s17+$0x0] =	vst.idx.add.f32.msk $0xffff, v0  }
0x22f: {  	v1 =	vld [tilespmem:$0x290];
	_ =	sdelay $0x7  }
0x230: {  	[tilespmem:v1+s17+$0x0] =	vst.idx.add.f32.msk $0xffff, v0  }
0x231: {  	v1 =	vld [tilespmem:$0x2A0];
	_ =	sdelay $0x7  }
0x232: {  	[tilespmem:v1+s17+$0x0] =	vst.idx.add.f32.msk $0xffff, v0  }
0x233: {  	v1 =	vld [tilespmem:$0x2B0];
	_ =	sdelay $0x7  }
0x234: {  	[tilespmem:v1+s17+$0x0] =	vst.idx.add.f32.msk $0xffff, v0  }
0x235: {  	v1 =	vld [tilespmem:$0x2C0];
	_ =	sdelay $0x7  }
0x236: {  	[tilespmem:v1+s17+$0x0] =	vst.idx.add.f32.msk $0xffff, v0  }
0x237: {  	v1 =	vld [tilespmem:$0x2D0];
	_ =	sdelay $0x7  }
0x238: {  	[tilespmem:v1+s17+$0x0] =	vst.idx.add.f32.msk $0xffff, v0  }
0x239: {  	v1 =	vld [tilespmem:$0x2E0];
	_ =	sdelay $0x7  }
0x23a: {  	[tilespmem:v1+s17+$0x0] =	vst.idx.add.f32.msk $0xffff, v0  }
0x23b: {  	v1 =	vld [tilespmem:$0x2F0];
	_ =	sdelay $0x7  }
0x23c: {  	[tilespmem:v1+s17+$0x0] =	vst.idx.add.f32.msk $0xffff, v0  }
0x23d: {  	_ =	swait.ge [sflag:s1], $0x4000  }
0x23e: {  	[sflag:s1] =	ssyncset.done $0x0  }
0x23f: {  	s16 =	rddreg [dreg:$0xe];
	[sflag:s1] =	ssyncadd.s32 $0xFFFFC000  }
0x240: {  	[tilespmem:s20], [sflag:$0x2] =	stream.linear.gather [hbm4b:s16+s15], $0x80, $0x38;
	[tilespmem:$0x1E780] =	vst v63  }
0x241: {  	s18 =	rddreg [dreg:$0xf]  }
0x242: {  	[tilespmem:s21], [sflag:$0x6] =	stream.linear.gather [hbm4b:s18+s15], $0x80, $0x38;
	[tilespmem:$0x1E780] =	vst v63  }
0x243: {  	_ =	swait.ge [sflag:s11], $0x80  }
0x244: {  	[sflag:s11] =	ssyncset.done $0x0  }
0x245: {  	[sflag:s11] =	ssyncadd.s32 $0xFFFFFF80  }
0x246: {  	[tilespmem:s30], [sflag:$0xA] =	stream.indirect.gather [hbm4b:s10+s20], $0x80, s24, s20, $0xb8;
	[tilespmem:$0x1E780] =	vst v63  }
0x247: {  	_ =	swait.ge [sflag:s12], $0x80  }
0x248: {  	[sflag:s12] =	ssyncset.done $0x0  }
0x249: {  	[sflag:s12] =	ssyncadd.s32 $0xFFFFFF80  }
0x24a: {  	_ =	swait.ge [sflag:s0], $0x4000  }
0x24b: {  	[sflag:s0] =	ssyncset.done $0x0  }
0x24c: {  	[sflag:s0] =	ssyncadd.s32 $0xFFFFC000  }
0x24d: {  	[spmem:s2] =	stream.indirect.scatter.add.f32 [tilespmem:s28], [sflag:$0xB], $0x80, s23, s20, $0xb8;
	[tilespmem:$0x1E780] =	vst v63  }
0x24e: {  	v1 =	vld [tilespmem:$0x300];
	_ =	sdelay $0x7  }
0x24f: {  	[tilespmem:v1+s17+$0x0] =	vst.idx.add.f32.msk $0xffff, v0  }
0x250: {  	v1 =	vld [tilespmem:$0x310];
	_ =	sdelay $0x7  }
0x251: {  	[tilespmem:v1+s17+$0x0] =	vst.idx.add.f32.msk $0xffff, v0  }
0x252: {  	v1 =	vld [tilespmem:$0x320];
	_ =	sdelay $0x7  }
0x253: {  	[tilespmem:v1+s17+$0x0] =	vst.idx.add.f32.msk $0xffff, v0  }
0x254: {  	v1 =	vld [tilespmem:$0x330];
	_ =	sdelay $0x7  }
0x255: {  	[tilespmem:v1+s17+$0x0] =	vst.idx.add.f32.msk $0xffff, v0  }
0x256: {  	v1 =	vld [tilespmem:$0x340];
	_ =	sdelay $0x7  }
0x257: {  	[tilespmem:v1+s17+$0x0] =	vst.idx.add.f32.msk $0xffff, v0  }
0x258: {  	v1 =	vld [tilespmem:$0x350];
	_ =	sdelay $0x7  }
0x259: {  	[tilespmem:v1+s17+$0x0] =	vst.idx.add.f32.msk $0xffff, v0  }
0x25a: {  	v1 =	vld [tilespmem:$0x360];
	_ =	sdelay $0x7  }
0x25b: {  	[tilespmem:v1+s17+$0x0] =	vst.idx.add.f32.msk $0xffff, v0  }
0x25c: {  	v1 =	vld [tilespmem:$0x370];
	_ =	sdelay $0x7  }
0x25d: {  	[tilespmem:v1+s17+$0x0] =	vst.idx.add.f32.msk $0xffff, v0  }
0x25e: {  	_ =	swait.ge [sflag:s6], $0x4000  }
0x25f: {  	[sflag:s6] =	ssyncset.done $0x0  }
0x260: {  	s16 =	rddreg [dreg:$0x10];
	[sflag:s6] =	ssyncadd.s32 $0xFFFFC000  }
0x261: {  	[tilespmem:s22], [sflag:$0x3] =	stream.linear.gather [hbm4b:s16+s15], $0x80, $0x38;
	[tilespmem:$0x1E780] =	vst v63  }
0x262: {  	s18 =	rddreg [dreg:$0x11]  }
0x263: {  	[tilespmem:s23], [sflag:$0x7] =	stream.linear.gather [hbm4b:s18+s15], $0x80, $0x38;
	[tilespmem:$0x1E780] =	vst v63  }
0x264: {  	_ =	swait.ge [sflag:s26], $0x80  }
0x265: {  	[sflag:s26] =	ssyncset.done $0x0  }
0x266: {  	[sflag:s26] =	ssyncadd.s32 $0xFFFFFF80  }
0x267: {  	[tilespmem:s28], [sflag:$0x9] =	stream.indirect.gather [hbm4b:s10+s20], $0x80, s15, s20, $0xb8;
	[tilespmem:$0x1E780] =	vst v63  }
0x268: {  	_ =	swait.ge [sflag:s13], $0x80  }
0x269: {  	[sflag:s13] =	ssyncset.done $0x0  }
0x26a: {  	[sflag:s13] =	ssyncadd.s32 $0xFFFFFF80  }
0x26b: {  	_ =	swait.ge [sflag:s9], $0x4000  }
0x26c: {  	[sflag:s9] =	ssyncset.done $0x0  }
0x26d: {  	[sflag:s9] =	ssyncadd.s32 $0xFFFFC000  }
0x26e: {  	[spmem:s2] =	stream.indirect.scatter.add.f32 [tilespmem:s30], [sflag:$0xC], $0x80, s25, s20, $0xb8;
	[tilespmem:$0x1E780] =	vst v63  }
0x26f: {  	v1 =	vld [tilespmem:$0x380];
	_ =	sdelay $0x7  }
0x270: {  	[tilespmem:v1+s17+$0x0] =	vst.idx.add.f32.msk $0xffff, v0  }
0x271: {  	v1 =	vld [tilespmem:$0x390];
	_ =	sdelay $0x7  }
0x272: {  	[tilespmem:v1+s17+$0x0] =	vst.idx.add.f32.msk $0xffff, v0  }
0x273: {  	v1 =	vld [tilespmem:$0x3A0];
	_ =	sdelay $0x7  }
0x274: {  	[tilespmem:v1+s17+$0x0] =	vst.idx.add.f32.msk $0xffff, v0  }
0x275: {  	v1 =	vld [tilespmem:$0x3B0];
	_ =	sdelay $0x7  }
0x276: {  	[tilespmem:v1+s17+$0x0] =	vst.idx.add.f32.msk $0xffff, v0  }
0x277: {  	v1 =	vld [tilespmem:$0x3C0];
	_ =	sdelay $0x7  }
0x278: {  	[tilespmem:v1+s17+$0x0] =	vst.idx.add.f32.msk $0xffff, v0  }
0x279: {  	v1 =	vld [tilespmem:$0x3D0];
	_ =	sdelay $0x7  }
0x27a: {  	[tilespmem:v1+s17+$0x0] =	vst.idx.add.f32.msk $0xffff, v0  }
0x27b: {  	v1 =	vld [tilespmem:$0x3E0];
	_ =	sdelay $0x7  }
0x27c: {  	[tilespmem:v1+s17+$0x0] =	vst.idx.add.f32.msk $0xffff, v0  }
0x27d: {  	v1 =	vld [tilespmem:$0x3F0];
	_ =	sdelay $0x7  }
0x27e: {  	[tilespmem:v1+s17+$0x0] =	vst.idx.add.f32.msk $0xffff, v0  }
0x27f: {  	_ =	swait.ge [sflag:s1], $0x4000  }
0x280: {  	[sflag:s1] =	ssyncset.done $0x0  }
0x281: {  	s16 =	rddreg [dreg:$0x12];
	[sflag:s1] =	ssyncadd.s32 $0xFFFFC000  }
0x282: {  	[tilespmem:s24], [sflag:$0x4] =	stream.linear.gather [hbm4b:s16+s15], $0x80, $0x38;
	[tilespmem:$0x1E780] =	vst v63  }
0x283: {  	s18 =	rddreg [dreg:$0x13]  }
0x284: {  	[tilespmem:s25], [sflag:$0x8] =	stream.linear.gather [hbm4b:s18+s15], $0x80, $0x38;
	[tilespmem:$0x1E780] =	vst v63  }
0x285: {  	_ =	swait.ge [sflag:s29], $0x80  }
0x286: {  	[sflag:s29] =	ssyncset.done $0x0  }
0x287: {  	[sflag:s29] =	ssyncadd.s32 $0xFFFFFF80  }
0x288: {  	[tilespmem:s30], [sflag:$0xA] =	stream.indirect.gather [hbm4b:s10+s20], $0x80, s20, s20, $0xb8;
	[tilespmem:$0x1E780] =	vst v63  }
.LBB2_3:
0x289: {  	_ =	swait.ge [sflag:s31], $0x80  }
0x28a: {  	[sflag:s31] =	ssyncset.done $0x0  }
0x28b: {  	[sflag:s31] =	ssyncadd.s32 $0xFFFFFF80  }
0x28c: {  	_ =	swait.ge [sflag:s0], $0x4000  }
0x28d: {  	[sflag:s0] =	ssyncset.done $0x0  }
0x28e: {  	[sflag:s0] =	ssyncadd.s32 $0xFFFFC000  }
0x28f: {  	[spmem:s2] =	stream.indirect.scatter.add.f32 [tilespmem:s28], [sflag:$0xB], $0x80, s19, s20, $0xb8;
	[tilespmem:$0x1E780] =	vst v63  }
0x290: {  	v1 =	vld [tilespmem:$0x200];
	_ =	sdelay $0x7  }
0x291: {  	[tilespmem:v1+s17+$0x0] =	vst.idx.add.f32.msk $0xffff, v0  }
0x292: {  	v1 =	vld [tilespmem:$0x210];
	_ =	sdelay $0x7  }
0x293: {  	[tilespmem:v1+s17+$0x0] =	vst.idx.add.f32.msk $0xffff, v0  }
0x294: {  	v1 =	vld [tilespmem:$0x220];
	_ =	sdelay $0x7  }
0x295: {  	[tilespmem:v1+s17+$0x0] =	vst.idx.add.f32.msk $0xffff, v0  }
0x296: {  	v1 =	vld [tilespmem:$0x230];
	_ =	sdelay $0x7  }
0x297: {  	[tilespmem:v1+s17+$0x0] =	vst.idx.add.f32.msk $0xffff, v0  }
0x298: {  	v1 =	vld [tilespmem:$0x240];
	_ =	sdelay $0x7  }
0x299: {  	[tilespmem:v1+s17+$0x0] =	vst.idx.add.f32.msk $0xffff, v0  }
0x29a: {  	v1 =	vld [tilespmem:$0x250];
	_ =	sdelay $0x7  }
0x29b: {  	[tilespmem:v1+s17+$0x0] =	vst.idx.add.f32.msk $0xffff, v0  }
0x29c: {  	v1 =	vld [tilespmem:$0x260];
	_ =	sdelay $0x7  }
0x29d: {  	[tilespmem:v1+s17+$0x0] =	vst.idx.add.f32.msk $0xffff, v0  }
0x29e: {  	v1 =	vld [tilespmem:$0x270];
	_ =	sdelay $0x7  }
0x29f: {  	[tilespmem:v1+s17+$0x0] =	vst.idx.add.f32.msk $0xffff, v0  }
0x2a0: {  	_ =	swait.ge [sflag:s6], $0x4000  }
0x2a1: {  	s16 =	sadd.s32 s15, s4;
	[sflag:s6] =	ssyncset.done $0x0  }
0x2a2: {  	s18 =	sadd.s32 $0x80, s16;
	[sflag:s6] =	ssyncadd.s32 $0xFFFFC000  }
0x2a3: {  	[tilespmem:s3], [sflag:$0x1] =	stream.linear.gather [hbm4b:s18+s3], $0x80, $0x38;
	[tilespmem:$0x1E780] =	vst v63  }
0x2a4: {  	s18 =	sadd.s32 s15, s5  }
0x2a5: {  	s14 =	sadd.s32 $0x80, s18  }
0x2a6: {  	[tilespmem:s19], [sflag:$0x5] =	stream.linear.gather [hbm4b:s14+s3], $0x80, $0x38;
	[tilespmem:$0x1E780] =	vst v63  }
0x2a7: {  	_ =	swait.ge [sflag:s7], $0x80  }
0x2a8: {  	[sflag:s7] =	ssyncset.done $0x0  }
0x2a9: {  	[sflag:s7] =	ssyncadd.s32 $0xFFFFFF80  }
0x2aa: {  	[tilespmem:s28], [sflag:$0x9] =	stream.indirect.gather [hbm4b:s10+s20], $0x80, s22, s20, $0xb8;
	[tilespmem:$0x1E780] =	vst v63  }
0x2ab: {  	_ =	swait.ge [sflag:s8], $0x80  }
0x2ac: {  	[sflag:s8] =	ssyncset.done $0x0  }
0x2ad: {  	[sflag:s8] =	ssyncadd.s32 $0xFFFFFF80  }
0x2ae: {  	_ =	swait.ge [sflag:s9], $0x4000  }
0x2af: {  	[sflag:s9] =	ssyncset.done $0x0  }
0x2b0: {  	[sflag:s9] =	ssyncadd.s32 $0xFFFFC000  }
0x2b1: {  	[spmem:s2] =	stream.indirect.scatter.add.f32 [tilespmem:s30], [sflag:$0xC], $0x80, s21, s20, $0xb8;
	[tilespmem:$0x1E780] =	vst v63  }
0x2b2: {  	v1 =	vld [tilespmem:$0x280];
	_ =	sdelay $0x7  }
0x2b3: {  	[tilespmem:v1+s17+$0x0] =	vst.idx.add.f32.msk $0xffff, v0  }
0x2b4: {  	v1 =	vld [tilespmem:$0x290];
	_ =	sdelay $0x7  }
0x2b5: {  	[tilespmem:v1+s17+$0x0] =	vst.idx.add.f32.msk $0xffff, v0  }
0x2b6: {  	v1 =	vld [tilespmem:$0x2A0];
	_ =	sdelay $0x7  }
0x2b7: {  	[tilespmem:v1+s17+$0x0] =	vst.idx.add.f32.msk $0xffff, v0  }
0x2b8: {  	v1 =	vld [tilespmem:$0x2B0];
	_ =	sdelay $0x7  }
0x2b9: {  	[tilespmem:v1+s17+$0x0] =	vst.idx.add.f32.msk $0xffff, v0  }
0x2ba: {  	v1 =	vld [tilespmem:$0x2C0];
	_ =	sdelay $0x7  }
0x2bb: {  	[tilespmem:v1+s17+$0x0] =	vst.idx.add.f32.msk $0xffff, v0  }
0x2bc: {  	v1 =	vld [tilespmem:$0x2D0];
	_ =	sdelay $0x7  }
0x2bd: {  	[tilespmem:v1+s17+$0x0] =	vst.idx.add.f32.msk $0xffff, v0  }
0x2be: {  	v1 =	vld [tilespmem:$0x2E0];
	_ =	sdelay $0x7  }
0x2bf: {  	[tilespmem:v1+s17+$0x0] =	vst.idx.add.f32.msk $0xffff, v0  }
0x2c0: {  	v1 =	vld [tilespmem:$0x2F0];
	_ =	sdelay $0x7  }
0x2c1: {  	[tilespmem:v1+s17+$0x0] =	vst.idx.add.f32.msk $0xffff, v0  }
0x2c2: {  	_ =	swait.ge [sflag:s1], $0x4000  }
0x2c3: {  	[sflag:s1] =	ssyncset.done $0x0  }
0x2c4: {  	s14 =	sadd.s32 $0x90, s16;
	[sflag:s1] =	ssyncadd.s32 $0xFFFFC000  }
0x2c5: {  	[tilespmem:s20], [sflag:$0x2] =	stream.linear.gather [hbm4b:s14+s3], $0x80, $0x38;
	[tilespmem:$0x1E780] =	vst v63  }
0x2c6: {  	s14 =	sadd.s32 $0x90, s18  }
0x2c7: {  	[tilespmem:s21], [sflag:$0x6] =	stream.linear.gather [hbm4b:s14+s3], $0x80, $0x38;
	[tilespmem:$0x1E780] =	vst v63  }
0x2c8: {  	_ =	swait.ge [sflag:s11], $0x80  }
0x2c9: {  	[sflag:s11] =	ssyncset.done $0x0  }
0x2ca: {  	[sflag:s11] =	ssyncadd.s32 $0xFFFFFF80  }
0x2cb: {  	[tilespmem:s30], [sflag:$0xA] =	stream.indirect.gather [hbm4b:s10+s20], $0x80, s24, s20, $0xb8;
	[tilespmem:$0x1E780] =	vst v63  }
0x2cc: {  	_ =	swait.ge [sflag:s12], $0x80  }
0x2cd: {  	[sflag:s12] =	ssyncset.done $0x0  }
0x2ce: {  	[sflag:s12] =	ssyncadd.s32 $0xFFFFFF80  }
0x2cf: {  	_ =	swait.ge [sflag:s0], $0x4000  }
0x2d0: {  	[sflag:s0] =	ssyncset.done $0x0  }
0x2d1: {  	[sflag:s0] =	ssyncadd.s32 $0xFFFFC000  }
0x2d2: {  	[spmem:s2] =	stream.indirect.scatter.add.f32 [tilespmem:s28], [sflag:$0xB], $0x80, s23, s20, $0xb8;
	[tilespmem:$0x1E780] =	vst v63  }
0x2d3: {  	v1 =	vld [tilespmem:$0x300];
	_ =	sdelay $0x7  }
0x2d4: {  	[tilespmem:v1+s17+$0x0] =	vst.idx.add.f32.msk $0xffff, v0  }
0x2d5: {  	v1 =	vld [tilespmem:$0x310];
	_ =	sdelay $0x7  }
0x2d6: {  	[tilespmem:v1+s17+$0x0] =	vst.idx.add.f32.msk $0xffff, v0  }
0x2d7: {  	v1 =	vld [tilespmem:$0x320];
	_ =	sdelay $0x7  }
0x2d8: {  	[tilespmem:v1+s17+$0x0] =	vst.idx.add.f32.msk $0xffff, v0  }
0x2d9: {  	v1 =	vld [tilespmem:$0x330];
	_ =	sdelay $0x7  }
0x2da: {  	[tilespmem:v1+s17+$0x0] =	vst.idx.add.f32.msk $0xffff, v0  }
0x2db: {  	v1 =	vld [tilespmem:$0x340];
	_ =	sdelay $0x7  }
0x2dc: {  	[tilespmem:v1+s17+$0x0] =	vst.idx.add.f32.msk $0xffff, v0  }
0x2dd: {  	v1 =	vld [tilespmem:$0x350];
	_ =	sdelay $0x7  }
0x2de: {  	[tilespmem:v1+s17+$0x0] =	vst.idx.add.f32.msk $0xffff, v0  }
0x2df: {  	v1 =	vld [tilespmem:$0x360];
	_ =	sdelay $0x7  }
0x2e0: {  	[tilespmem:v1+s17+$0x0] =	vst.idx.add.f32.msk $0xffff, v0  }
0x2e1: {  	v1 =	vld [tilespmem:$0x370];
	_ =	sdelay $0x7  }
0x2e2: {  	[tilespmem:v1+s17+$0x0] =	vst.idx.add.f32.msk $0xffff, v0  }
0x2e3: {  	_ =	swait.ge [sflag:s6], $0x4000  }
0x2e4: {  	[sflag:s6] =	ssyncset.done $0x0  }
0x2e5: {  	s14 =	sadd.s32 $0xA0, s16;
	[sflag:s6] =	ssyncadd.s32 $0xFFFFC000  }
0x2e6: {  	[tilespmem:s22], [sflag:$0x3] =	stream.linear.gather [hbm4b:s14+s3], $0x80, $0x38;
	[tilespmem:$0x1E780] =	vst v63  }
0x2e7: {  	s14 =	sadd.s32 $0xA0, s18  }
0x2e8: {  	[tilespmem:s23], [sflag:$0x7] =	stream.linear.gather [hbm4b:s14+s3], $0x80, $0x38;
	[tilespmem:$0x1E780] =	vst v63  }
0x2e9: {  	_ =	swait.ge [sflag:s26], $0x80  }
0x2ea: {  	[sflag:s26] =	ssyncset.done $0x0  }
0x2eb: {  	[sflag:s26] =	ssyncadd.s32 $0xFFFFFF80  }
0x2ec: {  	[tilespmem:s28], [sflag:$0x9] =	stream.indirect.gather [hbm4b:s10+s20], $0x80, s3, s20, $0xb8;
	[tilespmem:$0x1E780] =	vst v63  }
0x2ed: {  	_ =	swait.ge [sflag:s13], $0x80  }
0x2ee: {  	[sflag:s13] =	ssyncset.done $0x0  }
0x2ef: {  	[sflag:s13] =	ssyncadd.s32 $0xFFFFFF80  }
0x2f0: {  	_ =	swait.ge [sflag:s9], $0x4000  }
0x2f1: {  	[sflag:s9] =	ssyncset.done $0x0  }
0x2f2: {  	[sflag:s9] =	ssyncadd.s32 $0xFFFFC000  }
0x2f3: {  	[spmem:s2] =	stream.indirect.scatter.add.f32 [tilespmem:s30], [sflag:$0xC], $0x80, s25, s20, $0xb8;
	[tilespmem:$0x1E780] =	vst v63  }
0x2f4: {  	v1 =	vld [tilespmem:$0x380];
	_ =	sdelay $0x7  }
0x2f5: {  	[tilespmem:v1+s17+$0x0] =	vst.idx.add.f32.msk $0xffff, v0  }
0x2f6: {  	v1 =	vld [tilespmem:$0x390];
	_ =	sdelay $0x7  }
0x2f7: {  	[tilespmem:v1+s17+$0x0] =	vst.idx.add.f32.msk $0xffff, v0  }
0x2f8: {  	v1 =	vld [tilespmem:$0x3A0];
	_ =	sdelay $0x7  }
0x2f9: {  	[tilespmem:v1+s17+$0x0] =	vst.idx.add.f32.msk $0xffff, v0  }
0x2fa: {  	v1 =	vld [tilespmem:$0x3B0];
	_ =	sdelay $0x7  }
0x2fb: {  	[tilespmem:v1+s17+$0x0] =	vst.idx.add.f32.msk $0xffff, v0  }
0x2fc: {  	v1 =	vld [tilespmem:$0x3C0];
	_ =	sdelay $0x7  }
0x2fd: {  	[tilespmem:v1+s17+$0x0] =	vst.idx.add.f32.msk $0xffff, v0  }
0x2fe: {  	v1 =	vld [tilespmem:$0x3D0];
	_ =	sdelay $0x7  }
0x2ff: {  	[tilespmem:v1+s17+$0x0] =	vst.idx.add.f32.msk $0xffff, v0  }
0x300: {  	v1 =	vld [tilespmem:$0x3E0];
	_ =	sdelay $0x7  }
0x301: {  	[tilespmem:v1+s17+$0x0] =	vst.idx.add.f32.msk $0xffff, v0  }
0x302: {  	v1 =	vld [tilespmem:$0x3F0];
	_ =	sdelay $0x7  }
0x303: {  	[tilespmem:v1+s17+$0x0] =	vst.idx.add.f32.msk $0xffff, v0  }
0x304: {  	_ =	swait.ge [sflag:s1], $0x4000  }
0x305: {  	[sflag:s1] =	ssyncset.done $0x0  }
0x306: {  	s16 =	sadd.s32 $0xB0, s16;
	[sflag:s1] =	ssyncadd.s32 $0xFFFFC000  }
0x307: {  	[tilespmem:s24], [sflag:$0x4] =	stream.linear.gather [hbm4b:s16+s3], $0x80, $0x38;
	[tilespmem:$0x1E780] =	vst v63  }
0x308: {  	p1 =	seq.s32 s15, $0x6C0;
	s18 =	sadd.s32 $0xB0, s18  }
0x309: {  	[tilespmem:s25], [sflag:$0x8] =	stream.linear.gather [hbm4b:s18+s3], $0x80, $0x38;
	[tilespmem:$0x1E780] =	vst v63  }
.Ltmp5:
0x30a: {  	_ = 	snop;
	(pc) =	sbr.rel @!p1 .LBB2_3-.Ltmp5, $4  }
0x30b: {  	_ =	swait.ge [sflag:s29], $0x80  }
0x30c: {  	[sflag:s29] =	ssyncset.done $0x0  }
0x30d: {  	s15 =	sadd.s32 $0x40, s15;
	[sflag:s29] =	ssyncadd.s32 $0xFFFFFF80  }
0x30e: {  	[tilespmem:s30], [sflag:$0xA] =	stream.indirect.gather [hbm4b:s10+s20], $0x80, s20, s20, $0xb8;
	[tilespmem:$0x1E780] =	vst v63  }
.Ltmp6:
0x30f: {  	_ = 	snop;
	(pc) =	sbr.rel .LBB2_6-.Ltmp6, $1  }
0x310: {  	_ =	sdelay $0x3  }
.LBB2_7:
0x311: {  	_ =	sfence.sel $0x180000  }
0x312: {  	[bflag:$0x0] =	sbarrier.arrive $0xFFFF  }
0x313: {  	_ =	strace $0x90000047  }
0x314: {  	s0 =	stileid.u32;
	[bflag:$0x2] =	sbarrier.arrive $0xFFFF  }
0x315: {  	p0 =	sne.s32 s0, $0x0;
	s0 =	rddreg [dreg:$0x3]  }
0x316: {  	s0 =	sadd.s32 @!p0 $0x100000, s0  }
0x317: {  	[sflag:s0] =	ssyncadd.tile.s32 @!p0 $0x1;
	_ =	shalt  }
.Lfunc_end2:
_tile_overlayer_lowered:
.L_overlay_start_2:
0x318: {  	(tag) =	ssettag $0x2  }
0x319: {  	s0 =	rddreg [dreg:$0x0];
	s2 =	stileid.u32  }
0x31a: {  	s1 =	rddreg [dreg:$0x1];
	p0 =	sne.s32 s2, $0x0  }
0x31b: {  	s3 =	rddreg [dreg:$0x2];
	[bflag:$0x3] =	sbarrier.arrive $0xFFFF;
	s2 =	simm.s32 @!p0 $0x1C0D  }
0x31c: {  	[timem:s3], [sflag:s2] =	dma.local @!p0 [hbm:s0], s1  }
0x31d: {  	s0 =	simm.s32 @!p0 $0xD  }
0x31e: {  	_ =	swait.ge @!p0 [sflag:s0], s1  }
0x31f: {  	s1 =	ssub.s32 @!p0 $0x0, s1;
	[sflag:s0] =	ssyncset.done @!p0 $0x0  }
0x320: {  	[sflag:s0] =	ssyncadd.s32 @!p0 s1  }
0x321: {  	[bflag:$0x3] =	sbarrier.arrive $0xFFFF  }
0x322: {  	_ =	shalt  }

</sc_bundles>
